<compile_context>
chip_gen: v7x
topology: tpu7x:2x2x1
jax: 0.10.2.dev20260603
libtpu: 0.0.44.dev20260713+nightly
codegen_flags: <defaults>
</compile_context>

<pallas_src>
import functools

import jax
import jax.numpy as jnp
from jax import lax
from jax.experimental import pallas as pl
from jax.experimental.pallas import tpu as pltpu
from jax.experimental.pallas import tpu_sc as plsc

STEPS_ = 5
MT = 512
BF = jnp.bfloat16
F32 = jnp.float32

_NC, _NS, _L = 2, 16, 16
_NW = _NC * _NS


def _match_body(st_ref, gt_ref, r_ref, t_ref, idx_ref, tt_ref, apply_tf):
    st = st_ref[0]
    gt = gt_ref[0]
    N = st.shape[1]
    M = gt.shape[1]

    if apply_tf:
        R = r_ref[0]
        tv = t_ref[0]
        tt = lax.dot_general(R.astype(BF), st.astype(BF),
                             (((1,), (0,)), ((), ())),
                             preferred_element_type=F32)
        tt = tt + tv.reshape(3, 1)
    else:
        tt = st

    ttb = tt.astype(BF)
    gtb = gt.astype(BF)
    s2 = tt[0] * tt[0] + tt[1] * tt[1] + tt[2] * tt[2]
    t2 = gt[0] * gt[0] + gt[1] * gt[1] + gt[2] * gt[2]

    run_min = jnp.full((N,), jnp.inf, F32)
    run_idx = jnp.zeros((N,), jnp.int32)
    for j in range(M // MT):
        prod = lax.dot_general(ttb, gtb[:, j * MT:(j + 1) * MT],
                               (((0,), (0,)), ((), ())),
                               preferred_element_type=F32)
        d2 = s2[:, None] + t2[j * MT:(j + 1) * MT][None, :] - 2.0 * prod
        tmin = jnp.min(d2, axis=1)
        targ = jnp.argmin(d2, axis=1).astype(jnp.int32) + j * MT
        better = tmin < run_min
        run_min = jnp.where(better, tmin, run_min)
        run_idx = jnp.where(better, targ, run_idx)

    idx_ref[0, 0] = run_idx + pl.program_id(0) * M
    tt_ref[0] = tt


def _match_call(st, gt, Rp, tp, apply_tf):
    B, _, N = st.shape
    M = gt.shape[2]
    return pl.pallas_call(
        functools.partial(_match_body, apply_tf=apply_tf),
        grid=(B,),
        in_specs=[
            pl.BlockSpec((1, 3, N), lambda i: (i, 0, 0)),
            pl.BlockSpec((1, 3, M), lambda i: (i, 0, 0)),
            pl.BlockSpec((1, 3, 3), lambda i: (i, 0, 0)),
            pl.BlockSpec((1, 1, 3), lambda i: (i, 0, 0)),
        ],
        out_specs=[
            pl.BlockSpec((1, 1, N), lambda i: (i, 0, 0)),
            pl.BlockSpec((1, 3, N), lambda i: (i, 0, 0)),
        ],
        out_shape=[
            jax.ShapeDtypeStruct((B, 1, N), jnp.int32),
            jax.ShapeDtypeStruct((B, 3, N), F32),
        ],
        compiler_params=pltpu.CompilerParams(
            dimension_semantics=("arbitrary",),
        ),
    )(st, gt, Rp, tp)


_GI = 128


def _make_sc_gather(B, N, M):
    chunk = (B * N) // _NW
    ng = chunk // _GI
    mesh = plsc.VectorSubcoreMesh(core_axis_name="c", subcore_axis_name="s",
                                  num_cores=_NC, num_subcores=_NS)

    @functools.partial(
        pl.kernel, mesh=mesh,
        out_type=jax.ShapeDtypeStruct((B * N, 16), F32),
        compiler_params=pltpu.CompilerParams(use_tc_tiling_on_sc=False),
        scratch_types=[
            pltpu.VMEM((ng, _GI), jnp.int32),
            pltpu.VMEM((chunk, 16), F32),
            pltpu.SemaphoreType.DMA,
        ],
    )
    def _sc_gather(tab_hbm, idx_hbm, out_hbm, idx_v, rows_v, sem):
        wid = lax.axis_index("s") * _NC + lax.axis_index("c")
        base = wid * chunk
        for g in range(ng):
            pltpu.sync_copy(idx_hbm.at[pl.ds(base + g * _GI, _GI)],
                            idx_v.at[g])
        for g in range(ng):
            pltpu.async_copy(tab_hbm.at[idx_v.at[g]],
                             rows_v.at[pl.ds(g * _GI, _GI)], sem).wait()
        pltpu.sync_copy(rows_v, out_hbm.at[pl.ds(base, chunk)])

    return _sc_gather


def _reduce_body(tt_ref, kk_ref, h_ref, cs_ref, ct_ref):
    tt = tt_ref[0]
    kk = kk_ref[0][:, 0:3]
    N = tt.shape[1]
    cs = jnp.sum(tt, axis=1) / F32(N)
    ct = jnp.sum(kk, axis=0) / F32(N)
    scb = (tt - cs[:, None]).astype(BF)
    tcb = (kk - ct[None, :]).astype(BF)
    H = lax.dot_general(scb, tcb, (((1,), (0,)), ((), ())),
                        preferred_element_type=F32)
    h_ref[0] = H
    cs_ref[0, 0] = cs
    ct_ref[0, 0] = ct


def _reduce_call(tt, kk):
    B, _, N = tt.shape
    return pl.pallas_call(
        _reduce_body,
        grid=(B,),
        in_specs=[
            pl.BlockSpec((1, 3, N), lambda i: (i, 0, 0)),
            pl.BlockSpec((1, N, 16), lambda i: (i, 0, 0)),
        ],
        out_specs=[
            pl.BlockSpec((1, 3, 3), lambda i: (i, 0, 0)),
            pl.BlockSpec((1, 1, 3), lambda i: (i, 0, 0)),
            pl.BlockSpec((1, 1, 3), lambda i: (i, 0, 0)),
        ],
        out_shape=[
            jax.ShapeDtypeStruct((B, 3, 3), F32),
            jax.ShapeDtypeStruct((B, 1, 3), F32),
            jax.ShapeDtypeStruct((B, 1, 3), F32),
        ],
        compiler_params=pltpu.CompilerParams(
            dimension_semantics=("arbitrary",),
        ),
    )(tt, kk)


def _final_body(st0_ref, st_ref, r_ref, t_ref, h_ref, cs_ref, ct_ref):
    st0 = st0_ref[0]
    st = st_ref[0]
    R = r_ref[0]
    tv = t_ref[0]
    N = st.shape[1]

    tt = lax.dot_general(R.astype(BF), st.astype(BF),
                         (((1,), (0,)), ((), ())),
                         preferred_element_type=F32)
    tt = tt + tv.reshape(3, 1)

    cs = jnp.sum(st0, axis=1) / F32(N)
    ct = jnp.sum(tt, axis=1) / F32(N)
    scb = (st0 - cs[:, None]).astype(BF)
    tcb = (tt - ct[:, None]).astype(BF)
    H = lax.dot_general(scb, tcb, (((1,), (1,)), ((), ())),
                        preferred_element_type=F32)
    h_ref[0] = H
    cs_ref[0, 0] = cs
    ct_ref[0, 0] = ct


def _final_call(st0, st, Rp, tp):
    B, _, N = st.shape
    return pl.pallas_call(
        _final_body,
        grid=(B,),
        in_specs=[
            pl.BlockSpec((1, 3, N), lambda i: (i, 0, 0)),
            pl.BlockSpec((1, 3, N), lambda i: (i, 0, 0)),
            pl.BlockSpec((1, 3, 3), lambda i: (i, 0, 0)),
            pl.BlockSpec((1, 1, 3), lambda i: (i, 0, 0)),
        ],
        out_specs=[
            pl.BlockSpec((1, 3, 3), lambda i: (i, 0, 0)),
            pl.BlockSpec((1, 1, 3), lambda i: (i, 0, 0)),
            pl.BlockSpec((1, 1, 3), lambda i: (i, 0, 0)),
        ],
        out_shape=[
            jax.ShapeDtypeStruct((B, 3, 3), F32),
            jax.ShapeDtypeStruct((B, 1, 3), F32),
            jax.ShapeDtypeStruct((B, 1, 3), F32),
        ],
        compiler_params=pltpu.CompilerParams(
            dimension_semantics=("arbitrary",),
        ),
    )(st0, st, Rp, tp)


def _inv_t(X):
    a, b, c = X[..., 0, 0], X[..., 0, 1], X[..., 0, 2]
    d, e, f = X[..., 1, 0], X[..., 1, 1], X[..., 1, 2]
    g, h, i = X[..., 2, 0], X[..., 2, 1], X[..., 2, 2]
    c00 = e * i - f * h
    c01 = f * g - d * i
    c02 = d * h - e * g
    c10 = c * h - b * i
    c11 = a * i - c * g
    c12 = b * g - a * h
    c20 = b * f - c * e
    c21 = c * d - a * f
    c22 = a * e - b * d
    det = a * c00 + b * c01 + c * c02
    r0 = jnp.stack([c00, c01, c02], axis=-1)
    r1 = jnp.stack([c10, c11, c12], axis=-1)
    r2 = jnp.stack([c20, c21, c22], axis=-1)
    return jnp.stack([r0, r1, r2], axis=-2) / det[..., None, None]


def _svd_rt(H, cs, ct):
    nf = jnp.sqrt(jnp.sum(H * H, axis=(-2, -1), keepdims=True))
    X = H / nf
    for _ in range(9):
        X = 0.5 * (X + _inv_t(X))
    R = jnp.swapaxes(X, -1, -2)
    t = ct - jnp.einsum('...ij,...j->...i', R, cs)
    return R, t


def kernel(source, target):
    B, N, _ = source.shape
    M = N
    st0 = jnp.swapaxes(source, 1, 2)
    gt = jnp.swapaxes(target, 1, 2)
    tab = jnp.concatenate(
        [target, jnp.zeros((B, M, 13), F32)], axis=-1).reshape(B * M, 16)
    sc_gather = _make_sc_gather(B, N, M)

    tt = st0
    Rp = jnp.broadcast_to(jnp.eye(3, dtype=F32), (B, 3, 3))
    tp = jnp.zeros((B, 1, 3), F32)
    for step in range(STEPS_):
        idx, tt = _match_call(tt, gt, Rp, tp, apply_tf=(step > 0))
        kk = sc_gather(tab, idx.reshape(B * N))
        H, cs, ct = _reduce_call(tt, kk.reshape(B, N, 16))
        Rp, t = _svd_rt(H, cs[:, 0, :], ct[:, 0, :])
        tp = t[:, None, :]
    H, cs, ct = _final_call(st0, tt, Rp, tp)
    R, t = _svd_rt(H, cs[:, 0, :], ct[:, 0, :])
    return jnp.concatenate([R, t[..., None]], axis=-1)

# --- scband reference (transcript-rebuilt; emitter-appended) ---
"""Pipeline reference for scband-icp-15839839387875 (READ-ONLY COPY).

The authoritative reference and input builder live on the scoring server;
editing this copy changes nothing except your own understanding.
"""

import jax, jax.numpy as jnp
import numpy as np

STEPS = 5


def _nn_idx(src, tgt):
    # argmin over squared Euclidean distance; sqrt is monotonic so the
    # argmin matches the ord=2 norm used by the torch knn.
    s2 = jnp.sum(src * src, axis=-1)
    t2 = jnp.sum(tgt * tgt, axis=-1)
    d2 = s2[..., :, None] + t2[..., None, :] - 2.0 * jnp.einsum('...id,...jd->...ij', src, tgt)
    return jnp.argmin(d2, axis=-1)


def _svdtf(src, tgt):
    # Kabsch / SVD rigid transform from matched point pairs (same math as pypose.svdtf).
    cs = jnp.mean(src, axis=-2, keepdims=True)
    ct = jnp.mean(tgt, axis=-2, keepdims=True)
    Sc = src - cs
    Tc = tgt - ct
    H = jnp.einsum('...ni,...nj->...ij', Sc, Tc)
    U, S, Vt = jnp.linalg.svd(H, full_matrices=False)
    V = jnp.swapaxes(Vt, -1, -2)
    Ut = jnp.swapaxes(U, -1, -2)
    det = jnp.linalg.det(jnp.matmul(V, Ut))
    diag = jnp.concatenate([jnp.ones(det.shape + (2,), det.dtype), det[..., None]], axis=-1)
    R = jnp.einsum('...ij,...j,...jk->...ik', V, diag, Ut)
    t = ct[..., 0, :] - jnp.einsum('...ij,...j->...i', R, cs[..., 0, :])
    return R, t


def _icp(source, target, steps=STEPS):
    temporal = source
    for _ in range(steps):
        idx = _nn_idx(temporal, target)
        knntgt = jnp.take_along_axis(target, idx[..., None], axis=-2)
        R, t = _svdtf(temporal, knntgt)
        temporal = jnp.einsum('...ij,...nj->...ni', R, temporal) + t[..., None, :]
    R, t = _svdtf(source, temporal)
    # return the estimated rigid transform as a [..., 3, 4] matrix [R | t]
    return jnp.concatenate([R, t[..., None]], axis=-1)


def setup_inputs(seed: int = 0) -> dict:
    key = jax.random.key(seed)
    k1, k2 = jax.random.split(key)
    source = jax.random.normal(k1, (8, 2048, 3), dtype=jnp.float32)
    target = jax.random.normal(k2, (8, 2048, 3), dtype=jnp.float32)
    return {"source": source, "target": target}


def reference(source, target):
    return _icp(source, target)

if __name__ == "__main__":
    import jax
    _d = setup_inputs()
    print(jax.jit(kernel)(*tuple(_d.values())))

</pallas_src>

<mosaic_0001>
#map = affine_map<(d0, d1) -> (0, 0)>
#map1 = affine_map<(d0, d1) -> (0)>
module attributes {stable_mosaic.version = 14 : i64} {
  func.func @_sc_gather(%arg0: i32, %arg1: i32, %arg2: memref<16384x16xf32, #tpu.memory_space<hbm>>, %arg3: memref<16384xi32, #tpu.memory_space<hbm>>, %arg4: memref<16384x16xf32, #tpu.memory_space<hbm>>, %arg5: memref<4x128xi32, #tpu.memory_space<vmem>>, %arg6: memref<512x16xf32, #tpu.memory_space<vmem>>, %arg7: memref<!tpu.dma_semaphore, #tpu.memory_space<semaphore_mem>>) attributes {dimension_semantics = [#tpu.dimension_semantics<core_parallel>, #tpu.dimension_semantics<subcore_parallel>], iteration_bounds = array<i64: 2, 16>, scalar_prefetch = 0 : i64, scratch_operands = 3 : i64, tpu.core_type = #tpu.core_type<sc_vector_subcore>, window_params = [{transform_indices = #map}, {transform_indices = #map1}, {transform_indices = #map}]} {
    %mul3A = arith.constant 2 : i32
    %mul3A_0 = arith.muli %arg1, %mul3A : i32
    %add3A = arith.addi %mul3A_0, %arg0 : i32
    %mul3A_1 = arith.constant 512 : i32
    %mul3A_2 = arith.muli %add3A, %mul3A_1 : i32
    %add3A_3 = arith.constant 0 : i32
    %add3A_4 = arith.addi %mul3A_2, %add3A_3 : i32
    %run_scoped3A = arith.constant 0 : i32
    "tpu.region"() ({
      %run_scoped3A_92 = tpu.sem_alloc : memref<!tpu.dma_semaphore, #tpu.memory_space<semaphore_mem>>
      %dma_start3A_93 = arith.constant 0 : i32
      %dma_start3A_94 = tpu.memref_slice %arg5[%run_scoped3A, %dma_start3A_93] : memref<4x128xi32, #tpu.memory_space<vmem>> -> memref<1x128xi32, #tpu.memory_space<vmem>>
      %dma_start3A_95 = tpu.memref_squeeze %dma_start3A_94 : memref<1x128xi32, #tpu.memory_space<vmem>> -> memref<128xi32, #tpu.memory_space<vmem>>
      %dma_start3A_96 = tpu.memref_slice %arg3[%add3A_4] : memref<16384xi32, #tpu.memory_space<hbm>> -> memref<128xi32, #tpu.memory_space<hbm>>
      %dma_start3A_97 = arith.constant 0 : i32
      %dma_start3A_98 = tpu.memref_slice %arg5[%run_scoped3A, %dma_start3A_97] : memref<4x128xi32, #tpu.memory_space<vmem>> -> memref<1x128xi32, #tpu.memory_space<vmem>>
      %dma_start3A_99 = tpu.memref_squeeze %dma_start3A_98 : memref<1x128xi32, #tpu.memory_space<vmem>> -> memref<128xi32, #tpu.memory_space<vmem>>
      %dma_start3A_100 = tpu.memref_slice %arg3[%add3A_4] : memref<16384xi32, #tpu.memory_space<hbm>> -> memref<128xi32, #tpu.memory_space<hbm>>
      tpu.enqueue_dma source(%dma_start3A_100 : memref<128xi32, #tpu.memory_space<hbm>>) target(%dma_start3A_99 : memref<128xi32, #tpu.memory_space<vmem>>) target_semaphore(%run_scoped3A_92 : memref<!tpu.dma_semaphore, #tpu.memory_space<semaphore_mem>>)
      %dma_wait3A_101 = arith.constant 0 : i32
      %dma_wait3A_102 = tpu.memref_slice %arg5[%run_scoped3A, %dma_wait3A_101] : memref<4x128xi32, #tpu.memory_space<vmem>> -> memref<1x128xi32, #tpu.memory_space<vmem>>
      %dma_wait3A_103 = tpu.memref_squeeze %dma_wait3A_102 : memref<1x128xi32, #tpu.memory_space<vmem>> -> memref<128xi32, #tpu.memory_space<vmem>>
      %dma_wait3A_104 = tpu.memref_slice %arg3[%add3A_4] : memref<16384xi32, #tpu.memory_space<hbm>> -> memref<128xi32, #tpu.memory_space<hbm>>
      %dma_wait3A_105 = arith.constant 0 : i32
      %dma_wait3A_106 = tpu.memref_slice %arg5[%run_scoped3A, %dma_wait3A_105] : memref<4x128xi32, #tpu.memory_space<vmem>> -> memref<1x128xi32, #tpu.memory_space<vmem>>
      %dma_wait3A_107 = tpu.memref_squeeze %dma_wait3A_106 : memref<1x128xi32, #tpu.memory_space<vmem>> -> memref<128xi32, #tpu.memory_space<vmem>>
      %dma_wait3A_108 = tpu.memref_slice %arg3[%add3A_4] : memref<16384xi32, #tpu.memory_space<hbm>> -> memref<128xi32, #tpu.memory_space<hbm>>
      tpu.wait_dma2 semaphore(%run_scoped3A_92 : memref<!tpu.dma_semaphore, #tpu.memory_space<semaphore_mem>>) src(%dma_wait3A_108 : memref<128xi32, #tpu.memory_space<hbm>>) dst(%dma_wait3A_107 : memref<128xi32, #tpu.memory_space<vmem>>)
      tpu.yield
    }) : () -> ()
    %add3A_5 = arith.constant 128 : i32
    %add3A_6 = arith.addi %mul3A_2, %add3A_5 : i32
    %run_scoped3A_7 = arith.constant 1 : i32
    "tpu.region"() ({
      %run_scoped3A_92 = tpu.sem_alloc : memref<!tpu.dma_semaphore, #tpu.memory_space<semaphore_mem>>
      %dma_start3A_93 = arith.constant 0 : i32
      %dma_start3A_94 = tpu.memref_slice %arg5[%run_scoped3A_7, %dma_start3A_93] : memref<4x128xi32, #tpu.memory_space<vmem>> -> memref<1x128xi32, #tpu.memory_space<vmem>>
      %dma_start3A_95 = tpu.memref_squeeze %dma_start3A_94 : memref<1x128xi32, #tpu.memory_space<vmem>> -> memref<128xi32, #tpu.memory_space<vmem>>
      %dma_start3A_96 = tpu.memref_slice %arg3[%add3A_6] : memref<16384xi32, #tpu.memory_space<hbm>> -> memref<128xi32, #tpu.memory_space<hbm>>
      %dma_start3A_97 = arith.constant 0 : i32
      %dma_start3A_98 = tpu.memref_slice %arg5[%run_scoped3A_7, %dma_start3A_97] : memref<4x128xi32, #tpu.memory_space<vmem>> -> memref<1x128xi32, #tpu.memory_space<vmem>>
      %dma_start3A_99 = tpu.memref_squeeze %dma_start3A_98 : memref<1x128xi32, #tpu.memory_space<vmem>> -> memref<128xi32, #tpu.memory_space<vmem>>
      %dma_start3A_100 = tpu.memref_slice %arg3[%add3A_6] : memref<16384xi32, #tpu.memory_space<hbm>> -> memref<128xi32, #tpu.memory_space<hbm>>
      tpu.enqueue_dma source(%dma_start3A_100 : memref<128xi32, #tpu.memory_space<hbm>>) target(%dma_start3A_99 : memref<128xi32, #tpu.memory_space<vmem>>) target_semaphore(%run_scoped3A_92 : memref<!tpu.dma_semaphore, #tpu.memory_space<semaphore_mem>>)
      %dma_wait3A_101 = arith.constant 0 : i32
      %dma_wait3A_102 = tpu.memref_slice %arg5[%run_scoped3A_7, %dma_wait3A_101] : memref<4x128xi32, #tpu.memory_space<vmem>> -> memref<1x128xi32, #tpu.memory_space<vmem>>
      %dma_wait3A_103 = tpu.memref_squeeze %dma_wait3A_102 : memref<1x128xi32, #tpu.memory_space<vmem>> -> memref<128xi32, #tpu.memory_space<vmem>>
      %dma_wait3A_104 = tpu.memref_slice %arg3[%add3A_6] : memref<16384xi32, #tpu.memory_space<hbm>> -> memref<128xi32, #tpu.memory_space<hbm>>
      %dma_wait3A_105 = arith.constant 0 : i32
      %dma_wait3A_106 = tpu.memref_slice %arg5[%run_scoped3A_7, %dma_wait3A_105] : memref<4x128xi32, #tpu.memory_space<vmem>> -> memref<1x128xi32, #tpu.memory_space<vmem>>
      %dma_wait3A_107 = tpu.memref_squeeze %dma_wait3A_106 : memref<1x128xi32, #tpu.memory_space<vmem>> -> memref<128xi32, #tpu.memory_space<vmem>>
      %dma_wait3A_108 = tpu.memref_slice %arg3[%add3A_6] : memref<16384xi32, #tpu.memory_space<hbm>> -> memref<128xi32, #tpu.memory_space<hbm>>
      tpu.wait_dma2 semaphore(%run_scoped3A_92 : memref<!tpu.dma_semaphore, #tpu.memory_space<semaphore_mem>>) src(%dma_wait3A_108 : memref<128xi32, #tpu.memory_space<hbm>>) dst(%dma_wait3A_107 : memref<128xi32, #tpu.memory_space<vmem>>)
      tpu.yield
    }) : () -> ()
    %add3A_8 = arith.constant 256 : i32
    %add3A_9 = arith.addi %mul3A_2, %add3A_8 : i32
    %run_scoped3A_10 = arith.constant 2 : i32
    "tpu.region"() ({
      %run_scoped3A_92 = tpu.sem_alloc : memref<!tpu.dma_semaphore, #tpu.memory_space<semaphore_mem>>
      %dma_start3A_93 = arith.constant 0 : i32
      %dma_start3A_94 = tpu.memref_slice %arg5[%run_scoped3A_10, %dma_start3A_93] : memref<4x128xi32, #tpu.memory_space<vmem>> -> memref<1x128xi32, #tpu.memory_space<vmem>>
      %dma_start3A_95 = tpu.memref_squeeze %dma_start3A_94 : memref<1x128xi32, #tpu.memory_space<vmem>> -> memref<128xi32, #tpu.memory_space<vmem>>
      %dma_start3A_96 = tpu.memref_slice %arg3[%add3A_9] : memref<16384xi32, #tpu.memory_space<hbm>> -> memref<128xi32, #tpu.memory_space<hbm>>
      %dma_start3A_97 = arith.constant 0 : i32
      %dma_start3A_98 = tpu.memref_slice %arg5[%run_scoped3A_10, %dma_start3A_97] : memref<4x128xi32, #tpu.memory_space<vmem>> -> memref<1x128xi32, #tpu.memory_space<vmem>>
      %dma_start3A_99 = tpu.memref_squeeze %dma_start3A_98 : memref<1x128xi32, #tpu.memory_space<vmem>> -> memref<128xi32, #tpu.memory_space<vmem>>
      %dma_start3A_100 = tpu.memref_slice %arg3[%add3A_9] : memref<16384xi32, #tpu.memory_space<hbm>> -> memref<128xi32, #tpu.memory_space<hbm>>
      tpu.enqueue_dma source(%dma_start3A_100 : memref<128xi32, #tpu.memory_space<hbm>>) target(%dma_start3A_99 : memref<128xi32, #tpu.memory_space<vmem>>) target_semaphore(%run_scoped3A_92 : memref<!tpu.dma_semaphore, #tpu.memory_space<semaphore_mem>>)
      %dma_wait3A_101 = arith.constant 0 : i32
      %dma_wait3A_102 = tpu.memref_slice %arg5[%run_scoped3A_10, %dma_wait3A_101] : memref<4x128xi32, #tpu.memory_space<vmem>> -> memref<1x128xi32, #tpu.memory_space<vmem>>
      %dma_wait3A_103 = tpu.memref_squeeze %dma_wait3A_102 : memref<1x128xi32, #tpu.memory_space<vmem>> -> memref<128xi32, #tpu.memory_space<vmem>>
      %dma_wait3A_104 = tpu.memref_slice %arg3[%add3A_9] : memref<16384xi32, #tpu.memory_space<hbm>> -> memref<128xi32, #tpu.memory_space<hbm>>
      %dma_wait3A_105 = arith.constant 0 : i32
      %dma_wait3A_106 = tpu.memref_slice %arg5[%run_scoped3A_10, %dma_wait3A_105] : memref<4x128xi32, #tpu.memory_space<vmem>> -> memref<1x128xi32, #tpu.memory_space<vmem>>
      %dma_wait3A_107 = tpu.memref_squeeze %dma_wait3A_106 : memref<1x128xi32, #tpu.memory_space<vmem>> -> memref<128xi32, #tpu.memory_space<vmem>>
      %dma_wait3A_108 = tpu.memref_slice %arg3[%add3A_9] : memref<16384xi32, #tpu.memory_space<hbm>> -> memref<128xi32, #tpu.memory_space<hbm>>
      tpu.wait_dma2 semaphore(%run_scoped3A_92 : memref<!tpu.dma_semaphore, #tpu.memory_space<semaphore_mem>>) src(%dma_wait3A_108 : memref<128xi32, #tpu.memory_space<hbm>>) dst(%dma_wait3A_107 : memref<128xi32, #tpu.memory_space<vmem>>)
      tpu.yield
    }) : () -> ()
    %add3A_11 = arith.constant 384 : i32
    %add3A_12 = arith.addi %mul3A_2, %add3A_11 : i32
    %run_scoped3A_13 = arith.constant 3 : i32
    "tpu.region"() ({
      %run_scoped3A_92 = tpu.sem_alloc : memref<!tpu.dma_semaphore, #tpu.memory_space<semaphore_mem>>
      %dma_start3A_93 = arith.constant 0 : i32
      %dma_start3A_94 = tpu.memref_slice %arg5[%run_scoped3A_13, %dma_start3A_93] : memref<4x128xi32, #tpu.memory_space<vmem>> -> memref<1x128xi32, #tpu.memory_space<vmem>>
      %dma_start3A_95 = tpu.memref_squeeze %dma_start3A_94 : memref<1x128xi32, #tpu.memory_space<vmem>> -> memref<128xi32, #tpu.memory_space<vmem>>
      %dma_start3A_96 = tpu.memref_slice %arg3[%add3A_12] : memref<16384xi32, #tpu.memory_space<hbm>> -> memref<128xi32, #tpu.memory_space<hbm>>
      %dma_start3A_97 = arith.constant 0 : i32
      %dma_start3A_98 = tpu.memref_slice %arg5[%run_scoped3A_13, %dma_start3A_97] : memref<4x128xi32, #tpu.memory_space<vmem>> -> memref<1x128xi32, #tpu.memory_space<vmem>>
      %dma_start3A_99 = tpu.memref_squeeze %dma_start3A_98 : memref<1x128xi32, #tpu.memory_space<vmem>> -> memref<128xi32, #tpu.memory_space<vmem>>
      %dma_start3A_100 = tpu.memref_slice %arg3[%add3A_12] : memref<16384xi32, #tpu.memory_space<hbm>> -> memref<128xi32, #tpu.memory_space<hbm>>
      tpu.enqueue_dma source(%dma_start3A_100 : memref<128xi32, #tpu.memory_space<hbm>>) target(%dma_start3A_99 : memref<128xi32, #tpu.memory_space<vmem>>) target_semaphore(%run_scoped3A_92 : memref<!tpu.dma_semaphore, #tpu.memory_space<semaphore_mem>>)
      %dma_wait3A_101 = arith.constant 0 : i32
      %dma_wait3A_102 = tpu.memref_slice %arg5[%run_scoped3A_13, %dma_wait3A_101] : memref<4x128xi32, #tpu.memory_space<vmem>> -> memref<1x128xi32, #tpu.memory_space<vmem>>
      %dma_wait3A_103 = tpu.memref_squeeze %dma_wait3A_102 : memref<1x128xi32, #tpu.memory_space<vmem>> -> memref<128xi32, #tpu.memory_space<vmem>>
      %dma_wait3A_104 = tpu.memref_slice %arg3[%add3A_12] : memref<16384xi32, #tpu.memory_space<hbm>> -> memref<128xi32, #tpu.memory_space<hbm>>
      %dma_wait3A_105 = arith.constant 0 : i32
      %dma_wait3A_106 = tpu.memref_slice %arg5[%run_scoped3A_13, %dma_wait3A_105] : memref<4x128xi32, #tpu.memory_space<vmem>> -> memref<1x128xi32, #tpu.memory_space<vmem>>
      %dma_wait3A_107 = tpu.memref_squeeze %dma_wait3A_106 : memref<1x128xi32, #tpu.memory_space<vmem>> -> memref<128xi32, #tpu.memory_space<vmem>>
      %dma_wait3A_108 = tpu.memref_slice %arg3[%add3A_12] : memref<16384xi32, #tpu.memory_space<hbm>> -> memref<128xi32, #tpu.memory_space<hbm>>
      tpu.wait_dma2 semaphore(%run_scoped3A_92 : memref<!tpu.dma_semaphore, #tpu.memory_space<semaphore_mem>>) src(%dma_wait3A_108 : memref<128xi32, #tpu.memory_space<hbm>>) dst(%dma_wait3A_107 : memref<128xi32, #tpu.memory_space<vmem>>)
      tpu.yield
    }) : () -> ()
    %dma_start3A = arith.constant 0 : i32
    %dma_start3A_14 = arith.constant 0 : i32
    %dma_start3A_15 = arith.constant 0 : i32
    %dma_start3A_16 = tpu.memref_slice %arg6[%dma_start3A_14, %dma_start3A_15] : memref<512x16xf32, #tpu.memory_space<vmem>> -> memref<128x16xf32, #tpu.memory_space<vmem>>
    %dma_start3A_17 = arith.constant 0 : i32
    %dma_start3A_18 = tpu.memref_slice %arg5[%dma_start3A, %dma_start3A_17] : memref<4x128xi32, #tpu.memory_space<vmem>> -> memref<1x128xi32, #tpu.memory_space<vmem>>
    %dma_start3A_19 = tpu.memref_squeeze %dma_start3A_18 : memref<1x128xi32, #tpu.memory_space<vmem>> -> memref<128xi32, #tpu.memory_space<vmem>>
    %dma_start3A_20 = arith.constant 0 : i32
    %dma_start3A_21 = arith.constant 0 : i32
    %dma_start3A_22 = tpu.memref_slice %arg2[%dma_start3A_20, %dma_start3A_21] : memref<16384x16xf32, #tpu.memory_space<hbm>> -> memref<16384x16xf32, #tpu.memory_space<hbm>>
    tpu.enqueue_indirect_dma source(%dma_start3A_22 : memref<16384x16xf32, #tpu.memory_space<hbm>>) target(%dma_start3A_16 : memref<128x16xf32, #tpu.memory_space<vmem>>) offsets(%dma_start3A_19 : memref<128xi32, #tpu.memory_space<vmem>>) semaphore(%arg7 : memref<!tpu.dma_semaphore, #tpu.memory_space<semaphore_mem>>)
    %dma_wait3A = arith.constant 0 : i32
    %dma_wait3A_23 = arith.constant 0 : i32
    %dma_wait3A_24 = arith.constant 0 : i32
    %dma_wait3A_25 = tpu.memref_slice %arg6[%dma_wait3A_23, %dma_wait3A_24] : memref<512x16xf32, #tpu.memory_space<vmem>> -> memref<128x16xf32, #tpu.memory_space<vmem>>
    %dma_wait3A_26 = arith.constant 0 : i32
    %dma_wait3A_27 = tpu.memref_slice %arg5[%dma_wait3A, %dma_wait3A_26] : memref<4x128xi32, #tpu.memory_space<vmem>> -> memref<1x128xi32, #tpu.memory_space<vmem>>
    %dma_wait3A_28 = tpu.memref_squeeze %dma_wait3A_27 : memref<1x128xi32, #tpu.memory_space<vmem>> -> memref<128xi32, #tpu.memory_space<vmem>>
    %dma_wait3A_29 = arith.constant 0 : i32
    %dma_wait3A_30 = arith.constant 0 : i32
    %dma_wait3A_31 = tpu.memref_slice %arg2[%dma_wait3A_29, %dma_wait3A_30] : memref<16384x16xf32, #tpu.memory_space<hbm>> -> memref<16384x16xf32, #tpu.memory_space<hbm>>
    tpu.wait_indirect_dma semaphore(%arg7 : memref<!tpu.dma_semaphore, #tpu.memory_space<semaphore_mem>>) src(%dma_wait3A_31 : memref<16384x16xf32, #tpu.memory_space<hbm>>) dst(%dma_wait3A_25 : memref<128x16xf32, #tpu.memory_space<vmem>>)
    %dma_start3A_32 = arith.constant 1 : i32
    %dma_start3A_33 = arith.constant 128 : i32
    %dma_start3A_34 = arith.constant 0 : i32
    %dma_start3A_35 = tpu.memref_slice %arg6[%dma_start3A_33, %dma_start3A_34] : memref<512x16xf32, #tpu.memory_space<vmem>> -> memref<128x16xf32, #tpu.memory_space<vmem>>
    %dma_start3A_36 = arith.constant 0 : i32
    %dma_start3A_37 = tpu.memref_slice %arg5[%dma_start3A_32, %dma_start3A_36] : memref<4x128xi32, #tpu.memory_space<vmem>> -> memref<1x128xi32, #tpu.memory_space<vmem>>
    %dma_start3A_38 = tpu.memref_squeeze %dma_start3A_37 : memref<1x128xi32, #tpu.memory_space<vmem>> -> memref<128xi32, #tpu.memory_space<vmem>>
    %dma_start3A_39 = arith.constant 0 : i32
    %dma_start3A_40 = arith.constant 0 : i32
    %dma_start3A_41 = tpu.memref_slice %arg2[%dma_start3A_39, %dma_start3A_40] : memref<16384x16xf32, #tpu.memory_space<hbm>> -> memref<16384x16xf32, #tpu.memory_space<hbm>>
    tpu.enqueue_indirect_dma source(%dma_start3A_41 : memref<16384x16xf32, #tpu.memory_space<hbm>>) target(%dma_start3A_35 : memref<128x16xf32, #tpu.memory_space<vmem>>) offsets(%dma_start3A_38 : memref<128xi32, #tpu.memory_space<vmem>>) semaphore(%arg7 : memref<!tpu.dma_semaphore, #tpu.memory_space<semaphore_mem>>)
    %dma_wait3A_42 = arith.constant 1 : i32
    %dma_wait3A_43 = arith.constant 128 : i32
    %dma_wait3A_44 = arith.constant 0 : i32
    %dma_wait3A_45 = tpu.memref_slice %arg6[%dma_wait3A_43, %dma_wait3A_44] : memref<512x16xf32, #tpu.memory_space<vmem>> -> memref<128x16xf32, #tpu.memory_space<vmem>>
    %dma_wait3A_46 = arith.constant 0 : i32
    %dma_wait3A_47 = tpu.memref_slice %arg5[%dma_wait3A_42, %dma_wait3A_46] : memref<4x128xi32, #tpu.memory_space<vmem>> -> memref<1x128xi32, #tpu.memory_space<vmem>>
    %dma_wait3A_48 = tpu.memref_squeeze %dma_wait3A_47 : memref<1x128xi32, #tpu.memory_space<vmem>> -> memref<128xi32, #tpu.memory_space<vmem>>
    %dma_wait3A_49 = arith.constant 0 : i32
    %dma_wait3A_50 = arith.constant 0 : i32
    %dma_wait3A_51 = tpu.memref_slice %arg2[%dma_wait3A_49, %dma_wait3A_50] : memref<16384x16xf32, #tpu.memory_space<hbm>> -> memref<16384x16xf32, #tpu.memory_space<hbm>>
    tpu.wait_indirect_dma semaphore(%arg7 : memref<!tpu.dma_semaphore, #tpu.memory_space<semaphore_mem>>) src(%dma_wait3A_51 : memref<16384x16xf32, #tpu.memory_space<hbm>>) dst(%dma_wait3A_45 : memref<128x16xf32, #tpu.memory_space<vmem>>)
    %dma_start3A_52 = arith.constant 2 : i32
    %dma_start3A_53 = arith.constant 256 : i32
    %dma_start3A_54 = arith.constant 0 : i32
    %dma_start3A_55 = tpu.memref_slice %arg6[%dma_start3A_53, %dma_start3A_54] : memref<512x16xf32, #tpu.memory_space<vmem>> -> memref<128x16xf32, #tpu.memory_space<vmem>>
    %dma_start3A_56 = arith.constant 0 : i32
    %dma_start3A_57 = tpu.memref_slice %arg5[%dma_start3A_52, %dma_start3A_56] : memref<4x128xi32, #tpu.memory_space<vmem>> -> memref<1x128xi32, #tpu.memory_space<vmem>>
    %dma_start3A_58 = tpu.memref_squeeze %dma_start3A_57 : memref<1x128xi32, #tpu.memory_space<vmem>> -> memref<128xi32, #tpu.memory_space<vmem>>
    %dma_start3A_59 = arith.constant 0 : i32
    %dma_start3A_60 = arith.constant 0 : i32
    %dma_start3A_61 = tpu.memref_slice %arg2[%dma_start3A_59, %dma_start3A_60] : memref<16384x16xf32, #tpu.memory_space<hbm>> -> memref<16384x16xf32, #tpu.memory_space<hbm>>
    tpu.enqueue_indirect_dma source(%dma_start3A_61 : memref<16384x16xf32, #tpu.memory_space<hbm>>) target(%dma_start3A_55 : memref<128x16xf32, #tpu.memory_space<vmem>>) offsets(%dma_start3A_58 : memref<128xi32, #tpu.memory_space<vmem>>) semaphore(%arg7 : memref<!tpu.dma_semaphore, #tpu.memory_space<semaphore_mem>>)
    %dma_wait3A_62 = arith.constant 2 : i32
    %dma_wait3A_63 = arith.constant 256 : i32
    %dma_wait3A_64 = arith.constant 0 : i32
    %dma_wait3A_65 = tpu.memref_slice %arg6[%dma_wait3A_63, %dma_wait3A_64] : memref<512x16xf32, #tpu.memory_space<vmem>> -> memref<128x16xf32, #tpu.memory_space<vmem>>
    %dma_wait3A_66 = arith.constant 0 : i32
    %dma_wait3A_67 = tpu.memref_slice %arg5[%dma_wait3A_62, %dma_wait3A_66] : memref<4x128xi32, #tpu.memory_space<vmem>> -> memref<1x128xi32, #tpu.memory_space<vmem>>
    %dma_wait3A_68 = tpu.memref_squeeze %dma_wait3A_67 : memref<1x128xi32, #tpu.memory_space<vmem>> -> memref<128xi32, #tpu.memory_space<vmem>>
    %dma_wait3A_69 = arith.constant 0 : i32
    %dma_wait3A_70 = arith.constant 0 : i32
    %dma_wait3A_71 = tpu.memref_slice %arg2[%dma_wait3A_69, %dma_wait3A_70] : memref<16384x16xf32, #tpu.memory_space<hbm>> -> memref<16384x16xf32, #tpu.memory_space<hbm>>
    tpu.wait_indirect_dma semaphore(%arg7 : memref<!tpu.dma_semaphore, #tpu.memory_space<semaphore_mem>>) src(%dma_wait3A_71 : memref<16384x16xf32, #tpu.memory_space<hbm>>) dst(%dma_wait3A_65 : memref<128x16xf32, #tpu.memory_space<vmem>>)
    %dma_start3A_72 = arith.constant 3 : i32
    %dma_start3A_73 = arith.constant 384 : i32
    %dma_start3A_74 = arith.constant 0 : i32
    %dma_start3A_75 = tpu.memref_slice %arg6[%dma_start3A_73, %dma_start3A_74] : memref<512x16xf32, #tpu.memory_space<vmem>> -> memref<128x16xf32, #tpu.memory_space<vmem>>
    %dma_start3A_76 = arith.constant 0 : i32
    %dma_start3A_77 = tpu.memref_slice %arg5[%dma_start3A_72, %dma_start3A_76] : memref<4x128xi32, #tpu.memory_space<vmem>> -> memref<1x128xi32, #tpu.memory_space<vmem>>
    %dma_start3A_78 = tpu.memref_squeeze %dma_start3A_77 : memref<1x128xi32, #tpu.memory_space<vmem>> -> memref<128xi32, #tpu.memory_space<vmem>>
    %dma_start3A_79 = arith.constant 0 : i32
    %dma_start3A_80 = arith.constant 0 : i32
    %dma_start3A_81 = tpu.memref_slice %arg2[%dma_start3A_79, %dma_start3A_80] : memref<16384x16xf32, #tpu.memory_space<hbm>> -> memref<16384x16xf32, #tpu.memory_space<hbm>>
    tpu.enqueue_indirect_dma source(%dma_start3A_81 : memref<16384x16xf32, #tpu.memory_space<hbm>>) target(%dma_start3A_75 : memref<128x16xf32, #tpu.memory_space<vmem>>) offsets(%dma_start3A_78 : memref<128xi32, #tpu.memory_space<vmem>>) semaphore(%arg7 : memref<!tpu.dma_semaphore, #tpu.memory_space<semaphore_mem>>)
    %dma_wait3A_82 = arith.constant 3 : i32
    %dma_wait3A_83 = arith.constant 384 : i32
    %dma_wait3A_84 = arith.constant 0 : i32
    %dma_wait3A_85 = tpu.memref_slice %arg6[%dma_wait3A_83, %dma_wait3A_84] : memref<512x16xf32, #tpu.memory_space<vmem>> -> memref<128x16xf32, #tpu.memory_space<vmem>>
    %dma_wait3A_86 = arith.constant 0 : i32
    %dma_wait3A_87 = tpu.memref_slice %arg5[%dma_wait3A_82, %dma_wait3A_86] : memref<4x128xi32, #tpu.memory_space<vmem>> -> memref<1x128xi32, #tpu.memory_space<vmem>>
    %dma_wait3A_88 = tpu.memref_squeeze %dma_wait3A_87 : memref<1x128xi32, #tpu.memory_space<vmem>> -> memref<128xi32, #tpu.memory_space<vmem>>
    %dma_wait3A_89 = arith.constant 0 : i32
    %dma_wait3A_90 = arith.constant 0 : i32
    %dma_wait3A_91 = tpu.memref_slice %arg2[%dma_wait3A_89, %dma_wait3A_90] : memref<16384x16xf32, #tpu.memory_space<hbm>> -> memref<16384x16xf32, #tpu.memory_space<hbm>>
    tpu.wait_indirect_dma semaphore(%arg7 : memref<!tpu.dma_semaphore, #tpu.memory_space<semaphore_mem>>) src(%dma_wait3A_91 : memref<16384x16xf32, #tpu.memory_space<hbm>>) dst(%dma_wait3A_85 : memref<128x16xf32, #tpu.memory_space<vmem>>)
    "tpu.region"() ({
      %run_scoped3A_92 = tpu.sem_alloc : memref<!tpu.dma_semaphore, #tpu.memory_space<semaphore_mem>>
      %dma_start3A_93 = arith.constant 0 : i32
      %dma_start3A_94 = tpu.memref_slice %arg4[%mul3A_2, %dma_start3A_93] : memref<16384x16xf32, #tpu.memory_space<hbm>> -> memref<512x16xf32, #tpu.memory_space<hbm>>
      %dma_start3A_95 = arith.constant 0 : i32
      %dma_start3A_96 = tpu.memref_slice %arg4[%mul3A_2, %dma_start3A_95] : memref<16384x16xf32, #tpu.memory_space<hbm>> -> memref<512x16xf32, #tpu.memory_space<hbm>>
      tpu.enqueue_dma source(%arg6 : memref<512x16xf32, #tpu.memory_space<vmem>>) target(%dma_start3A_96 : memref<512x16xf32, #tpu.memory_space<hbm>>) target_semaphore(%run_scoped3A_92 : memref<!tpu.dma_semaphore, #tpu.memory_space<semaphore_mem>>)
      %dma_wait3A_97 = arith.constant 0 : i32
      %dma_wait3A_98 = tpu.memref_slice %arg4[%mul3A_2, %dma_wait3A_97] : memref<16384x16xf32, #tpu.memory_space<hbm>> -> memref<512x16xf32, #tpu.memory_space<hbm>>
      %dma_wait3A_99 = arith.constant 0 : i32
      %dma_wait3A_100 = tpu.memref_slice %arg4[%mul3A_2, %dma_wait3A_99] : memref<16384x16xf32, #tpu.memory_space<hbm>> -> memref<512x16xf32, #tpu.memory_space<hbm>>
      tpu.wait_dma2 semaphore(%run_scoped3A_92 : memref<!tpu.dma_semaphore, #tpu.memory_space<semaphore_mem>>) src(%arg6 : memref<512x16xf32, #tpu.memory_space<vmem>>) dst(%dma_wait3A_100 : memref<512x16xf32, #tpu.memory_space<hbm>>)
      tpu.yield
    }) : () -> ()
    return
  }
}

#map = affine_map<(d0, d1) -> (0, 0)>
#map1 = affine_map<(d0, d1) -> (0)>
module attributes {stable_mosaic.version = 14 : i64} {
  func.func @_sc_gather(%arg0: i32, %arg1: i32, %arg2: memref<16384x16xf32, #tpu.memory_space<hbm>>, %arg3: memref<16384xi32, #tpu.memory_space<hbm>>, %arg4: memref<16384x16xf32, #tpu.memory_space<hbm>>, %arg5: memref<4x128xi32, #tpu.memory_space<vmem>>, %arg6: memref<512x16xf32, #tpu.memory_space<vmem>>, %arg7: memref<!tpu.dma_semaphore, #tpu.memory_space<semaphore_mem>>) attributes {dimension_semantics = [#tpu.dimension_semantics<core_parallel>, #tpu.dimension_semantics<subcore_parallel>], iteration_bounds = array<i64: 2, 16>, scalar_prefetch = 0 : i64, scratch_operands = 3 : i64, tpu.core_type = #tpu.core_type<sc_vector_subcore>, window_params = [{transform_indices = #map}, {transform_indices = #map1}, {transform_indices = #map}]} {
    %mul3A = arith.constant 2 : i32
    %mul3A_0 = arith.muli %arg1, %mul3A : i32
    %add3A = arith.addi %mul3A_0, %arg0 : i32
    %mul3A_1 = arith.constant 512 : i32
    %mul3A_2 = arith.muli %add3A, %mul3A_1 : i32
    %add3A_3 = arith.constant 0 : i32
    %add3A_4 = arith.addi %mul3A_2, %add3A_3 : i32
    %run_scoped3A = arith.constant 0 : i32
    "tpu.region"() ({
      %run_scoped3A_92 = tpu.sem_alloc : memref<!tpu.dma_semaphore, #tpu.memory_space<semaphore_mem>>
      %dma_start3A_93 = arith.constant 0 : i32
      %dma_start3A_94 = tpu.memref_slice %arg5[%run_scoped3A, %dma_start3A_93] : memref<4x128xi32, #tpu.memory_space<vmem>> -> memref<1x128xi32, #tpu.memory_space<vmem>>
      %dma_start3A_95 = tpu.memref_squeeze %dma_start3A_94 : memref<1x128xi32, #tpu.memory_space<vmem>> -> memref<128xi32, #tpu.memory_space<vmem>>
      %dma_start3A_96 = tpu.memref_slice %arg3[%add3A_4] : memref<16384xi32, #tpu.memory_space<hbm>> -> memref<128xi32, #tpu.memory_space<hbm>>
      %dma_start3A_97 = arith.constant 0 : i32
      %dma_start3A_98 = tpu.memref_slice %arg5[%run_scoped3A, %dma_start3A_97] : memref<4x128xi32, #tpu.memory_space<vmem>> -> memref<1x128xi32, #tpu.memory_space<vmem>>
      %dma_start3A_99 = tpu.memref_squeeze %dma_start3A_98 : memref<1x128xi32, #tpu.memory_space<vmem>> -> memref<128xi32, #tpu.memory_space<vmem>>
      %dma_start3A_100 = tpu.memref_slice %arg3[%add3A_4] : memref<16384xi32, #tpu.memory_space<hbm>> -> memref<128xi32, #tpu.memory_space<hbm>>
      tpu.enqueue_dma source(%dma_start3A_100 : memref<128xi32, #tpu.memory_space<hbm>>) target(%dma_start3A_99 : memref<128xi32, #tpu.memory_space<vmem>>) target_semaphore(%run_scoped3A_92 : memref<!tpu.dma_semaphore, #tpu.memory_space<semaphore_mem>>)
      %dma_wait3A_101 = arith.constant 0 : i32
      %dma_wait3A_102 = tpu.memref_slice %arg5[%run_scoped3A, %dma_wait3A_101] : memref<4x128xi32, #tpu.memory_space<vmem>> -> memref<1x128xi32, #tpu.memory_space<vmem>>
      %dma_wait3A_103 = tpu.memref_squeeze %dma_wait3A_102 : memref<1x128xi32, #tpu.memory_space<vmem>> -> memref<128xi32, #tpu.memory_space<vmem>>
      %dma_wait3A_104 = tpu.memref_slice %arg3[%add3A_4] : memref<16384xi32, #tpu.memory_space<hbm>> -> memref<128xi32, #tpu.memory_space<hbm>>
      %dma_wait3A_105 = arith.constant 0 : i32
      %dma_wait3A_106 = tpu.memref_slice %arg5[%run_scoped3A, %dma_wait3A_105] : memref<4x128xi32, #tpu.memory_space<vmem>> -> memref<1x128xi32, #tpu.memory_space<vmem>>
      %dma_wait3A_107 = tpu.memref_squeeze %dma_wait3A_106 : memref<1x128xi32, #tpu.memory_space<vmem>> -> memref<128xi32, #tpu.memory_space<vmem>>
      %dma_wait3A_108 = tpu.memref_slice %arg3[%add3A_4] : memref<16384xi32, #tpu.memory_space<hbm>> -> memref<128xi32, #tpu.memory_space<hbm>>
      tpu.wait_dma2 semaphore(%run_scoped3A_92 : memref<!tpu.dma_semaphore, #tpu.memory_space<semaphore_mem>>) src(%dma_wait3A_108 : memref<128xi32, #tpu.memory_space<hbm>>) dst(%dma_wait3A_107 : memref<128xi32, #tpu.memory_space<vmem>>)
      tpu.yield
    }) : () -> ()
    %add3A_5 = arith.constant 128 : i32
    %add3A_6 = arith.addi %mul3A_2, %add3A_5 : i32
    %run_scoped3A_7 = arith.constant 1 : i32
    "tpu.region"() ({
      %run_scoped3A_92 = tpu.sem_alloc : memref<!tpu.dma_semaphore, #tpu.memory_space<semaphore_mem>>
      %dma_start3A_93 = arith.constant 0 : i32
      %dma_start3A_94 = tpu.memref_slice %arg5[%run_scoped3A_7, %dma_start3A_93] : memref<4x128xi32, #tpu.memory_space<vmem>> -> memref<1x128xi32, #tpu.memory_space<vmem>>
      %dma_start3A_95 = tpu.memref_squeeze %dma_start3A_94 : memref<1x128xi32, #tpu.memory_space<vmem>> -> memref<128xi32, #tpu.memory_space<vmem>>
      %dma_start3A_96 = tpu.memref_slice %arg3[%add3A_6] : memref<16384xi32, #tpu.memory_space<hbm>> -> memref<128xi32, #tpu.memory_space<hbm>>
      %dma_start3A_97 = arith.constant 0 : i32
      %dma_start3A_98 = tpu.memref_slice %arg5[%run_scoped3A_7, %dma_start3A_97] : memref<4x128xi32, #tpu.memory_space<vmem>> -> memref<1x128xi32, #tpu.memory_space<vmem>>
      %dma_start3A_99 = tpu.memref_squeeze %dma_start3A_98 : memref<1x128xi32, #tpu.memory_space<vmem>> -> memref<128xi32, #tpu.memory_space<vmem>>
      %dma_start3A_100 = tpu.memref_slice %arg3[%add3A_6] : memref<16384xi32, #tpu.memory_space<hbm>> -> memref<128xi32, #tpu.memory_space<hbm>>
      tpu.enqueue_dma source(%dma_start3A_100 : memref<128xi32, #tpu.memory_space<hbm>>) target(%dma_start3A_99 : memref<128xi32, #tpu.memory_space<vmem>>) target_semaphore(%run_scoped3A_92 : memref<!tpu.dma_semaphore, #tpu.memory_space<semaphore_mem>>)
      %dma_wait3A_101 = arith.constant 0 : i32
      %dma_wait3A_102 = tpu.memref_slice %arg5[%run_scoped3A_7, %dma_wait3A_101] : memref<4x128xi32, #tpu.memory_space<vmem>> -> memref<1x128xi32, #tpu.memory_space<vmem>>
      %dma_wait3A_103 = tpu.memref_squeeze %dma_wait3A_102 : memref<1x128xi32, #tpu.memory_space<vmem>> -> memref<128xi32, #tpu.memory_space<vmem>>
      %dma_wait3A_104 = tpu.memref_slice %arg3[%add3A_6] : memref<16384xi32, #tpu.memory_space<hbm>> -> memref<128xi32, #tpu.memory_space<hbm>>
      %dma_wait3A_105 = arith.constant 0 : i32
      %dma_wait3A_106 = tpu.memref_slice %arg5[%run_scoped3A_7, %dma_wait3A_105] : memref<4x128xi32, #tpu.memory_space<vmem>> -> memref<1x128xi32, #tpu.memory_space<vmem>>
      %dma_wait3A_107 = tpu.memref_squeeze %dma_wait3A_106 : memref<1x128xi32, #tpu.memory_space<vmem>> -> memref<128xi32, #tpu.memory_space<vmem>>
      %dma_wait3A_108 = tpu.memref_slice %arg3[%add3A_6] : memref<16384xi32, #tpu.memory_space<hbm>> -> memref<128xi32, #tpu.memory_space<hbm>>
      tpu.wait_dma2 semaphore(%run_scoped3A_92 : memref<!tpu.dma_semaphore, #tpu.memory_space<semaphore_mem>>) src(%dma_wait3A_108 : memref<128xi32, #tpu.memory_space<hbm>>) dst(%dma_wait3A_107 : memref<128xi32, #tpu.memory_space<vmem>>)
      tpu.yield
    }) : () -> ()
    %add3A_8 = arith.constant 256 : i32
    %add3A_9 = arith.addi %mul3A_2, %add3A_8 : i32
    %run_scoped3A_10 = arith.constant 2 : i32
    "tpu.region"() ({
      %run_scoped3A_92 = tpu.sem_alloc : memref<!tpu.dma_semaphore, #tpu.memory_space<semaphore_mem>>
      %dma_start3A_93 = arith.constant 0 : i32
      %dma_start3A_94 = tpu.memref_slice %arg5[%run_scoped3A_10, %dma_start3A_93] : memref<4x128xi32, #tpu.memory_space<vmem>> -> memref<1x128xi32, #tpu.memory_space<vmem>>
      %dma_start3A_95 = tpu.memref_squeeze %dma_start3A_94 : memref<1x128xi32, #tpu.memory_space<vmem>> -> memref<128xi32, #tpu.memory_space<vmem>>
      %dma_start3A_96 = tpu.memref_slice %arg3[%add3A_9] : memref<16384xi32, #tpu.memory_space<hbm>> -> memref<128xi32, #tpu.memory_space<hbm>>
      %dma_start3A_97 = arith.constant 0 : i32
      %dma_start3A_98 = tpu.memref_slice %arg5[%run_scoped3A_10, %dma_start3A_97] : memref<4x128xi32, #tpu.memory_space<vmem>> -> memref<1x128xi32, #tpu.memory_space<vmem>>
      %dma_start3A_99 = tpu.memref_squeeze %dma_start3A_98 : memref<1x128xi32, #tpu.memory_space<vmem>> -> memref<128xi32, #tpu.memory_space<vmem>>
      %dma_start3A_100 = tpu.memref_slice %arg3[%add3A_9] : memref<16384xi32, #tpu.memory_space<hbm>> -> memref<128xi32, #tpu.memory_space<hbm>>
      tpu.enqueue_dma source(%dma_start3A_100 : memref<128xi32, #tpu.memory_space<hbm>>) target(%dma_start3A_99 : memref<128xi32, #tpu.memory_space<vmem>>) target_semaphore(%run_scoped3A_92 : memref<!tpu.dma_semaphore, #tpu.memory_space<semaphore_mem>>)
      %dma_wait3A_101 = arith.constant 0 : i32
      %dma_wait3A_102 = tpu.memref_slice %arg5[%run_scoped3A_10, %dma_wait3A_101] : memref<4x128xi32, #tpu.memory_space<vmem>> -> memref<1x128xi32, #tpu.memory_space<vmem>>
      %dma_wait3A_103 = tpu.memref_squeeze %dma_wait3A_102 : memref<1x128xi32, #tpu.memory_space<vmem>> -> memref<128xi32, #tpu.memory_space<vmem>>
      %dma_wait3A_104 = tpu.memref_slice %arg3[%add3A_9] : memref<16384xi32, #tpu.memory_space<hbm>> -> memref<128xi32, #tpu.memory_space<hbm>>
      %dma_wait3A_105 = arith.constant 0 : i32
      %dma_wait3A_106 = tpu.memref_slice %arg5[%run_scoped3A_10, %dma_wait3A_105] : memref<4x128xi32, #tpu.memory_space<vmem>> -> memref<1x128xi32, #tpu.memory_space<vmem>>
      %dma_wait3A_107 = tpu.memref_squeeze %dma_wait3A_106 : memref<1x128xi32, #tpu.memory_space<vmem>> -> memref<128xi32, #tpu.memory_space<vmem>>
      %dma_wait3A_108 = tpu.memref_slice %arg3[%add3A_9] : memref<16384xi32, #tpu.memory_space<hbm>> -> memref<128xi32, #tpu.memory_space<hbm>>
      tpu.wait_dma2 semaphore(%run_scoped3A_92 : memref<!tpu.dma_semaphore, #tpu.memory_space<semaphore_mem>>) src(%dma_wait3A_108 : memref<128xi32, #tpu.memory_space<hbm>>) dst(%dma_wait3A_107 : memref<128xi32, #tpu.memory_space<vmem>>)
      tpu.yield
    }) : () -> ()
    %add3A_11 = arith.constant 384 : i32
    %add3A_12 = arith.addi %mul3A_2, %add3A_11 : i32
    %run_scoped3A_13 = arith.constant 3 : i32
    "tpu.region"() ({
      %run_scoped3A_92 = tpu.sem_alloc : memref<!tpu.dma_semaphore, #tpu.memory_space<semaphore_mem>>
      %dma_start3A_93 = arith.constant 0 : i32
      %dma_start3A_94 = tpu.memref_slice %arg5[%run_scoped3A_13, %dma_start3A_93] : memref<4x128xi32, #tpu.memory_space<vmem>> -> memref<1x128xi32, #tpu.memory_space<vmem>>
      %dma_start3A_95 = tpu.memref_squeeze %dma_start3A_94 : memref<1x128xi32, #tpu.memory_space<vmem>> -> memref<128xi32, #tpu.memory_space<vmem>>
      %dma_start3A_96 = tpu.memref_slice %arg3[%add3A_12] : memref<16384xi32, #tpu.memory_space<hbm>> -> memref<128xi32, #tpu.memory_space<hbm>>
      %dma_start3A_97 = arith.constant 0 : i32
      %dma_start3A_98 = tpu.memref_slice %arg5[%run_scoped3A_13, %dma_start3A_97] : memref<4x128xi32, #tpu.memory_space<vmem>> -> memref<1x128xi32, #tpu.memory_space<vmem>>
      %dma_start3A_99 = tpu.memref_squeeze %dma_start3A_98 : memref<1x128xi32, #tpu.memory_space<vmem>> -> memref<128xi32, #tpu.memory_space<vmem>>
      %dma_start3A_100 = tpu.memref_slice %arg3[%add3A_12] : memref<16384xi32, #tpu.memory_space<hbm>> -> memref<128xi32, #tpu.memory_space<hbm>>
      tpu.enqueue_dma source(%dma_start3A_100 : memref<128xi32, #tpu.memory_space<hbm>>) target(%dma_start3A_99 : memref<128xi32, #tpu.memory_space<vmem>>) target_semaphore(%run_scoped3A_92 : memref<!tpu.dma_semaphore, #tpu.memory_space<semaphore_mem>>)
      %dma_wait3A_101 = arith.constant 0 : i32
      %dma_wait3A_102 = tpu.memref_slice %arg5[%run_scoped3A_13, %dma_wait3A_101] : memref<4x128xi32, #tpu.memory_space<vmem>> -> memref<1x128xi32, #tpu.memory_space<vmem>>
      %dma_wait3A_103 = tpu.memref_squeeze %dma_wait3A_102 : memref<1x128xi32, #tpu.memory_space<vmem>> -> memref<128xi32, #tpu.memory_space<vmem>>
      %dma_wait3A_104 = tpu.memref_slice %arg3[%add3A_12] : memref<16384xi32, #tpu.memory_space<hbm>> -> memref<128xi32, #tpu.memory_space<hbm>>
      %dma_wait3A_105 = arith.constant 0 : i32
      %dma_wait3A_106 = tpu.memref_slice %arg5[%run_scoped3A_13, %dma_wait3A_105] : memref<4x128xi32, #tpu.memory_space<vmem>> -> memref<1x128xi32, #tpu.memory_space<vmem>>
      %dma_wait3A_107 = tpu.memref_squeeze %dma_wait3A_106 : memref<1x128xi32, #tpu.memory_space<vmem>> -> memref<128xi32, #tpu.memory_space<vmem>>
      %dma_wait3A_108 = tpu.memref_slice %arg3[%add3A_12] : memref<16384xi32, #tpu.memory_space<hbm>> -> memref<128xi32, #tpu.memory_space<hbm>>
      tpu.wait_dma2 semaphore(%run_scoped3A_92 : memref<!tpu.dma_semaphore, #tpu.memory_space<semaphore_mem>>) src(%dma_wait3A_108 : memref<128xi32, #tpu.memory_space<hbm>>) dst(%dma_wait3A_107 : memref<128xi32, #tpu.memory_space<vmem>>)
      tpu.yield
    }) : () -> ()
    %dma_start3A = arith.constant 0 : i32
    %dma_start3A_14 = arith.constant 0 : i32
    %dma_start3A_15 = arith.constant 0 : i32
    %dma_start3A_16 = tpu.memref_slice %arg6[%dma_start3A_14, %dma_start3A_15] : memref<512x16xf32, #tpu.memory_space<vmem>> -> memref<128x16xf32, #tpu.memory_space<vmem>>
    %dma_start3A_17 = arith.constant 0 : i32
    %dma_start3A_18 = tpu.memref_slice %arg5[%dma_start3A, %dma_start3A_17] : memref<4x128xi32, #tpu.memory_space<vmem>> -> memref<1x128xi32, #tpu.memory_space<vmem>>
    %dma_start3A_19 = tpu.memref_squeeze %dma_start3A_18 : memref<1x128xi32, #tpu.memory_space<vmem>> -> memref<128xi32, #tpu.memory_space<vmem>>
    %dma_start3A_20 = arith.constant 0 : i32
    %dma_start3A_21 = arith.constant 0 : i32
    %dma_start3A_22 = tpu.memref_slice %arg2[%dma_start3A_20, %dma_start3A_21] : memref<16384x16xf32, #tpu.memory_space<hbm>> -> memref<16384x16xf32, #tpu.memory_space<hbm>>
    tpu.enqueue_indirect_dma source(%dma_start3A_22 : memref<16384x16xf32, #tpu.memory_space<hbm>>) target(%dma_start3A_16 : memref<128x16xf32, #tpu.memory_space<vmem>>) offsets(%dma_start3A_19 : memref<128xi32, #tpu.memory_space<vmem>>) semaphore(%arg7 : memref<!tpu.dma_semaphore, #tpu.memory_space<semaphore_mem>>)
    %dma_wait3A = arith.constant 0 : i32
    %dma_wait3A_23 = arith.constant 0 : i32
    %dma_wait3A_24 = arith.constant 0 : i32
    %dma_wait3A_25 = tpu.memref_slice %arg6[%dma_wait3A_23, %dma_wait3A_24] : memref<512x16xf32, #tpu.memory_space<vmem>> -> memref<128x16xf32, #tpu.memory_space<vmem>>
    %dma_wait3A_26 = arith.constant 0 : i32
    %dma_wait3A_27 = tpu.memref_slice %arg5[%dma_wait3A, %dma_wait3A_26] : memref<4x128xi32, #tpu.memory_space<vmem>> -> memref<1x128xi32, #tpu.memory_space<vmem>>
    %dma_wait3A_28 = tpu.memref_squeeze %dma_wait3A_27 : memref<1x128xi32, #tpu.memory_space<vmem>> -> memref<128xi32, #tpu.memory_space<vmem>>
    %dma_wait3A_29 = arith.constant 0 : i32
    %dma_wait3A_30 = arith.constant 0 : i32
    %dma_wait3A_31 = tpu.memref_slice %arg2[%dma_wait3A_29, %dma_wait3A_30] : memref<16384x16xf32, #tpu.memory_space<hbm>> -> memref<16384x16xf32, #tpu.memory_space<hbm>>
    tpu.wait_indirect_dma semaphore(%arg7 : memref<!tpu.dma_semaphore, #tpu.memory_space<semaphore_mem>>) src(%dma_wait3A_31 : memref<16384x16xf32, #tpu.memory_space<hbm>>) dst(%dma_wait3A_25 : memref<128x16xf32, #tpu.memory_space<vmem>>)
    %dma_start3A_32 = arith.constant 1 : i32
    %dma_start3A_33 = arith.constant 128 : i32
    %dma_start3A_34 = arith.constant 0 : i32
    %dma_start3A_35 = tpu.memref_slice %arg6[%dma_start3A_33, %dma_start3A_34] : memref<512x16xf32, #tpu.memory_space<vmem>> -> memref<128x16xf32, #tpu.memory_space<vmem>>
    %dma_start3A_36 = arith.constant 0 : i32
    %dma_start3A_37 = tpu.memref_slice %arg5[%dma_start3A_32, %dma_start3A_36] : memref<4x128xi32, #tpu.memory_space<vmem>> -> memref<1x128xi32, #tpu.memory_space<vmem>>
    %dma_start3A_38 = tpu.memref_squeeze %dma_start3A_37 : memref<1x128xi32, #tpu.memory_space<vmem>> -> memref<128xi32, #tpu.memory_space<vmem>>
    %dma_start3A_39 = arith.constant 0 : i32
    %dma_start3A_40 = arith.constant 0 : i32
    %dma_start3A_41 = tpu.memref_slice %arg2[%dma_start3A_39, %dma_start3A_40] : memref<16384x16xf32, #tpu.memory_space<hbm>> -> memref<16384x16xf32, #tpu.memory_space<hbm>>
    tpu.enqueue_indirect_dma source(%dma_start3A_41 : memref<16384x16xf32, #tpu.memory_space<hbm>>) target(%dma_start3A_35 : memref<128x16xf32, #tpu.memory_space<vmem>>) offsets(%dma_start3A_38 : memref<128xi32, #tpu.memory_space<vmem>>) semaphore(%arg7 : memref<!tpu.dma_semaphore, #tpu.memory_space<semaphore_mem>>)
    %dma_wait3A_42 = arith.constant 1 : i32
    %dma_wait3A_43 = arith.constant 128 : i32
    %dma_wait3A_44 = arith.constant 0 : i32
    %dma_wait3A_45 = tpu.memref_slice %arg6[%dma_wait3A_43, %dma_wait3A_44] : memref<512x16xf32, #tpu.memory_space<vmem>> -> memref<128x16xf32, #tpu.memory_space<vmem>>
    %dma_wait3A_46 = arith.constant 0 : i32
    %dma_wait3A_47 = tpu.memref_slice %arg5[%dma_wait3A_42, %dma_wait3A_46] : memref<4x128xi32, #tpu.memory_space<vmem>> -> memref<1x128xi32, #tpu.memory_space<vmem>>
    %dma_wait3A_48 = tpu.memref_squeeze %dma_wait3A_47 : memref<1x128xi32, #tpu.memory_space<vmem>> -> memref<128xi32, #tpu.memory_space<vmem>>
    %dma_wait3A_49 = arith.constant 0 : i32
    %dma_wait3A_50 = arith.constant 0 : i32
    %dma_wait3A_51 = tpu.memref_slice %arg2[%dma_wait3A_49, %dma_wait3A_50] : memref<16384x16xf32, #tpu.memory_space<hbm>> -> memref<16384x16xf32, #tpu.memory_space<hbm>>
    tpu.wait_indirect_dma semaphore(%arg7 : memref<!tpu.dma_semaphore, #tpu.memory_space<semaphore_mem>>) src(%dma_wait3A_51 : memref<16384x16xf32, #tpu.memory_space<hbm>>) dst(%dma_wait3A_45 : memref<128x16xf32, #tpu.memory_space<vmem>>)
    %dma_start3A_52 = arith.constant 2 : i32
    %dma_start3A_53 = arith.constant 256 : i32
    %dma_start3A_54 = arith.constant 0 : i32
    %dma_start3A_55 = tpu.memref_slice %arg6[%dma_start3A_53, %dma_start3A_54] : memref<512x16xf32, #tpu.memory_space<vmem>> -> memref<128x16xf32, #tpu.memory_space<vmem>>
    %dma_start3A_56 = arith.constant 0 : i32
    %dma_start3A_57 = tpu.memref_slice %arg5[%dma_start3A_52, %dma_start3A_56] : memref<4x128xi32, #tpu.memory_space<vmem>> -> memref<1x128xi32, #tpu.memory_space<vmem>>
    %dma_start3A_58 = tpu.memref_squeeze %dma_start3A_57 : memref<1x128xi32, #tpu.memory_space<vmem>> -> memref<128xi32, #tpu.memory_space<vmem>>
    %dma_start3A_59 = arith.constant 0 : i32
    %dma_start3A_60 = arith.constant 0 : i32
    %dma_start3A_61 = tpu.memref_slice %arg2[%dma_start3A_59, %dma_start3A_60] : memref<16384x16xf32, #tpu.memory_space<hbm>> -> memref<16384x16xf32, #tpu.memory_space<hbm>>
    tpu.enqueue_indirect_dma source(%dma_start3A_61 : memref<16384x16xf32, #tpu.memory_space<hbm>>) target(%dma_start3A_55 : memref<128x16xf32, #tpu.memory_space<vmem>>) offsets(%dma_start3A_58 : memref<128xi32, #tpu.memory_space<vmem>>) semaphore(%arg7 : memref<!tpu.dma_semaphore, #tpu.memory_space<semaphore_mem>>)
    %dma_wait3A_62 = arith.constant 2 : i32
    %dma_wait3A_63 = arith.constant 256 : i32
    %dma_wait3A_64 = arith.constant 0 : i32
    %dma_wait3A_65 = tpu.memref_slice %arg6[%dma_wait3A_63, %dma_wait3A_64] : memref<512x16xf32, #tpu.memory_space<vmem>> -> memref<128x16xf32, #tpu.memory_space<vmem>>
    %dma_wait3A_66 = arith.constant 0 : i32
    %dma_wait3A_67 = tpu.memref_slice %arg5[%dma_wait3A_62, %dma_wait3A_66] : memref<4x128xi32, #tpu.memory_space<vmem>> -> memref<1x128xi32, #tpu.memory_space<vmem>>
    %dma_wait3A_68 = tpu.memref_squeeze %dma_wait3A_67 : memref<1x128xi32, #tpu.memory_space<vmem>> -> memref<128xi32, #tpu.memory_space<vmem>>
    %dma_wait3A_69 = arith.constant 0 : i32
    %dma_wait3A_70 = arith.constant 0 : i32
    %dma_wait3A_71 = tpu.memref_slice %arg2[%dma_wait3A_69, %dma_wait3A_70] : memref<16384x16xf32, #tpu.memory_space<hbm>> -> memref<16384x16xf32, #tpu.memory_space<hbm>>
    tpu.wait_indirect_dma semaphore(%arg7 : memref<!tpu.dma_semaphore, #tpu.memory_space<semaphore_mem>>) src(%dma_wait3A_71 : memref<16384x16xf32, #tpu.memory_space<hbm>>) dst(%dma_wait3A_65 : memref<128x16xf32, #tpu.memory_space<vmem>>)
    %dma_start3A_72 = arith.constant 3 : i32
    %dma_start3A_73 = arith.constant 384 : i32
    %dma_start3A_74 = arith.constant 0 : i32
    %dma_start3A_75 = tpu.memref_slice %arg6[%dma_start3A_73, %dma_start3A_74] : memref<512x16xf32, #tpu.memory_space<vmem>> -> memref<128x16xf32, #tpu.memory_space<vmem>>
    %dma_start3A_76 = arith.constant 0 : i32
    %dma_start3A_77 = tpu.memref_slice %arg5[%dma_start3A_72, %dma_start3A_76] : memref<4x128xi32, #tpu.memory_space<vmem>> -> memref<1x128xi32, #tpu.memory_space<vmem>>
    %dma_start3A_78 = tpu.memref_squeeze %dma_start3A_77 : memref<1x128xi32, #tpu.memory_space<vmem>> -> memref<128xi32, #tpu.memory_space<vmem>>
    %dma_start3A_79 = arith.constant 0 : i32
    %dma_start3A_80 = arith.constant 0 : i32
    %dma_start3A_81 = tpu.memref_slice %arg2[%dma_start3A_79, %dma_start3A_80] : memref<16384x16xf32, #tpu.memory_space<hbm>> -> memref<16384x16xf32, #tpu.memory_space<hbm>>
    tpu.enqueue_indirect_dma source(%dma_start3A_81 : memref<16384x16xf32, #tpu.memory_space<hbm>>) target(%dma_start3A_75 : memref<128x16xf32, #tpu.memory_space<vmem>>) offsets(%dma_start3A_78 : memref<128xi32, #tpu.memory_space<vmem>>) semaphore(%arg7 : memref<!tpu.dma_semaphore, #tpu.memory_space<semaphore_mem>>)
    %dma_wait3A_82 = arith.constant 3 : i32
    %dma_wait3A_83 = arith.constant 384 : i32
    %dma_wait3A_84 = arith.constant 0 : i32
    %dma_wait3A_85 = tpu.memref_slice %arg6[%dma_wait3A_83, %dma_wait3A_84] : memref<512x16xf32, #tpu.memory_space<vmem>> -> memref<128x16xf32, #tpu.memory_space<vmem>>
    %dma_wait3A_86 = arith.constant 0 : i32
    %dma_wait3A_87 = tpu.memref_slice %arg5[%dma_wait3A_82, %dma_wait3A_86] : memref<4x128xi32, #tpu.memory_space<vmem>> -> memref<1x128xi32, #tpu.memory_space<vmem>>
    %dma_wait3A_88 = tpu.memref_squeeze %dma_wait3A_87 : memref<1x128xi32, #tpu.memory_space<vmem>> -> memref<128xi32, #tpu.memory_space<vmem>>
    %dma_wait3A_89 = arith.constant 0 : i32
    %dma_wait3A_90 = arith.constant 0 : i32
    %dma_wait3A_91 = tpu.memref_slice %arg2[%dma_wait3A_89, %dma_wait3A_90] : memref<16384x16xf32, #tpu.memory_space<hbm>> -> memref<16384x16xf32, #tpu.memory_space<hbm>>
    tpu.wait_indirect_dma semaphore(%arg7 : memref<!tpu.dma_semaphore, #tpu.memory_space<semaphore_mem>>) src(%dma_wait3A_91 : memref<16384x16xf32, #tpu.memory_space<hbm>>) dst(%dma_wait3A_85 : memref<128x16xf32, #tpu.memory_space<vmem>>)
    "tpu.region"() ({
      %run_scoped3A_92 = tpu.sem_alloc : memref<!tpu.dma_semaphore, #tpu.memory_space<semaphore_mem>>
      %dma_start3A_93 = arith.constant 0 : i32
      %dma_start3A_94 = tpu.memref_slice %arg4[%mul3A_2, %dma_start3A_93] : memref<16384x16xf32, #tpu.memory_space<hbm>> -> memref<512x16xf32, #tpu.memory_space<hbm>>
      %dma_start3A_95 = arith.constant 0 : i32
      %dma_start3A_96 = tpu.memref_slice %arg4[%mul3A_2, %dma_start3A_95] : memref<16384x16xf32, #tpu.memory_space<hbm>> -> memref<512x16xf32, #tpu.memory_space<hbm>>
      tpu.enqueue_dma source(%arg6 : memref<512x16xf32, #tpu.memory_space<vmem>>) target(%dma_start3A_96 : memref<512x16xf32, #tpu.memory_space<hbm>>) target_semaphore(%run_scoped3A_92 : memref<!tpu.dma_semaphore, #tpu.memory_space<semaphore_mem>>)
      %dma_wait3A_97 = arith.constant 0 : i32
      %dma_wait3A_98 = tpu.memref_slice %arg4[%mul3A_2, %dma_wait3A_97] : memref<16384x16xf32, #tpu.memory_space<hbm>> -> memref<512x16xf32, #tpu.memory_space<hbm>>
      %dma_wait3A_99 = arith.constant 0 : i32
      %dma_wait3A_100 = tpu.memref_slice %arg4[%mul3A_2, %dma_wait3A_99] : memref<16384x16xf32, #tpu.memory_space<hbm>> -> memref<512x16xf32, #tpu.memory_space<hbm>>
      tpu.wait_dma2 semaphore(%run_scoped3A_92 : memref<!tpu.dma_semaphore, #tpu.memory_space<semaphore_mem>>) src(%arg6 : memref<512x16xf32, #tpu.memory_space<vmem>>) dst(%dma_wait3A_100 : memref<512x16xf32, #tpu.memory_space<hbm>>)
      tpu.yield
    }) : () -> ()
    return
  }
}

#map = affine_map<(d0, d1) -> (0, 0)>
#map1 = affine_map<(d0, d1) -> (0)>
module attributes {stable_mosaic.version = 14 : i64} {
  func.func @_sc_gather(%arg0: i32, %arg1: i32, %arg2: memref<16384x16xf32, #tpu.memory_space<hbm>>, %arg3: memref<16384xi32, #tpu.memory_space<hbm>>, %arg4: memref<16384x16xf32, #tpu.memory_space<hbm>>, %arg5: memref<4x128xi32, #tpu.memory_space<vmem>>, %arg6: memref<512x16xf32, #tpu.memory_space<vmem>>, %arg7: memref<!tpu.dma_semaphore, #tpu.memory_space<semaphore_mem>>) attributes {dimension_semantics = [#tpu.dimension_semantics<core_parallel>, #tpu.dimension_semantics<subcore_parallel>], iteration_bounds = array<i64: 2, 16>, scalar_prefetch = 0 : i64, scratch_operands = 3 : i64, tpu.core_type = #tpu.core_type<sc_vector_subcore>, window_params = [{transform_indices = #map}, {transform_indices = #map1}, {transform_indices = #map}]} {
    %mul3A = arith.constant 2 : i32
    %mul3A_0 = arith.muli %arg1, %mul3A : i32
    %add3A = arith.addi %mul3A_0, %arg0 : i32
    %mul3A_1 = arith.constant 512 : i32
    %mul3A_2 = arith.muli %add3A, %mul3A_1 : i32
    %add3A_3 = arith.constant 0 : i32
    %add3A_4 = arith.addi %mul3A_2, %add3A_3 : i32
    %run_scoped3A = arith.constant 0 : i32
    "tpu.region"() ({
      %run_scoped3A_92 = tpu.sem_alloc : memref<!tpu.dma_semaphore, #tpu.memory_space<semaphore_mem>>
      %dma_start3A_93 = arith.constant 0 : i32
      %dma_start3A_94 = tpu.memref_slice %arg5[%run_scoped3A, %dma_start3A_93] : memref<4x128xi32, #tpu.memory_space<vmem>> -> memref<1x128xi32, #tpu.memory_space<vmem>>
      %dma_start3A_95 = tpu.memref_squeeze %dma_start3A_94 : memref<1x128xi32, #tpu.memory_space<vmem>> -> memref<128xi32, #tpu.memory_space<vmem>>
      %dma_start3A_96 = tpu.memref_slice %arg3[%add3A_4] : memref<16384xi32, #tpu.memory_space<hbm>> -> memref<128xi32, #tpu.memory_space<hbm>>
      %dma_start3A_97 = arith.constant 0 : i32
      %dma_start3A_98 = tpu.memref_slice %arg5[%run_scoped3A, %dma_start3A_97] : memref<4x128xi32, #tpu.memory_space<vmem>> -> memref<1x128xi32, #tpu.memory_space<vmem>>
      %dma_start3A_99 = tpu.memref_squeeze %dma_start3A_98 : memref<1x128xi32, #tpu.memory_space<vmem>> -> memref<128xi32, #tpu.memory_space<vmem>>
      %dma_start3A_100 = tpu.memref_slice %arg3[%add3A_4] : memref<16384xi32, #tpu.memory_space<hbm>> -> memref<128xi32, #tpu.memory_space<hbm>>
      tpu.enqueue_dma source(%dma_start3A_100 : memref<128xi32, #tpu.memory_space<hbm>>) target(%dma_start3A_99 : memref<128xi32, #tpu.memory_space<vmem>>) target_semaphore(%run_scoped3A_92 : memref<!tpu.dma_semaphore, #tpu.memory_space<semaphore_mem>>)
      %dma_wait3A_101 = arith.constant 0 : i32
      %dma_wait3A_102 = tpu.memref_slice %arg5[%run_scoped3A, %dma_wait3A_101] : memref<4x128xi32, #tpu.memory_space<vmem>> -> memref<1x128xi32, #tpu.memory_space<vmem>>
      %dma_wait3A_103 = tpu.memref_squeeze %dma_wait3A_102 : memref<1x128xi32, #tpu.memory_space<vmem>> -> memref<128xi32, #tpu.memory_space<vmem>>
      %dma_wait3A_104 = tpu.memref_slice %arg3[%add3A_4] : memref<16384xi32, #tpu.memory_space<hbm>> -> memref<128xi32, #tpu.memory_space<hbm>>
      %dma_wait3A_105 = arith.constant 0 : i32
      %dma_wait3A_106 = tpu.memref_slice %arg5[%run_scoped3A, %dma_wait3A_105] : memref<4x128xi32, #tpu.memory_space<vmem>> -> memref<1x128xi32, #tpu.memory_space<vmem>>
      %dma_wait3A_107 = tpu.memref_squeeze %dma_wait3A_106 : memref<1x128xi32, #tpu.memory_space<vmem>> -> memref<128xi32, #tpu.memory_space<vmem>>
      %dma_wait3A_108 = tpu.memref_slice %arg3[%add3A_4] : memref<16384xi32, #tpu.memory_space<hbm>> -> memref<128xi32, #tpu.memory_space<hbm>>
      tpu.wait_dma2 semaphore(%run_scoped3A_92 : memref<!tpu.dma_semaphore, #tpu.memory_space<semaphore_mem>>) src(%dma_wait3A_108 : memref<128xi32, #tpu.memory_space<hbm>>) dst(%dma_wait3A_107 : memref<128xi32, #tpu.memory_space<vmem>>)
      tpu.yield
    }) : () -> ()
    %add3A_5 = arith.constant 128 : i32
    %add3A_6 = arith.addi %mul3A_2, %add3A_5 : i32
    %run_scoped3A_7 = arith.constant 1 : i32
    "tpu.region"() ({
      %run_scoped3A_92 = tpu.sem_alloc : memref<!tpu.dma_semaphore, #tpu.memory_space<semaphore_mem>>
      %dma_start3A_93 = arith.constant 0 : i32
      %dma_start3A_94 = tpu.memref_slice %arg5[%run_scoped3A_7, %dma_start3A_93] : memref<4x128xi32, #tpu.memory_space<vmem>> -> memref<1x128xi32, #tpu.memory_space<vmem>>
      %dma_start3A_95 = tpu.memref_squeeze %dma_start3A_94 : memref<1x128xi32, #tpu.memory_space<vmem>> -> memref<128xi32, #tpu.memory_space<vmem>>
      %dma_start3A_96 = tpu.memref_slice %arg3[%add3A_6] : memref<16384xi32, #tpu.memory_space<hbm>> -> memref<128xi32, #tpu.memory_space<hbm>>
      %dma_start3A_97 = arith.constant 0 : i32
      %dma_start3A_98 = tpu.memref_slice %arg5[%run_scoped3A_7, %dma_start3A_97] : memref<4x128xi32, #tpu.memory_space<vmem>> -> memref<1x128xi32, #tpu.memory_space<vmem>>
      %dma_start3A_99 = tpu.memref_squeeze %dma_start3A_98 : memref<1x128xi32, #tpu.memory_space<vmem>> -> memref<128xi32, #tpu.memory_space<vmem>>
      %dma_start3A_100 = tpu.memref_slice %arg3[%add3A_6] : memref<16384xi32, #tpu.memory_space<hbm>> -> memref<128xi32, #tpu.memory_space<hbm>>
      tpu.enqueue_dma source(%dma_start3A_100 : memref<128xi32, #tpu.memory_space<hbm>>) target(%dma_start3A_99 : memref<128xi32, #tpu.memory_space<vmem>>) target_semaphore(%run_scoped3A_92 : memref<!tpu.dma_semaphore, #tpu.memory_space<semaphore_mem>>)
      %dma_wait3A_101 = arith.constant 0 : i32
      %dma_wait3A_102 = tpu.memref_slice %arg5[%run_scoped3A_7, %dma_wait3A_101] : memref<4x128xi32, #tpu.memory_space<vmem>> -> memref<1x128xi32, #tpu.memory_space<vmem>>
      %dma_wait3A_103 = tpu.memref_squeeze %dma_wait3A_102 : memref<1x128xi32, #tpu.memory_space<vmem>> -> memref<128xi32, #tpu.memory_space<vmem>>
      %dma_wait3A_104 = tpu.memref_slice %arg3[%add3A_6] : memref<16384xi32, #tpu.memory_space<hbm>> -> memref<128xi32, #tpu.memory_space<hbm>>
      %dma_wait3A_105 = arith.constant 0 : i32
      %dma_wait3A_106 = tpu.memref_slice %arg5[%run_scoped3A_7, %dma_wait3A_105] : memref<4x128xi32, #tpu.memory_space<vmem>> -> memref<1x128xi32, #tpu.memory_space<vmem>>
      %dma_wait3A_107 = tpu.memref_squeeze %dma_wait3A_106 : memref<1x128xi32, #tpu.memory_space<vmem>> -> memref<128xi32, #tpu.memory_space<vmem>>
      %dma_wait3A_108 = tpu.memref_slice %arg3[%add3A_6] : memref<16384xi32, #tpu.memory_space<hbm>> -> memref<128xi32, #tpu.memory_space<hbm>>
      tpu.wait_dma2 semaphore(%run_scoped3A_92 : memref<!tpu.dma_semaphore, #tpu.memory_space<semaphore_mem>>) src(%dma_wait3A_108 : memref<128xi32, #tpu.memory_space<hbm>>) dst(%dma_wait3A_107 : memref<128xi32, #tpu.memory_space<vmem>>)
      tpu.yield
    }) : () -> ()
    %add3A_8 = arith.constant 256 : i32
    %add3A_9 = arith.addi %mul3A_2, %add3A_8 : i32
    %run_scoped3A_10 = arith.constant 2 : i32
    "tpu.region"() ({
      %run_scoped3A_92 = tpu.sem_alloc : memref<!tpu.dma_semaphore, #tpu.memory_space<semaphore_mem>>
      %dma_start3A_93 = arith.constant 0 : i32
      %dma_start3A_94 = tpu.memref_slice %arg5[%run_scoped3A_10, %dma_start3A_93] : memref<4x128xi32, #tpu.memory_space<vmem>> -> memref<1x128xi32, #tpu.memory_space<vmem>>
      %dma_start3A_95 = tpu.memref_squeeze %dma_start3A_94 : memref<1x128xi32, #tpu.memory_space<vmem>> -> memref<128xi32, #tpu.memory_space<vmem>>
      %dma_start3A_96 = tpu.memref_slice %arg3[%add3A_9] : memref<16384xi32, #tpu.memory_space<hbm>> -> memref<128xi32, #tpu.memory_space<hbm>>
      %dma_start3A_97 = arith.constant 0 : i32
      %dma_start3A_98 = tpu.memref_slice %arg5[%run_scoped3A_10, %dma_start3A_97] : memref<4x128xi32, #tpu.memory_space<vmem>> -> memref<1x128xi32, #tpu.memory_space<vmem>>
      %dma_start3A_99 = tpu.memref_squeeze %dma_start3A_98 : memref<1x128xi32, #tpu.memory_space<vmem>> -> memref<128xi32, #tpu.memory_space<vmem>>
      %dma_start3A_100 = tpu.memref_slice %arg3[%add3A_9] : memref<16384xi32, #tpu.memory_space<hbm>> -> memref<128xi32, #tpu.memory_space<hbm>>
      tpu.enqueue_dma source(%dma_start3A_100 : memref<128xi32, #tpu.memory_space<hbm>>) target(%dma_start3A_99 : memref<128xi32, #tpu.memory_space<vmem>>) target_semaphore(%run_scoped3A_92 : memref<!tpu.dma_semaphore, #tpu.memory_space<semaphore_mem>>)
      %dma_wait3A_101 = arith.constant 0 : i32
      %dma_wait3A_102 = tpu.memref_slice %arg5[%run_scoped3A_10, %dma_wait3A_101] : memref<4x128xi32, #tpu.memory_space<vmem>> -> memref<1x128xi32, #tpu.memory_space<vmem>>
      %dma_wait3A_103 = tpu.memref_squeeze %dma_wait3A_102 : memref<1x128xi32, #tpu.memory_space<vmem>> -> memref<128xi32, #tpu.memory_space<vmem>>
      %dma_wait3A_104 = tpu.memref_slice %arg3[%add3A_9] : memref<16384xi32, #tpu.memory_space<hbm>> -> memref<128xi32, #tpu.memory_space<hbm>>
      %dma_wait3A_105 = arith.constant 0 : i32
      %dma_wait3A_106 = tpu.memref_slice %arg5[%run_scoped3A_10, %dma_wait3A_105] : memref<4x128xi32, #tpu.memory_space<vmem>> -> memref<1x128xi32, #tpu.memory_space<vmem>>
      %dma_wait3A_107 = tpu.memref_squeeze %dma_wait3A_106 : memref<1x128xi32, #tpu.memory_space<vmem>> -> memref<128xi32, #tpu.memory_space<vmem>>
      %dma_wait3A_108 = tpu.memref_slice %arg3[%add3A_9] : memref<16384xi32, #tpu.memory_space<hbm>> -> memref<128xi32, #tpu.memory_space<hbm>>
      tpu.wait_dma2 semaphore(%run_scoped3A_92 : memref<!tpu.dma_semaphore, #tpu.memory_space<semaphore_mem>>) src(%dma_wait3A_108 : memref<128xi32, #tpu.memory_space<hbm>>) dst(%dma_wait3A_107 : memref<128xi32, #tpu.memory_space<vmem>>)
      tpu.yield
    }) : () -> ()
    %add3A_11 = arith.constant 384 : i32
    %add3A_12 = arith.addi %mul3A_2, %add3A_11 : i32
    %run_scoped3A_13 = arith.constant 3 : i32
    "tpu.region"() ({
      %run_scoped3A_92 = tpu.sem_alloc : memref<!tpu.dma_semaphore, #tpu.memory_space<semaphore_mem>>
      %dma_start3A_93 = arith.constant 0 : i32
      %dma_start3A_94 = tpu.memref_slice %arg5[%run_scoped3A_13, %dma_start3A_93] : memref<4x128xi32, #tpu.memory_space<vmem>> -> memref<1x128xi32, #tpu.memory_space<vmem>>
      %dma_start3A_95 = tpu.memref_squeeze %dma_start3A_94 : memref<1x128xi32, #tpu.memory_space<vmem>> -> memref<128xi32, #tpu.memory_space<vmem>>
      %dma_start3A_96 = tpu.memref_slice %arg3[%add3A_12] : memref<16384xi32, #tpu.memory_space<hbm>> -> memref<128xi32, #tpu.memory_space<hbm>>
      %dma_start3A_97 = arith.constant 0 : i32
      %dma_start3A_98 = tpu.memref_slice %arg5[%run_scoped3A_13, %dma_start3A_97] : memref<4x128xi32, #tpu.memory_space<vmem>> -> memref<1x128xi32, #tpu.memory_space<vmem>>
      %dma_start3A_99 = tpu.memref_squeeze %dma_start3A_98 : memref<1x128xi32, #tpu.memory_space<vmem>> -> memref<128xi32, #tpu.memory_space<vmem>>
      %dma_start3A_100 = tpu.memref_slice %arg3[%add3A_12] : memref<16384xi32, #tpu.memory_space<hbm>> -> memref<128xi32, #tpu.memory_space<hbm>>
      tpu.enqueue_dma source(%dma_start3A_100 : memref<128xi32, #tpu.memory_space<hbm>>) target(%dma_start3A_99 : memref<128xi32, #tpu.memory_space<vmem>>) target_semaphore(%run_scoped3A_92 : memref<!tpu.dma_semaphore, #tpu.memory_space<semaphore_mem>>)
      %dma_wait3A_101 = arith.constant 0 : i32
      %dma_wait3A_102 = tpu.memref_slice %arg5[%run_scoped3A_13, %dma_wait3A_101] : memref<4x128xi32, #tpu.memory_space<vmem>> -> memref<1x128xi32, #tpu.memory_space<vmem>>
      %dma_wait3A_103 = tpu.memref_squeeze %dma_wait3A_102 : memref<1x128xi32, #tpu.memory_space<vmem>> -> memref<128xi32, #tpu.memory_space<vmem>>
      %dma_wait3A_104 = tpu.memref_slice %arg3[%add3A_12] : memref<16384xi32, #tpu.memory_space<hbm>> -> memref<128xi32, #tpu.memory_space<hbm>>
      %dma_wait3A_105 = arith.constant 0 : i32
      %dma_wait3A_106 = tpu.memref_slice %arg5[%run_scoped3A_13, %dma_wait3A_105] : memref<4x128xi32, #tpu.memory_space<vmem>> -> memref<1x128xi32, #tpu.memory_space<vmem>>
      %dma_wait3A_107 = tpu.memref_squeeze %dma_wait3A_106 : memref<1x128xi32, #tpu.memory_space<vmem>> -> memref<128xi32, #tpu.memory_space<vmem>>
      %dma_wait3A_108 = tpu.memref_slice %arg3[%add3A_12] : memref<16384xi32, #tpu.memory_space<hbm>> -> memref<128xi32, #tpu.memory_space<hbm>>
      tpu.wait_dma2 semaphore(%run_scoped3A_92 : memref<!tpu.dma_semaphore, #tpu.memory_space<semaphore_mem>>) src(%dma_wait3A_108 : memref<128xi32, #tpu.memory_space<hbm>>) dst(%dma_wait3A_107 : memref<128xi32, #tpu.memory_space<vmem>>)
      tpu.yield
    }) : () -> ()
    %dma_start3A = arith.constant 0 : i32
    %dma_start3A_14 = arith.constant 0 : i32
    %dma_start3A_15 = arith.constant 0 : i32
    %dma_start3A_16 = tpu.memref_slice %arg6[%dma_start3A_14, %dma_start3A_15] : memref<512x16xf32, #tpu.memory_space<vmem>> -> memref<128x16xf32, #tpu.memory_space<vmem>>
    %dma_start3A_17 = arith.constant 0 : i32
    %dma_start3A_18 = tpu.memref_slice %arg5[%dma_start3A, %dma_start3A_17] : memref<4x128xi32, #tpu.memory_space<vmem>> -> memref<1x128xi32, #tpu.memory_space<vmem>>
    %dma_start3A_19 = tpu.memref_squeeze %dma_start3A_18 : memref<1x128xi32, #tpu.memory_space<vmem>> -> memref<128xi32, #tpu.memory_space<vmem>>
    %dma_start3A_20 = arith.constant 0 : i32
    %dma_start3A_21 = arith.constant 0 : i32
    %dma_start3A_22 = tpu.memref_slice %arg2[%dma_start3A_20, %dma_start3A_21] : memref<16384x16xf32, #tpu.memory_space<hbm>> -> memref<16384x16xf32, #tpu.memory_space<hbm>>
    tpu.enqueue_indirect_dma source(%dma_start3A_22 : memref<16384x16xf32, #tpu.memory_space<hbm>>) target(%dma_start3A_16 : memref<128x16xf32, #tpu.memory_space<vmem>>) offsets(%dma_start3A_19 : memref<128xi32, #tpu.memory_space<vmem>>) semaphore(%arg7 : memref<!tpu.dma_semaphore, #tpu.memory_space<semaphore_mem>>)
    %dma_wait3A = arith.constant 0 : i32
    %dma_wait3A_23 = arith.constant 0 : i32
    %dma_wait3A_24 = arith.constant 0 : i32
    %dma_wait3A_25 = tpu.memref_slice %arg6[%dma_wait3A_23, %dma_wait3A_24] : memref<512x16xf32, #tpu.memory_space<vmem>> -> memref<128x16xf32, #tpu.memory_space<vmem>>
    %dma_wait3A_26 = arith.constant 0 : i32
    %dma_wait3A_27 = tpu.memref_slice %arg5[%dma_wait3A, %dma_wait3A_26] : memref<4x128xi32, #tpu.memory_space<vmem>> -> memref<1x128xi32, #tpu.memory_space<vmem>>
    %dma_wait3A_28 = tpu.memref_squeeze %dma_wait3A_27 : memref<1x128xi32, #tpu.memory_space<vmem>> -> memref<128xi32, #tpu.memory_space<vmem>>
    %dma_wait3A_29 = arith.constant 0 : i32
    %dma_wait3A_30 = arith.constant 0 : i32
    %dma_wait3A_31 = tpu.memref_slice %arg2[%dma_wait3A_29, %dma_wait3A_30] : memref<16384x16xf32, #tpu.memory_space<hbm>> -> memref<16384x16xf32, #tpu.memory_space<hbm>>
    tpu.wait_indirect_dma semaphore(%arg7 : memref<!tpu.dma_semaphore, #tpu.memory_space<semaphore_mem>>) src(%dma_wait3A_31 : memref<16384x16xf32, #tpu.memory_space<hbm>>) dst(%dma_wait3A_25 : memref<128x16xf32, #tpu.memory_space<vmem>>)
    %dma_start3A_32 = arith.constant 1 : i32
    %dma_start3A_33 = arith.constant 128 : i32
    %dma_start3A_34 = arith.constant 0 : i32
    %dma_start3A_35 = tpu.memref_slice %arg6[%dma_start3A_33, %dma_start3A_34] : memref<512x16xf32, #tpu.memory_space<vmem>> -> memref<128x16xf32, #tpu.memory_space<vmem>>
    %dma_start3A_36 = arith.constant 0 : i32
    %dma_start3A_37 = tpu.memref_slice %arg5[%dma_start3A_32, %dma_start3A_36] : memref<4x128xi32, #tpu.memory_space<vmem>> -> memref<1x128xi32, #tpu.memory_space<vmem>>
    %dma_start3A_38 = tpu.memref_squeeze %dma_start3A_37 : memref<1x128xi32, #tpu.memory_space<vmem>> -> memref<128xi32, #tpu.memory_space<vmem>>
    %dma_start3A_39 = arith.constant 0 : i32
    %dma_start3A_40 = arith.constant 0 : i32
    %dma_start3A_41 = tpu.memref_slice %arg2[%dma_start3A_39, %dma_start3A_40] : memref<16384x16xf32, #tpu.memory_space<hbm>> -> memref<16384x16xf32, #tpu.memory_space<hbm>>
    tpu.enqueue_indirect_dma source(%dma_start3A_41 : memref<16384x16xf32, #tpu.memory_space<hbm>>) target(%dma_start3A_35 : memref<128x16xf32, #tpu.memory_space<vmem>>) offsets(%dma_start3A_38 : memref<128xi32, #tpu.memory_space<vmem>>) semaphore(%arg7 : memref<!tpu.dma_semaphore, #tpu.memory_space<semaphore_mem>>)
    %dma_wait3A_42 = arith.constant 1 : i32
    %dma_wait3A_43 = arith.constant 128 : i32
    %dma_wait3A_44 = arith.constant 0 : i32
    %dma_wait3A_45 = tpu.memref_slice %arg6[%dma_wait3A_43, %dma_wait3A_44] : memref<512x16xf32, #tpu.memory_space<vmem>> -> memref<128x16xf32, #tpu.memory_space<vmem>>
    %dma_wait3A_46 = arith.constant 0 : i32
    %dma_wait3A_47 = tpu.memref_slice %arg5[%dma_wait3A_42, %dma_wait3A_46] : memref<4x128xi32, #tpu.memory_space<vmem>> -> memref<1x128xi32, #tpu.memory_space<vmem>>
    %dma_wait3A_48 = tpu.memref_squeeze %dma_wait3A_47 : memref<1x128xi32, #tpu.memory_space<vmem>> -> memref<128xi32, #tpu.memory_space<vmem>>
    %dma_wait3A_49 = arith.constant 0 : i32
    %dma_wait3A_50 = arith.constant 0 : i32
    %dma_wait3A_51 = tpu.memref_slice %arg2[%dma_wait3A_49, %dma_wait3A_50] : memref<16384x16xf32, #tpu.memory_space<hbm>> -> memref<16384x16xf32, #tpu.memory_space<hbm>>
    tpu.wait_indirect_dma semaphore(%arg7 : memref<!tpu.dma_semaphore, #tpu.memory_space<semaphore_mem>>) src(%dma_wait3A_51 : memref<16384x16xf32, #tpu.memory_space<hbm>>) dst(%dma_wait3A_45 : memref<128x16xf32, #tpu.memory_space<vmem>>)
    %dma_start3A_52 = arith.constant 2 : i32
    %dma_start3A_53 = arith.constant 256 : i32
    %dma_start3A_54 = arith.constant 0 : i32
    %dma_start3A_55 = tpu.memref_slice %arg6[%dma_start3A_53, %dma_start3A_54] : memref<512x16xf32, #tpu.memory_space<vmem>> -> memref<128x16xf32, #tpu.memory_space<vmem>>
    %dma_start3A_56 = arith.constant 0 : i32
    %dma_start3A_57 = tpu.memref_slice %arg5[%dma_start3A_52, %dma_start3A_56] : memref<4x128xi32, #tpu.memory_space<vmem>> -> memref<1x128xi32, #tpu.memory_space<vmem>>
    %dma_start3A_58 = tpu.memref_squeeze %dma_start3A_57 : memref<1x128xi32, #tpu.memory_space<vmem>> -> memref<128xi32, #tpu.memory_space<vmem>>
    %dma_start3A_59 = arith.constant 0 : i32
    %dma_start3A_60 = arith.constant 0 : i32
    %dma_start3A_61 = tpu.memref_slice %arg2[%dma_start3A_59, %dma_start3A_60] : memref<16384x16xf32, #tpu.memory_space<hbm>> -> memref<16384x16xf32, #tpu.memory_space<hbm>>
    tpu.enqueue_indirect_dma source(%dma_start3A_61 : memref<16384x16xf32, #tpu.memory_space<hbm>>) target(%dma_start3A_55 : memref<128x16xf32, #tpu.memory_space<vmem>>) offsets(%dma_start3A_58 : memref<128xi32, #tpu.memory_space<vmem>>) semaphore(%arg7 : memref<!tpu.dma_semaphore, #tpu.memory_space<semaphore_mem>>)
    %dma_wait3A_62 = arith.constant 2 : i32
    %dma_wait3A_63 = arith.constant 256 : i32
    %dma_wait3A_64 = arith.constant 0 : i32
    %dma_wait3A_65 = tpu.memref_slice %arg6[%dma_wait3A_63, %dma_wait3A_64] : memref<512x16xf32, #tpu.memory_space<vmem>> -> memref<128x16xf32, #tpu.memory_space<vmem>>
    %dma_wait3A_66 = arith.constant 0 : i32
    %dma_wait3A_67 = tpu.memref_slice %arg5[%dma_wait3A_62, %dma_wait3A_66] : memref<4x128xi32, #tpu.memory_space<vmem>> -> memref<1x128xi32, #tpu.memory_space<vmem>>
    %dma_wait3A_68 = tpu.memref_squeeze %dma_wait3A_67 : memref<1x128xi32, #tpu.memory_space<vmem>> -> memref<128xi32, #tpu.memory_space<vmem>>
    %dma_wait3A_69 = arith.constant 0 : i32
    %dma_wait3A_70 = arith.constant 0 : i32
    %dma_wait3A_71 = tpu.memref_slice %arg2[%dma_wait3A_69, %dma_wait3A_70] : memref<16384x16xf32, #tpu.memory_space<hbm>> -> memref<16384x16xf32, #tpu.memory_space<hbm>>
    tpu.wait_indirect_dma semaphore(%arg7 : memref<!tpu.dma_semaphore, #tpu.memory_space<semaphore_mem>>) src(%dma_wait3A_71 : memref<16384x16xf32, #tpu.memory_space<hbm>>) dst(%dma_wait3A_65 : memref<128x16xf32, #tpu.memory_space<vmem>>)
    %dma_start3A_72 = arith.constant 3 : i32
    %dma_start3A_73 = arith.constant 384 : i32
    %dma_start3A_74 = arith.constant 0 : i32
    %dma_start3A_75 = tpu.memref_slice %arg6[%dma_start3A_73, %dma_start3A_74] : memref<512x16xf32, #tpu.memory_space<vmem>> -> memref<128x16xf32, #tpu.memory_space<vmem>>
    %dma_start3A_76 = arith.constant 0 : i32
    %dma_start3A_77 = tpu.memref_slice %arg5[%dma_start3A_72, %dma_start3A_76] : memref<4x128xi32, #tpu.memory_space<vmem>> -> memref<1x128xi32, #tpu.memory_space<vmem>>
    %dma_start3A_78 = tpu.memref_squeeze %dma_start3A_77 : memref<1x128xi32, #tpu.memory_space<vmem>> -> memref<128xi32, #tpu.memory_space<vmem>>
    %dma_start3A_79 = arith.constant 0 : i32
    %dma_start3A_80 = arith.constant 0 : i32
    %dma_start3A_81 = tpu.memref_slice %arg2[%dma_start3A_79, %dma_start3A_80] : memref<16384x16xf32, #tpu.memory_space<hbm>> -> memref<16384x16xf32, #tpu.memory_space<hbm>>
    tpu.enqueue_indirect_dma source(%dma_start3A_81 : memref<16384x16xf32, #tpu.memory_space<hbm>>) target(%dma_start3A_75 : memref<128x16xf32, #tpu.memory_space<vmem>>) offsets(%dma_start3A_78 : memref<128xi32, #tpu.memory_space<vmem>>) semaphore(%arg7 : memref<!tpu.dma_semaphore, #tpu.memory_space<semaphore_mem>>)
    %dma_wait3A_82 = arith.constant 3 : i32
    %dma_wait3A_83 = arith.constant 384 : i32
    %dma_wait3A_84 = arith.constant 0 : i32
    %dma_wait3A_85 = tpu.memref_slice %arg6[%dma_wait3A_83, %dma_wait3A_84] : memref<512x16xf32, #tpu.memory_space<vmem>> -> memref<128x16xf32, #tpu.memory_space<vmem>>
    %dma_wait3A_86 = arith.constant 0 : i32
    %dma_wait3A_87 = tpu.memref_slice %arg5[%dma_wait3A_82, %dma_wait3A_86] : memref<4x128xi32, #tpu.memory_space<vmem>> -> memref<1x128xi32, #tpu.memory_space<vmem>>
    %dma_wait3A_88 = tpu.memref_squeeze %dma_wait3A_87 : memref<1x128xi32, #tpu.memory_space<vmem>> -> memref<128xi32, #tpu.memory_space<vmem>>
    %dma_wait3A_89 = arith.constant 0 : i32
    %dma_wait3A_90 = arith.constant 0 : i32
    %dma_wait3A_91 = tpu.memref_slice %arg2[%dma_wait3A_89, %dma_wait3A_90] : memref<16384x16xf32, #tpu.memory_space<hbm>> -> memref<16384x16xf32, #tpu.memory_space<hbm>>
    tpu.wait_indirect_dma semaphore(%arg7 : memref<!tpu.dma_semaphore, #tpu.memory_space<semaphore_mem>>) src(%dma_wait3A_91 : memref<16384x16xf32, #tpu.memory_space<hbm>>) dst(%dma_wait3A_85 : memref<128x16xf32, #tpu.memory_space<vmem>>)
    "tpu.region"() ({
      %run_scoped3A_92 = tpu.sem_alloc : memref<!tpu.dma_semaphore, #tpu.memory_space<semaphore_mem>>
      %dma_start3A_93 = arith.constant 0 : i32
      %dma_start3A_94 = tpu.memref_slice %arg4[%mul3A_2, %dma_start3A_93] : memref<16384x16xf32, #tpu.memory_space<hbm>> -> memref<512x16xf32, #tpu.memory_space<hbm>>
      %dma_start3A_95 = arith.constant 0 : i32
      %dma_start3A_96 = tpu.memref_slice %arg4[%mul3A_2, %dma_start3A_95] : memref<16384x16xf32, #tpu.memory_space<hbm>> -> memref<512x16xf32, #tpu.memory_space<hbm>>
      tpu.enqueue_dma source(%arg6 : memref<512x16xf32, #tpu.memory_space<vmem>>) target(%dma_start3A_96 : memref<512x16xf32, #tpu.memory_space<hbm>>) target_semaphore(%run_scoped3A_92 : memref<!tpu.dma_semaphore, #tpu.memory_space<semaphore_mem>>)
      %dma_wait3A_97 = arith.constant 0 : i32
      %dma_wait3A_98 = tpu.memref_slice %arg4[%mul3A_2, %dma_wait3A_97] : memref<16384x16xf32, #tpu.memory_space<hbm>> -> memref<512x16xf32, #tpu.memory_space<hbm>>
      %dma_wait3A_99 = arith.constant 0 : i32
      %dma_wait3A_100 = tpu.memref_slice %arg4[%mul3A_2, %dma_wait3A_99] : memref<16384x16xf32, #tpu.memory_space<hbm>> -> memref<512x16xf32, #tpu.memory_space<hbm>>
      tpu.wait_dma2 semaphore(%run_scoped3A_92 : memref<!tpu.dma_semaphore, #tpu.memory_space<semaphore_mem>>) src(%arg6 : memref<512x16xf32, #tpu.memory_space<vmem>>) dst(%dma_wait3A_100 : memref<512x16xf32, #tpu.memory_space<hbm>>)
      tpu.yield
    }) : () -> ()
    return
  }
}

#map = affine_map<(d0, d1) -> (0, 0)>
#map1 = affine_map<(d0, d1) -> (0)>
module attributes {stable_mosaic.version = 14 : i64} {
  func.func @_sc_gather(%arg0: i32, %arg1: i32, %arg2: memref<16384x16xf32, #tpu.memory_space<hbm>>, %arg3: memref<16384xi32, #tpu.memory_space<hbm>>, %arg4: memref<16384x16xf32, #tpu.memory_space<hbm>>, %arg5: memref<4x128xi32, #tpu.memory_space<vmem>>, %arg6: memref<512x16xf32, #tpu.memory_space<vmem>>, %arg7: memref<!tpu.dma_semaphore, #tpu.memory_space<semaphore_mem>>) attributes {dimension_semantics = [#tpu.dimension_semantics<core_parallel>, #tpu.dimension_semantics<subcore_parallel>], iteration_bounds = array<i64: 2, 16>, scalar_prefetch = 0 : i64, scratch_operands = 3 : i64, tpu.core_type = #tpu.core_type<sc_vector_subcore>, window_params = [{transform_indices = #map}, {transform_indices = #map1}, {transform_indices = #map}]} {
    %mul3A = arith.constant 2 : i32
    %mul3A_0 = arith.muli %arg1, %mul3A : i32
    %add3A = arith.addi %mul3A_0, %arg0 : i32
    %mul3A_1 = arith.constant 512 : i32
    %mul3A_2 = arith.muli %add3A, %mul3A_1 : i32
    %add3A_3 = arith.constant 0 : i32
    %add3A_4 = arith.addi %mul3A_2, %add3A_3 : i32
    %run_scoped3A = arith.constant 0 : i32
    "tpu.region"() ({
      %run_scoped3A_92 = tpu.sem_alloc : memref<!tpu.dma_semaphore, #tpu.memory_space<semaphore_mem>>
      %dma_start3A_93 = arith.constant 0 : i32
      %dma_start3A_94 = tpu.memref_slice %arg5[%run_scoped3A, %dma_start3A_93] : memref<4x128xi32, #tpu.memory_space<vmem>> -> memref<1x128xi32, #tpu.memory_space<vmem>>
      %dma_start3A_95 = tpu.memref_squeeze %dma_start3A_94 : memref<1x128xi32, #tpu.memory_space<vmem>> -> memref<128xi32, #tpu.memory_space<vmem>>
      %dma_start3A_96 = tpu.memref_slice %arg3[%add3A_4] : memref<16384xi32, #tpu.memory_space<hbm>> -> memref<128xi32, #tpu.memory_space<hbm>>
      %dma_start3A_97 = arith.constant 0 : i32
      %dma_start3A_98 = tpu.memref_slice %arg5[%run_scoped3A, %dma_start3A_97] : memref<4x128xi32, #tpu.memory_space<vmem>> -> memref<1x128xi32, #tpu.memory_space<vmem>>
      %dma_start3A_99 = tpu.memref_squeeze %dma_start3A_98 : memref<1x128xi32, #tpu.memory_space<vmem>> -> memref<128xi32, #tpu.memory_space<vmem>>
      %dma_start3A_100 = tpu.memref_slice %arg3[%add3A_4] : memref<16384xi32, #tpu.memory_space<hbm>> -> memref<128xi32, #tpu.memory_space<hbm>>
      tpu.enqueue_dma source(%dma_start3A_100 : memref<128xi32, #tpu.memory_space<hbm>>) target(%dma_start3A_99 : memref<128xi32, #tpu.memory_space<vmem>>) target_semaphore(%run_scoped3A_92 : memref<!tpu.dma_semaphore, #tpu.memory_space<semaphore_mem>>)
      %dma_wait3A_101 = arith.constant 0 : i32
      %dma_wait3A_102 = tpu.memref_slice %arg5[%run_scoped3A, %dma_wait3A_101] : memref<4x128xi32, #tpu.memory_space<vmem>> -> memref<1x128xi32, #tpu.memory_space<vmem>>
      %dma_wait3A_103 = tpu.memref_squeeze %dma_wait3A_102 : memref<1x128xi32, #tpu.memory_space<vmem>> -> memref<128xi32, #tpu.memory_space<vmem>>
      %dma_wait3A_104 = tpu.memref_slice %arg3[%add3A_4] : memref<16384xi32, #tpu.memory_space<hbm>> -> memref<128xi32, #tpu.memory_space<hbm>>
      %dma_wait3A_105 = arith.constant 0 : i32
      %dma_wait3A_106 = tpu.memref_slice %arg5[%run_scoped3A, %dma_wait3A_105] : memref<4x128xi32, #tpu.memory_space<vmem>> -> memref<1x128xi32, #tpu.memory_space<vmem>>
      %dma_wait3A_107 = tpu.memref_squeeze %dma_wait3A_106 : memref<1x128xi32, #tpu.memory_space<vmem>> -> memref<128xi32, #tpu.memory_space<vmem>>
      %dma_wait3A_108 = tpu.memref_slice %arg3[%add3A_4] : memref<16384xi32, #tpu.memory_space<hbm>> -> memref<128xi32, #tpu.memory_space<hbm>>
      tpu.wait_dma2 semaphore(%run_scoped3A_92 : memref<!tpu.dma_semaphore, #tpu.memory_space<semaphore_mem>>) src(%dma_wait3A_108 : memref<128xi32, #tpu.memory_space<hbm>>) dst(%dma_wait3A_107 : memref<128xi32, #tpu.memory_space<vmem>>)
      tpu.yield
    }) : () -> ()
    %add3A_5 = arith.constant 128 : i32
    %add3A_6 = arith.addi %mul3A_2, %add3A_5 : i32
    %run_scoped3A_7 = arith.constant 1 : i32
    "tpu.region"() ({
      %run_scoped3A_92 = tpu.sem_alloc : memref<!tpu.dma_semaphore, #tpu.memory_space<semaphore_mem>>
      %dma_start3A_93 = arith.constant 0 : i32
      %dma_start3A_94 = tpu.memref_slice %arg5[%run_scoped3A_7, %dma_start3A_93] : memref<4x128xi32, #tpu.memory_space<vmem>> -> memref<1x128xi32, #tpu.memory_space<vmem>>
      %dma_start3A_95 = tpu.memref_squeeze %dma_start3A_94 : memref<1x128xi32, #tpu.memory_space<vmem>> -> memref<128xi32, #tpu.memory_space<vmem>>
      %dma_start3A_96 = tpu.memref_slice %arg3[%add3A_6] : memref<16384xi32, #tpu.memory_space<hbm>> -> memref<128xi32, #tpu.memory_space<hbm>>
      %dma_start3A_97 = arith.constant 0 : i32
      %dma_start3A_98 = tpu.memref_slice %arg5[%run_scoped3A_7, %dma_start3A_97] : memref<4x128xi32, #tpu.memory_space<vmem>> -> memref<1x128xi32, #tpu.memory_space<vmem>>
      %dma_start3A_99 = tpu.memref_squeeze %dma_start3A_98 : memref<1x128xi32, #tpu.memory_space<vmem>> -> memref<128xi32, #tpu.memory_space<vmem>>
      %dma_start3A_100 = tpu.memref_slice %arg3[%add3A_6] : memref<16384xi32, #tpu.memory_space<hbm>> -> memref<128xi32, #tpu.memory_space<hbm>>
      tpu.enqueue_dma source(%dma_start3A_100 : memref<128xi32, #tpu.memory_space<hbm>>) target(%dma_start3A_99 : memref<128xi32, #tpu.memory_space<vmem>>) target_semaphore(%run_scoped3A_92 : memref<!tpu.dma_semaphore, #tpu.memory_space<semaphore_mem>>)
      %dma_wait3A_101 = arith.constant 0 : i32
      %dma_wait3A_102 = tpu.memref_slice %arg5[%run_scoped3A_7, %dma_wait3A_101] : memref<4x128xi32, #tpu.memory_space<vmem>> -> memref<1x128xi32, #tpu.memory_space<vmem>>
      %dma_wait3A_103 = tpu.memref_squeeze %dma_wait3A_102 : memref<1x128xi32, #tpu.memory_space<vmem>> -> memref<128xi32, #tpu.memory_space<vmem>>
      %dma_wait3A_104 = tpu.memref_slice %arg3[%add3A_6] : memref<16384xi32, #tpu.memory_space<hbm>> -> memref<128xi32, #tpu.memory_space<hbm>>
      %dma_wait3A_105 = arith.constant 0 : i32
      %dma_wait3A_106 = tpu.memref_slice %arg5[%run_scoped3A_7, %dma_wait3A_105] : memref<4x128xi32, #tpu.memory_space<vmem>> -> memref<1x128xi32, #tpu.memory_space<vmem>>
      %dma_wait3A_107 = tpu.memref_squeeze %dma_wait3A_106 : memref<1x128xi32, #tpu.memory_space<vmem>> -> memref<128xi32, #tpu.memory_space<vmem>>
      %dma_wait3A_108 = tpu.memref_slice %arg3[%add3A_6] : memref<16384xi32, #tpu.memory_space<hbm>> -> memref<128xi32, #tpu.memory_space<hbm>>
      tpu.wait_dma2 semaphore(%run_scoped3A_92 : memref<!tpu.dma_semaphore, #tpu.memory_space<semaphore_mem>>) src(%dma_wait3A_108 : memref<128xi32, #tpu.memory_space<hbm>>) dst(%dma_wait3A_107 : memref<128xi32, #tpu.memory_space<vmem>>)
      tpu.yield
    }) : () -> ()
    %add3A_8 = arith.constant 256 : i32
    %add3A_9 = arith.addi %mul3A_2, %add3A_8 : i32
    %run_scoped3A_10 = arith.constant 2 : i32
    "tpu.region"() ({
      %run_scoped3A_92 = tpu.sem_alloc : memref<!tpu.dma_semaphore, #tpu.memory_space<semaphore_mem>>
      %dma_start3A_93 = arith.constant 0 : i32
      %dma_start3A_94 = tpu.memref_slice %arg5[%run_scoped3A_10, %dma_start3A_93] : memref<4x128xi32, #tpu.memory_space<vmem>> -> memref<1x128xi32, #tpu.memory_space<vmem>>
      %dma_start3A_95 = tpu.memref_squeeze %dma_start3A_94 : memref<1x128xi32, #tpu.memory_space<vmem>> -> memref<128xi32, #tpu.memory_space<vmem>>
      %dma_start3A_96 = tpu.memref_slice %arg3[%add3A_9] : memref<16384xi32, #tpu.memory_space<hbm>> -> memref<128xi32, #tpu.memory_space<hbm>>
      %dma_start3A_97 = arith.constant 0 : i32
      %dma_start3A_98 = tpu.memref_slice %arg5[%run_scoped3A_10, %dma_start3A_97] : memref<4x128xi32, #tpu.memory_space<vmem>> -> memref<1x128xi32, #tpu.memory_space<vmem>>
      %dma_start3A_99 = tpu.memref_squeeze %dma_start3A_98 : memref<1x128xi32, #tpu.memory_space<vmem>> -> memref<128xi32, #tpu.memory_space<vmem>>
      %dma_start3A_100 = tpu.memref_slice %arg3[%add3A_9] : memref<16384xi32, #tpu.memory_space<hbm>> -> memref<128xi32, #tpu.memory_space<hbm>>
      tpu.enqueue_dma source(%dma_start3A_100 : memref<128xi32, #tpu.memory_space<hbm>>) target(%dma_start3A_99 : memref<128xi32, #tpu.memory_space<vmem>>) target_semaphore(%run_scoped3A_92 : memref<!tpu.dma_semaphore, #tpu.memory_space<semaphore_mem>>)
      %dma_wait3A_101 = arith.constant 0 : i32
      %dma_wait3A_102 = tpu.memref_slice %arg5[%run_scoped3A_10, %dma_wait3A_101] : memref<4x128xi32, #tpu.memory_space<vmem>> -> memref<1x128xi32, #tpu.memory_space<vmem>>
      %dma_wait3A_103 = tpu.memref_squeeze %dma_wait3A_102 : memref<1x128xi32, #tpu.memory_space<vmem>> -> memref<128xi32, #tpu.memory_space<vmem>>
      %dma_wait3A_104 = tpu.memref_slice %arg3[%add3A_9] : memref<16384xi32, #tpu.memory_space<hbm>> -> memref<128xi32, #tpu.memory_space<hbm>>
      %dma_wait3A_105 = arith.constant 0 : i32
      %dma_wait3A_106 = tpu.memref_slice %arg5[%run_scoped3A_10, %dma_wait3A_105] : memref<4x128xi32, #tpu.memory_space<vmem>> -> memref<1x128xi32, #tpu.memory_space<vmem>>
      %dma_wait3A_107 = tpu.memref_squeeze %dma_wait3A_106 : memref<1x128xi32, #tpu.memory_space<vmem>> -> memref<128xi32, #tpu.memory_space<vmem>>
      %dma_wait3A_108 = tpu.memref_slice %arg3[%add3A_9] : memref<16384xi32, #tpu.memory_space<hbm>> -> memref<128xi32, #tpu.memory_space<hbm>>
      tpu.wait_dma2 semaphore(%run_scoped3A_92 : memref<!tpu.dma_semaphore, #tpu.memory_space<semaphore_mem>>) src(%dma_wait3A_108 : memref<128xi32, #tpu.memory_space<hbm>>) dst(%dma_wait3A_107 : memref<128xi32, #tpu.memory_space<vmem>>)
      tpu.yield
    }) : () -> ()
    %add3A_11 = arith.constant 384 : i32
    %add3A_12 = arith.addi %mul3A_2, %add3A_11 : i32
    %run_scoped3A_13 = arith.constant 3 : i32
    "tpu.region"() ({
      %run_scoped3A_92 = tpu.sem_alloc : memref<!tpu.dma_semaphore, #tpu.memory_space<semaphore_mem>>
      %dma_start3A_93 = arith.constant 0 : i32
      %dma_start3A_94 = tpu.memref_slice %arg5[%run_scoped3A_13, %dma_start3A_93] : memref<4x128xi32, #tpu.memory_space<vmem>> -> memref<1x128xi32, #tpu.memory_space<vmem>>
      %dma_start3A_95 = tpu.memref_squeeze %dma_start3A_94 : memref<1x128xi32, #tpu.memory_space<vmem>> -> memref<128xi32, #tpu.memory_space<vmem>>
      %dma_start3A_96 = tpu.memref_slice %arg3[%add3A_12] : memref<16384xi32, #tpu.memory_space<hbm>> -> memref<128xi32, #tpu.memory_space<hbm>>
      %dma_start3A_97 = arith.constant 0 : i32
      %dma_start3A_98 = tpu.memref_slice %arg5[%run_scoped3A_13, %dma_start3A_97] : memref<4x128xi32, #tpu.memory_space<vmem>> -> memref<1x128xi32, #tpu.memory_space<vmem>>
      %dma_start3A_99 = tpu.memref_squeeze %dma_start3A_98 : memref<1x128xi32, #tpu.memory_space<vmem>> -> memref<128xi32, #tpu.memory_space<vmem>>
      %dma_start3A_100 = tpu.memref_slice %arg3[%add3A_12] : memref<16384xi32, #tpu.memory_space<hbm>> -> memref<128xi32, #tpu.memory_space<hbm>>
      tpu.enqueue_dma source(%dma_start3A_100 : memref<128xi32, #tpu.memory_space<hbm>>) target(%dma_start3A_99 : memref<128xi32, #tpu.memory_space<vmem>>) target_semaphore(%run_scoped3A_92 : memref<!tpu.dma_semaphore, #tpu.memory_space<semaphore_mem>>)
      %dma_wait3A_101 = arith.constant 0 : i32
      %dma_wait3A_102 = tpu.memref_slice %arg5[%run_scoped3A_13, %dma_wait3A_101] : memref<4x128xi32, #tpu.memory_space<vmem>> -> memref<1x128xi32, #tpu.memory_space<vmem>>
      %dma_wait3A_103 = tpu.memref_squeeze %dma_wait3A_102 : memref<1x128xi32, #tpu.memory_space<vmem>> -> memref<128xi32, #tpu.memory_space<vmem>>
      %dma_wait3A_104 = tpu.memref_slice %arg3[%add3A_12] : memref<16384xi32, #tpu.memory_space<hbm>> -> memref<128xi32, #tpu.memory_space<hbm>>
      %dma_wait3A_105 = arith.constant 0 : i32
      %dma_wait3A_106 = tpu.memref_slice %arg5[%run_scoped3A_13, %dma_wait3A_105] : memref<4x128xi32, #tpu.memory_space<vmem>> -> memref<1x128xi32, #tpu.memory_space<vmem>>
      %dma_wait3A_107 = tpu.memref_squeeze %dma_wait3A_106 : memref<1x128xi32, #tpu.memory_space<vmem>> -> memref<128xi32, #tpu.memory_space<vmem>>
      %dma_wait3A_108 = tpu.memref_slice %arg3[%add3A_12] : memref<16384xi32, #tpu.memory_space<hbm>> -> memref<128xi32, #tpu.memory_space<hbm>>
      tpu.wait_dma2 semaphore(%run_scoped3A_92 : memref<!tpu.dma_semaphore, #tpu.memory_space<semaphore_mem>>) src(%dma_wait3A_108 : memref<128xi32, #tpu.memory_space<hbm>>) dst(%dma_wait3A_107 : memref<128xi32, #tpu.memory_space<vmem>>)
      tpu.yield
    }) : () -> ()
    %dma_start3A = arith.constant 0 : i32
    %dma_start3A_14 = arith.constant 0 : i32
    %dma_start3A_15 = arith.constant 0 : i32
    %dma_start3A_16 = tpu.memref_slice %arg6[%dma_start3A_14, %dma_start3A_15] : memref<512x16xf32, #tpu.memory_space<vmem>> -> memref<128x16xf32, #tpu.memory_space<vmem>>
    %dma_start3A_17 = arith.constant 0 : i32
    %dma_start3A_18 = tpu.memref_slice %arg5[%dma_start3A, %dma_start3A_17] : memref<4x128xi32, #tpu.memory_space<vmem>> -> memref<1x128xi32, #tpu.memory_space<vmem>>
    %dma_start3A_19 = tpu.memref_squeeze %dma_start3A_18 : memref<1x128xi32, #tpu.memory_space<vmem>> -> memref<128xi32, #tpu.memory_space<vmem>>
    %dma_start3A_20 = arith.constant 0 : i32
    %dma_start3A_21 = arith.constant 0 : i32
    %dma_start3A_22 = tpu.memref_slice %arg2[%dma_start3A_20, %dma_start3A_21] : memref<16384x16xf32, #tpu.memory_space<hbm>> -> memref<16384x16xf32, #tpu.memory_space<hbm>>
    tpu.enqueue_indirect_dma source(%dma_start3A_22 : memref<16384x16xf32, #tpu.memory_space<hbm>>) target(%dma_start3A_16 : memref<128x16xf32, #tpu.memory_space<vmem>>) offsets(%dma_start3A_19 : memref<128xi32, #tpu.memory_space<vmem>>) semaphore(%arg7 : memref<!tpu.dma_semaphore, #tpu.memory_space<semaphore_mem>>)
    %dma_wait3A = arith.constant 0 : i32
    %dma_wait3A_23 = arith.constant 0 : i32
    %dma_wait3A_24 = arith.constant 0 : i32
    %dma_wait3A_25 = tpu.memref_slice %arg6[%dma_wait3A_23, %dma_wait3A_24] : memref<512x16xf32, #tpu.memory_space<vmem>> -> memref<128x16xf32, #tpu.memory_space<vmem>>
    %dma_wait3A_26 = arith.constant 0 : i32
    %dma_wait3A_27 = tpu.memref_slice %arg5[%dma_wait3A, %dma_wait3A_26] : memref<4x128xi32, #tpu.memory_space<vmem>> -> memref<1x128xi32, #tpu.memory_space<vmem>>
    %dma_wait3A_28 = tpu.memref_squeeze %dma_wait3A_27 : memref<1x128xi32, #tpu.memory_space<vmem>> -> memref<128xi32, #tpu.memory_space<vmem>>
    %dma_wait3A_29 = arith.constant 0 : i32
    %dma_wait3A_30 = arith.constant 0 : i32
    %dma_wait3A_31 = tpu.memref_slice %arg2[%dma_wait3A_29, %dma_wait3A_30] : memref<16384x16xf32, #tpu.memory_space<hbm>> -> memref<16384x16xf32, #tpu.memory_space<hbm>>
    tpu.wait_indirect_dma semaphore(%arg7 : memref<!tpu.dma_semaphore, #tpu.memory_space<semaphore_mem>>) src(%dma_wait3A_31 : memref<16384x16xf32, #tpu.memory_space<hbm>>) dst(%dma_wait3A_25 : memref<128x16xf32, #tpu.memory_space<vmem>>)
    %dma_start3A_32 = arith.constant 1 : i32
    %dma_start3A_33 = arith.constant 128 : i32
    %dma_start3A_34 = arith.constant 0 : i32
    %dma_start3A_35 = tpu.memref_slice %arg6[%dma_start3A_33, %dma_start3A_34] : memref<512x16xf32, #tpu.memory_space<vmem>> -> memref<128x16xf32, #tpu.memory_space<vmem>>
    %dma_start3A_36 = arith.constant 0 : i32
    %dma_start3A_37 = tpu.memref_slice %arg5[%dma_start3A_32, %dma_start3A_36] : memref<4x128xi32, #tpu.memory_space<vmem>> -> memref<1x128xi32, #tpu.memory_space<vmem>>
    %dma_start3A_38 = tpu.memref_squeeze %dma_start3A_37 : memref<1x128xi32, #tpu.memory_space<vmem>> -> memref<128xi32, #tpu.memory_space<vmem>>
    %dma_start3A_39 = arith.constant 0 : i32
    %dma_start3A_40 = arith.constant 0 : i32
    %dma_start3A_41 = tpu.memref_slice %arg2[%dma_start3A_39, %dma_start3A_40] : memref<16384x16xf32, #tpu.memory_space<hbm>> -> memref<16384x16xf32, #tpu.memory_space<hbm>>
    tpu.enqueue_indirect_dma source(%dma_start3A_41 : memref<16384x16xf32, #tpu.memory_space<hbm>>) target(%dma_start3A_35 : memref<128x16xf32, #tpu.memory_space<vmem>>) offsets(%dma_start3A_38 : memref<128xi32, #tpu.memory_space<vmem>>) semaphore(%arg7 : memref<!tpu.dma_semaphore, #tpu.memory_space<semaphore_mem>>)
    %dma_wait3A_42 = arith.constant 1 : i32
    %dma_wait3A_43 = arith.constant 128 : i32
    %dma_wait3A_44 = arith.constant 0 : i32
    %dma_wait3A_45 = tpu.memref_slice %arg6[%dma_wait3A_43, %dma_wait3A_44] : memref<512x16xf32, #tpu.memory_space<vmem>> -> memref<128x16xf32, #tpu.memory_space<vmem>>
    %dma_wait3A_46 = arith.constant 0 : i32
    %dma_wait3A_47 = tpu.memref_slice %arg5[%dma_wait3A_42, %dma_wait3A_46] : memref<4x128xi32, #tpu.memory_space<vmem>> -> memref<1x128xi32, #tpu.memory_space<vmem>>
    %dma_wait3A_48 = tpu.memref_squeeze %dma_wait3A_47 : memref<1x128xi32, #tpu.memory_space<vmem>> -> memref<128xi32, #tpu.memory_space<vmem>>
    %dma_wait3A_49 = arith.constant 0 : i32
    %dma_wait3A_50 = arith.constant 0 : i32
    %dma_wait3A_51 = tpu.memref_slice %arg2[%dma_wait3A_49, %dma_wait3A_50] : memref<16384x16xf32, #tpu.memory_space<hbm>> -> memref<16384x16xf32, #tpu.memory_space<hbm>>
    tpu.wait_indirect_dma semaphore(%arg7 : memref<!tpu.dma_semaphore, #tpu.memory_space<semaphore_mem>>) src(%dma_wait3A_51 : memref<16384x16xf32, #tpu.memory_space<hbm>>) dst(%dma_wait3A_45 : memref<128x16xf32, #tpu.memory_space<vmem>>)
    %dma_start3A_52 = arith.constant 2 : i32
    %dma_start3A_53 = arith.constant 256 : i32
    %dma_start3A_54 = arith.constant 0 : i32
    %dma_start3A_55 = tpu.memref_slice %arg6[%dma_start3A_53, %dma_start3A_54] : memref<512x16xf32, #tpu.memory_space<vmem>> -> memref<128x16xf32, #tpu.memory_space<vmem>>
    %dma_start3A_56 = arith.constant 0 : i32
    %dma_start3A_57 = tpu.memref_slice %arg5[%dma_start3A_52, %dma_start3A_56] : memref<4x128xi32, #tpu.memory_space<vmem>> -> memref<1x128xi32, #tpu.memory_space<vmem>>
    %dma_start3A_58 = tpu.memref_squeeze %dma_start3A_57 : memref<1x128xi32, #tpu.memory_space<vmem>> -> memref<128xi32, #tpu.memory_space<vmem>>
    %dma_start3A_59 = arith.constant 0 : i32
    %dma_start3A_60 = arith.constant 0 : i32
    %dma_start3A_61 = tpu.memref_slice %arg2[%dma_start3A_59, %dma_start3A_60] : memref<16384x16xf32, #tpu.memory_space<hbm>> -> memref<16384x16xf32, #tpu.memory_space<hbm>>
    tpu.enqueue_indirect_dma source(%dma_start3A_61 : memref<16384x16xf32, #tpu.memory_space<hbm>>) target(%dma_start3A_55 : memref<128x16xf32, #tpu.memory_space<vmem>>) offsets(%dma_start3A_58 : memref<128xi32, #tpu.memory_space<vmem>>) semaphore(%arg7 : memref<!tpu.dma_semaphore, #tpu.memory_space<semaphore_mem>>)
    %dma_wait3A_62 = arith.constant 2 : i32
    %dma_wait3A_63 = arith.constant 256 : i32
    %dma_wait3A_64 = arith.constant 0 : i32
    %dma_wait3A_65 = tpu.memref_slice %arg6[%dma_wait3A_63, %dma_wait3A_64] : memref<512x16xf32, #tpu.memory_space<vmem>> -> memref<128x16xf32, #tpu.memory_space<vmem>>
    %dma_wait3A_66 = arith.constant 0 : i32
    %dma_wait3A_67 = tpu.memref_slice %arg5[%dma_wait3A_62, %dma_wait3A_66] : memref<4x128xi32, #tpu.memory_space<vmem>> -> memref<1x128xi32, #tpu.memory_space<vmem>>
    %dma_wait3A_68 = tpu.memref_squeeze %dma_wait3A_67 : memref<1x128xi32, #tpu.memory_space<vmem>> -> memref<128xi32, #tpu.memory_space<vmem>>
    %dma_wait3A_69 = arith.constant 0 : i32
    %dma_wait3A_70 = arith.constant 0 : i32
    %dma_wait3A_71 = tpu.memref_slice %arg2[%dma_wait3A_69, %dma_wait3A_70] : memref<16384x16xf32, #tpu.memory_space<hbm>> -> memref<16384x16xf32, #tpu.memory_space<hbm>>
    tpu.wait_indirect_dma semaphore(%arg7 : memref<!tpu.dma_semaphore, #tpu.memory_space<semaphore_mem>>) src(%dma_wait3A_71 : memref<16384x16xf32, #tpu.memory_space<hbm>>) dst(%dma_wait3A_65 : memref<128x16xf32, #tpu.memory_space<vmem>>)
    %dma_start3A_72 = arith.constant 3 : i32
    %dma_start3A_73 = arith.constant 384 : i32
    %dma_start3A_74 = arith.constant 0 : i32
    %dma_start3A_75 = tpu.memref_slice %arg6[%dma_start3A_73, %dma_start3A_74] : memref<512x16xf32, #tpu.memory_space<vmem>> -> memref<128x16xf32, #tpu.memory_space<vmem>>
    %dma_start3A_76 = arith.constant 0 : i32
    %dma_start3A_77 = tpu.memref_slice %arg5[%dma_start3A_72, %dma_start3A_76] : memref<4x128xi32, #tpu.memory_space<vmem>> -> memref<1x128xi32, #tpu.memory_space<vmem>>
    %dma_start3A_78 = tpu.memref_squeeze %dma_start3A_77 : memref<1x128xi32, #tpu.memory_space<vmem>> -> memref<128xi32, #tpu.memory_space<vmem>>
    %dma_start3A_79 = arith.constant 0 : i32
    %dma_start3A_80 = arith.constant 0 : i32
    %dma_start3A_81 = tpu.memref_slice %arg2[%dma_start3A_79, %dma_start3A_80] : memref<16384x16xf32, #tpu.memory_space<hbm>> -> memref<16384x16xf32, #tpu.memory_space<hbm>>
    tpu.enqueue_indirect_dma source(%dma_start3A_81 : memref<16384x16xf32, #tpu.memory_space<hbm>>) target(%dma_start3A_75 : memref<128x16xf32, #tpu.memory_space<vmem>>) offsets(%dma_start3A_78 : memref<128xi32, #tpu.memory_space<vmem>>) semaphore(%arg7 : memref<!tpu.dma_semaphore, #tpu.memory_space<semaphore_mem>>)
    %dma_wait3A_82 = arith.constant 3 : i32
    %dma_wait3A_83 = arith.constant 384 : i32
    %dma_wait3A_84 = arith.constant 0 : i32
    %dma_wait3A_85 = tpu.memref_slice %arg6[%dma_wait3A_83, %dma_wait3A_84] : memref<512x16xf32, #tpu.memory_space<vmem>> -> memref<128x16xf32, #tpu.memory_space<vmem>>
    %dma_wait3A_86 = arith.constant 0 : i32
    %dma_wait3A_87 = tpu.memref_slice %arg5[%dma_wait3A_82, %dma_wait3A_86] : memref<4x128xi32, #tpu.memory_space<vmem>> -> memref<1x128xi32, #tpu.memory_space<vmem>>
    %dma_wait3A_88 = tpu.memref_squeeze %dma_wait3A_87 : memref<1x128xi32, #tpu.memory_space<vmem>> -> memref<128xi32, #tpu.memory_space<vmem>>
    %dma_wait3A_89 = arith.constant 0 : i32
    %dma_wait3A_90 = arith.constant 0 : i32
    %dma_wait3A_91 = tpu.memref_slice %arg2[%dma_wait3A_89, %dma_wait3A_90] : memref<16384x16xf32, #tpu.memory_space<hbm>> -> memref<16384x16xf32, #tpu.memory_space<hbm>>
    tpu.wait_indirect_dma semaphore(%arg7 : memref<!tpu.dma_semaphore, #tpu.memory_space<semaphore_mem>>) src(%dma_wait3A_91 : memref<16384x16xf32, #tpu.memory_space<hbm>>) dst(%dma_wait3A_85 : memref<128x16xf32, #tpu.memory_space<vmem>>)
    "tpu.region"() ({
      %run_scoped3A_92 = tpu.sem_alloc : memref<!tpu.dma_semaphore, #tpu.memory_space<semaphore_mem>>
      %dma_start3A_93 = arith.constant 0 : i32
      %dma_start3A_94 = tpu.memref_slice %arg4[%mul3A_2, %dma_start3A_93] : memref<16384x16xf32, #tpu.memory_space<hbm>> -> memref<512x16xf32, #tpu.memory_space<hbm>>
      %dma_start3A_95 = arith.constant 0 : i32
      %dma_start3A_96 = tpu.memref_slice %arg4[%mul3A_2, %dma_start3A_95] : memref<16384x16xf32, #tpu.memory_space<hbm>> -> memref<512x16xf32, #tpu.memory_space<hbm>>
      tpu.enqueue_dma source(%arg6 : memref<512x16xf32, #tpu.memory_space<vmem>>) target(%dma_start3A_96 : memref<512x16xf32, #tpu.memory_space<hbm>>) target_semaphore(%run_scoped3A_92 : memref<!tpu.dma_semaphore, #tpu.memory_space<semaphore_mem>>)
      %dma_wait3A_97 = arith.constant 0 : i32
      %dma_wait3A_98 = tpu.memref_slice %arg4[%mul3A_2, %dma_wait3A_97] : memref<16384x16xf32, #tpu.memory_space<hbm>> -> memref<512x16xf32, #tpu.memory_space<hbm>>
      %dma_wait3A_99 = arith.constant 0 : i32
      %dma_wait3A_100 = tpu.memref_slice %arg4[%mul3A_2, %dma_wait3A_99] : memref<16384x16xf32, #tpu.memory_space<hbm>> -> memref<512x16xf32, #tpu.memory_space<hbm>>
      tpu.wait_dma2 semaphore(%run_scoped3A_92 : memref<!tpu.dma_semaphore, #tpu.memory_space<semaphore_mem>>) src(%arg6 : memref<512x16xf32, #tpu.memory_space<vmem>>) dst(%dma_wait3A_100 : memref<512x16xf32, #tpu.memory_space<hbm>>)
      tpu.yield
    }) : () -> ()
    return
  }
}

#map = affine_map<(d0, d1) -> (0, 0)>
#map1 = affine_map<(d0, d1) -> (0)>
module attributes {stable_mosaic.version = 14 : i64} {
  func.func @_sc_gather(%arg0: i32, %arg1: i32, %arg2: memref<16384x16xf32, #tpu.memory_space<hbm>>, %arg3: memref<16384xi32, #tpu.memory_space<hbm>>, %arg4: memref<16384x16xf32, #tpu.memory_space<hbm>>, %arg5: memref<4x128xi32, #tpu.memory_space<vmem>>, %arg6: memref<512x16xf32, #tpu.memory_space<vmem>>, %arg7: memref<!tpu.dma_semaphore, #tpu.memory_space<semaphore_mem>>) attributes {dimension_semantics = [#tpu.dimension_semantics<core_parallel>, #tpu.dimension_semantics<subcore_parallel>], iteration_bounds = array<i64: 2, 16>, scalar_prefetch = 0 : i64, scratch_operands = 3 : i64, tpu.core_type = #tpu.core_type<sc_vector_subcore>, window_params = [{transform_indices = #map}, {transform_indices = #map1}, {transform_indices = #map}]} {
    %mul3A = arith.constant 2 : i32
    %mul3A_0 = arith.muli %arg1, %mul3A : i32
    %add3A = arith.addi %mul3A_0, %arg0 : i32
    %mul3A_1 = arith.constant 512 : i32
    %mul3A_2 = arith.muli %add3A, %mul3A_1 : i32
    %add3A_3 = arith.constant 0 : i32
    %add3A_4 = arith.addi %mul3A_2, %add3A_3 : i32
    %run_scoped3A = arith.constant 0 : i32
    "tpu.region"() ({
      %run_scoped3A_92 = tpu.sem_alloc : memref<!tpu.dma_semaphore, #tpu.memory_space<semaphore_mem>>
      %dma_start3A_93 = arith.constant 0 : i32
      %dma_start3A_94 = tpu.memref_slice %arg5[%run_scoped3A, %dma_start3A_93] : memref<4x128xi32, #tpu.memory_space<vmem>> -> memref<1x128xi32, #tpu.memory_space<vmem>>
      %dma_start3A_95 = tpu.memref_squeeze %dma_start3A_94 : memref<1x128xi32, #tpu.memory_space<vmem>> -> memref<128xi32, #tpu.memory_space<vmem>>
      %dma_start3A_96 = tpu.memref_slice %arg3[%add3A_4] : memref<16384xi32, #tpu.memory_space<hbm>> -> memref<128xi32, #tpu.memory_space<hbm>>
      %dma_start3A_97 = arith.constant 0 : i32
      %dma_start3A_98 = tpu.memref_slice %arg5[%run_scoped3A, %dma_start3A_97] : memref<4x128xi32, #tpu.memory_space<vmem>> -> memref<1x128xi32, #tpu.memory_space<vmem>>
      %dma_start3A_99 = tpu.memref_squeeze %dma_start3A_98 : memref<1x128xi32, #tpu.memory_space<vmem>> -> memref<128xi32, #tpu.memory_space<vmem>>
      %dma_start3A_100 = tpu.memref_slice %arg3[%add3A_4] : memref<16384xi32, #tpu.memory_space<hbm>> -> memref<128xi32, #tpu.memory_space<hbm>>
      tpu.enqueue_dma source(%dma_start3A_100 : memref<128xi32, #tpu.memory_space<hbm>>) target(%dma_start3A_99 : memref<128xi32, #tpu.memory_space<vmem>>) target_semaphore(%run_scoped3A_92 : memref<!tpu.dma_semaphore, #tpu.memory_space<semaphore_mem>>)
      %dma_wait3A_101 = arith.constant 0 : i32
      %dma_wait3A_102 = tpu.memref_slice %arg5[%run_scoped3A, %dma_wait3A_101] : memref<4x128xi32, #tpu.memory_space<vmem>> -> memref<1x128xi32, #tpu.memory_space<vmem>>
      %dma_wait3A_103 = tpu.memref_squeeze %dma_wait3A_102 : memref<1x128xi32, #tpu.memory_space<vmem>> -> memref<128xi32, #tpu.memory_space<vmem>>
      %dma_wait3A_104 = tpu.memref_slice %arg3[%add3A_4] : memref<16384xi32, #tpu.memory_space<hbm>> -> memref<128xi32, #tpu.memory_space<hbm>>
      %dma_wait3A_105 = arith.constant 0 : i32
      %dma_wait3A_106 = tpu.memref_slice %arg5[%run_scoped3A, %dma_wait3A_105] : memref<4x128xi32, #tpu.memory_space<vmem>> -> memref<1x128xi32, #tpu.memory_space<vmem>>
      %dma_wait3A_107 = tpu.memref_squeeze %dma_wait3A_106 : memref<1x128xi32, #tpu.memory_space<vmem>> -> memref<128xi32, #tpu.memory_space<vmem>>
      %dma_wait3A_108 = tpu.memref_slice %arg3[%add3A_4] : memref<16384xi32, #tpu.memory_space<hbm>> -> memref<128xi32, #tpu.memory_space<hbm>>
      tpu.wait_dma2 semaphore(%run_scoped3A_92 : memref<!tpu.dma_semaphore, #tpu.memory_space<semaphore_mem>>) src(%dma_wait3A_108 : memref<128xi32, #tpu.memory_space<hbm>>) dst(%dma_wait3A_107 : memref<128xi32, #tpu.memory_space<vmem>>)
      tpu.yield
    }) : () -> ()
    %add3A_5 = arith.constant 128 : i32
    %add3A_6 = arith.addi %mul3A_2, %add3A_5 : i32
    %run_scoped3A_7 = arith.constant 1 : i32
    "tpu.region"() ({
      %run_scoped3A_92 = tpu.sem_alloc : memref<!tpu.dma_semaphore, #tpu.memory_space<semaphore_mem>>
      %dma_start3A_93 = arith.constant 0 : i32
      %dma_start3A_94 = tpu.memref_slice %arg5[%run_scoped3A_7, %dma_start3A_93] : memref<4x128xi32, #tpu.memory_space<vmem>> -> memref<1x128xi32, #tpu.memory_space<vmem>>
      %dma_start3A_95 = tpu.memref_squeeze %dma_start3A_94 : memref<1x128xi32, #tpu.memory_space<vmem>> -> memref<128xi32, #tpu.memory_space<vmem>>
      %dma_start3A_96 = tpu.memref_slice %arg3[%add3A_6] : memref<16384xi32, #tpu.memory_space<hbm>> -> memref<128xi32, #tpu.memory_space<hbm>>
      %dma_start3A_97 = arith.constant 0 : i32
      %dma_start3A_98 = tpu.memref_slice %arg5[%run_scoped3A_7, %dma_start3A_97] : memref<4x128xi32, #tpu.memory_space<vmem>> -> memref<1x128xi32, #tpu.memory_space<vmem>>
      %dma_start3A_99 = tpu.memref_squeeze %dma_start3A_98 : memref<1x128xi32, #tpu.memory_space<vmem>> -> memref<128xi32, #tpu.memory_space<vmem>>
      %dma_start3A_100 = tpu.memref_slice %arg3[%add3A_6] : memref<16384xi32, #tpu.memory_space<hbm>> -> memref<128xi32, #tpu.memory_space<hbm>>
      tpu.enqueue_dma source(%dma_start3A_100 : memref<128xi32, #tpu.memory_space<hbm>>) target(%dma_start3A_99 : memref<128xi32, #tpu.memory_space<vmem>>) target_semaphore(%run_scoped3A_92 : memref<!tpu.dma_semaphore, #tpu.memory_space<semaphore_mem>>)
      %dma_wait3A_101 = arith.constant 0 : i32
      %dma_wait3A_102 = tpu.memref_slice %arg5[%run_scoped3A_7, %dma_wait3A_101] : memref<4x128xi32, #tpu.memory_space<vmem>> -> memref<1x128xi32, #tpu.memory_space<vmem>>
      %dma_wait3A_103 = tpu.memref_squeeze %dma_wait3A_102 : memref<1x128xi32, #tpu.memory_space<vmem>> -> memref<128xi32, #tpu.memory_space<vmem>>
      %dma_wait3A_104 = tpu.memref_slice %arg3[%add3A_6] : memref<16384xi32, #tpu.memory_space<hbm>> -> memref<128xi32, #tpu.memory_space<hbm>>
      %dma_wait3A_105 = arith.constant 0 : i32
      %dma_wait3A_106 = tpu.memref_slice %arg5[%run_scoped3A_7, %dma_wait3A_105] : memref<4x128xi32, #tpu.memory_space<vmem>> -> memref<1x128xi32, #tpu.memory_space<vmem>>
      %dma_wait3A_107 = tpu.memref_squeeze %dma_wait3A_106 : memref<1x128xi32, #tpu.memory_space<vmem>> -> memref<128xi32, #tpu.memory_space<vmem>>
      %dma_wait3A_108 = tpu.memref_slice %arg3[%add3A_6] : memref<16384xi32, #tpu.memory_space<hbm>> -> memref<128xi32, #tpu.memory_space<hbm>>
      tpu.wait_dma2 semaphore(%run_scoped3A_92 : memref<!tpu.dma_semaphore, #tpu.memory_space<semaphore_mem>>) src(%dma_wait3A_108 : memref<128xi32, #tpu.memory_space<hbm>>) dst(%dma_wait3A_107 : memref<128xi32, #tpu.memory_space<vmem>>)
      tpu.yield
    }) : () -> ()
    %add3A_8 = arith.constant 256 : i32
    %add3A_9 = arith.addi %mul3A_2, %add3A_8 : i32
    %run_scoped3A_10 = arith.constant 2 : i32
    "tpu.region"() ({
      %run_scoped3A_92 = tpu.sem_alloc : memref<!tpu.dma_semaphore, #tpu.memory_space<semaphore_mem>>
      %dma_start3A_93 = arith.constant 0 : i32
      %dma_start3A_94 = tpu.memref_slice %arg5[%run_scoped3A_10, %dma_start3A_93] : memref<4x128xi32, #tpu.memory_space<vmem>> -> memref<1x128xi32, #tpu.memory_space<vmem>>
      %dma_start3A_95 = tpu.memref_squeeze %dma_start3A_94 : memref<1x128xi32, #tpu.memory_space<vmem>> -> memref<128xi32, #tpu.memory_space<vmem>>
      %dma_start3A_96 = tpu.memref_slice %arg3[%add3A_9] : memref<16384xi32, #tpu.memory_space<hbm>> -> memref<128xi32, #tpu.memory_space<hbm>>
      %dma_start3A_97 = arith.constant 0 : i32
      %dma_start3A_98 = tpu.memref_slice %arg5[%run_scoped3A_10, %dma_start3A_97] : memref<4x128xi32, #tpu.memory_space<vmem>> -> memref<1x128xi32, #tpu.memory_space<vmem>>
      %dma_start3A_99 = tpu.memref_squeeze %dma_start3A_98 : memref<1x128xi32, #tpu.memory_space<vmem>> -> memref<128xi32, #tpu.memory_space<vmem>>
      %dma_start3A_100 = tpu.memref_slice %arg3[%add3A_9] : memref<16384xi32, #tpu.memory_space<hbm>> -> memref<128xi32, #tpu.memory_space<hbm>>
      tpu.enqueue_dma source(%dma_start3A_100 : memref<128xi32, #tpu.memory_space<hbm>>) target(%dma_start3A_99 : memref<128xi32, #tpu.memory_space<vmem>>) target_semaphore(%run_scoped3A_92 : memref<!tpu.dma_semaphore, #tpu.memory_space<semaphore_mem>>)
      %dma_wait3A_101 = arith.constant 0 : i32
      %dma_wait3A_102 = tpu.memref_slice %arg5[%run_scoped3A_10, %dma_wait3A_101] : memref<4x128xi32, #tpu.memory_space<vmem>> -> memref<1x128xi32, #tpu.memory_space<vmem>>
      %dma_wait3A_103 = tpu.memref_squeeze %dma_wait3A_102 : memref<1x128xi32, #tpu.memory_space<vmem>> -> memref<128xi32, #tpu.memory_space<vmem>>
      %dma_wait3A_104 = tpu.memref_slice %arg3[%add3A_9] : memref<16384xi32, #tpu.memory_space<hbm>> -> memref<128xi32, #tpu.memory_space<hbm>>
      %dma_wait3A_105 = arith.constant 0 : i32
      %dma_wait3A_106 = tpu.memref_slice %arg5[%run_scoped3A_10, %dma_wait3A_105] : memref<4x128xi32, #tpu.memory_space<vmem>> -> memref<1x128xi32, #tpu.memory_space<vmem>>
      %dma_wait3A_107 = tpu.memref_squeeze %dma_wait3A_106 : memref<1x128xi32, #tpu.memory_space<vmem>> -> memref<128xi32, #tpu.memory_space<vmem>>
      %dma_wait3A_108 = tpu.memref_slice %arg3[%add3A_9] : memref<16384xi32, #tpu.memory_space<hbm>> -> memref<128xi32, #tpu.memory_space<hbm>>
      tpu.wait_dma2 semaphore(%run_scoped3A_92 : memref<!tpu.dma_semaphore, #tpu.memory_space<semaphore_mem>>) src(%dma_wait3A_108 : memref<128xi32, #tpu.memory_space<hbm>>) dst(%dma_wait3A_107 : memref<128xi32, #tpu.memory_space<vmem>>)
      tpu.yield
    }) : () -> ()
    %add3A_11 = arith.constant 384 : i32
    %add3A_12 = arith.addi %mul3A_2, %add3A_11 : i32
    %run_scoped3A_13 = arith.constant 3 : i32
    "tpu.region"() ({
      %run_scoped3A_92 = tpu.sem_alloc : memref<!tpu.dma_semaphore, #tpu.memory_space<semaphore_mem>>
      %dma_start3A_93 = arith.constant 0 : i32
      %dma_start3A_94 = tpu.memref_slice %arg5[%run_scoped3A_13, %dma_start3A_93] : memref<4x128xi32, #tpu.memory_space<vmem>> -> memref<1x128xi32, #tpu.memory_space<vmem>>
      %dma_start3A_95 = tpu.memref_squeeze %dma_start3A_94 : memref<1x128xi32, #tpu.memory_space<vmem>> -> memref<128xi32, #tpu.memory_space<vmem>>
      %dma_start3A_96 = tpu.memref_slice %arg3[%add3A_12] : memref<16384xi32, #tpu.memory_space<hbm>> -> memref<128xi32, #tpu.memory_space<hbm>>
      %dma_start3A_97 = arith.constant 0 : i32
      %dma_start3A_98 = tpu.memref_slice %arg5[%run_scoped3A_13, %dma_start3A_97] : memref<4x128xi32, #tpu.memory_space<vmem>> -> memref<1x128xi32, #tpu.memory_space<vmem>>
      %dma_start3A_99 = tpu.memref_squeeze %dma_start3A_98 : memref<1x128xi32, #tpu.memory_space<vmem>> -> memref<128xi32, #tpu.memory_space<vmem>>
      %dma_start3A_100 = tpu.memref_slice %arg3[%add3A_12] : memref<16384xi32, #tpu.memory_space<hbm>> -> memref<128xi32, #tpu.memory_space<hbm>>
      tpu.enqueue_dma source(%dma_start3A_100 : memref<128xi32, #tpu.memory_space<hbm>>) target(%dma_start3A_99 : memref<128xi32, #tpu.memory_space<vmem>>) target_semaphore(%run_scoped3A_92 : memref<!tpu.dma_semaphore, #tpu.memory_space<semaphore_mem>>)
      %dma_wait3A_101 = arith.constant 0 : i32
      %dma_wait3A_102 = tpu.memref_slice %arg5[%run_scoped3A_13, %dma_wait3A_101] : memref<4x128xi32, #tpu.memory_space<vmem>> -> memref<1x128xi32, #tpu.memory_space<vmem>>
      %dma_wait3A_103 = tpu.memref_squeeze %dma_wait3A_102 : memref<1x128xi32, #tpu.memory_space<vmem>> -> memref<128xi32, #tpu.memory_space<vmem>>
      %dma_wait3A_104 = tpu.memref_slice %arg3[%add3A_12] : memref<16384xi32, #tpu.memory_space<hbm>> -> memref<128xi32, #tpu.memory_space<hbm>>
      %dma_wait3A_105 = arith.constant 0 : i32
      %dma_wait3A_106 = tpu.memref_slice %arg5[%run_scoped3A_13, %dma_wait3A_105] : memref<4x128xi32, #tpu.memory_space<vmem>> -> memref<1x128xi32, #tpu.memory_space<vmem>>
      %dma_wait3A_107 = tpu.memref_squeeze %dma_wait3A_106 : memref<1x128xi32, #tpu.memory_space<vmem>> -> memref<128xi32, #tpu.memory_space<vmem>>
      %dma_wait3A_108 = tpu.memref_slice %arg3[%add3A_12] : memref<16384xi32, #tpu.memory_space<hbm>> -> memref<128xi32, #tpu.memory_space<hbm>>
      tpu.wait_dma2 semaphore(%run_scoped3A_92 : memref<!tpu.dma_semaphore, #tpu.memory_space<semaphore_mem>>) src(%dma_wait3A_108 : memref<128xi32, #tpu.memory_space<hbm>>) dst(%dma_wait3A_107 : memref<128xi32, #tpu.memory_space<vmem>>)
      tpu.yield
    }) : () -> ()
    %dma_start3A = arith.constant 0 : i32
    %dma_start3A_14 = arith.constant 0 : i32
    %dma_start3A_15 = arith.constant 0 : i32
    %dma_start3A_16 = tpu.memref_slice %arg6[%dma_start3A_14, %dma_start3A_15] : memref<512x16xf32, #tpu.memory_space<vmem>> -> memref<128x16xf32, #tpu.memory_space<vmem>>
    %dma_start3A_17 = arith.constant 0 : i32
    %dma_start3A_18 = tpu.memref_slice %arg5[%dma_start3A, %dma_start3A_17] : memref<4x128xi32, #tpu.memory_space<vmem>> -> memref<1x128xi32, #tpu.memory_space<vmem>>
    %dma_start3A_19 = tpu.memref_squeeze %dma_start3A_18 : memref<1x128xi32, #tpu.memory_space<vmem>> -> memref<128xi32, #tpu.memory_space<vmem>>
    %dma_start3A_20 = arith.constant 0 : i32
    %dma_start3A_21 = arith.constant 0 : i32
    %dma_start3A_22 = tpu.memref_slice %arg2[%dma_start3A_20, %dma_start3A_21] : memref<16384x16xf32, #tpu.memory_space<hbm>> -> memref<16384x16xf32, #tpu.memory_space<hbm>>
    tpu.enqueue_indirect_dma source(%dma_start3A_22 : memref<16384x16xf32, #tpu.memory_space<hbm>>) target(%dma_start3A_16 : memref<128x16xf32, #tpu.memory_space<vmem>>) offsets(%dma_start3A_19 : memref<128xi32, #tpu.memory_space<vmem>>) semaphore(%arg7 : memref<!tpu.dma_semaphore, #tpu.memory_space<semaphore_mem>>)
    %dma_wait3A = arith.constant 0 : i32
    %dma_wait3A_23 = arith.constant 0 : i32
    %dma_wait3A_24 = arith.constant 0 : i32
    %dma_wait3A_25 = tpu.memref_slice %arg6[%dma_wait3A_23, %dma_wait3A_24] : memref<512x16xf32, #tpu.memory_space<vmem>> -> memref<128x16xf32, #tpu.memory_space<vmem>>
    %dma_wait3A_26 = arith.constant 0 : i32
    %dma_wait3A_27 = tpu.memref_slice %arg5[%dma_wait3A, %dma_wait3A_26] : memref<4x128xi32, #tpu.memory_space<vmem>> -> memref<1x128xi32, #tpu.memory_space<vmem>>
    %dma_wait3A_28 = tpu.memref_squeeze %dma_wait3A_27 : memref<1x128xi32, #tpu.memory_space<vmem>> -> memref<128xi32, #tpu.memory_space<vmem>>
    %dma_wait3A_29 = arith.constant 0 : i32
    %dma_wait3A_30 = arith.constant 0 : i32
    %dma_wait3A_31 = tpu.memref_slice %arg2[%dma_wait3A_29, %dma_wait3A_30] : memref<16384x16xf32, #tpu.memory_space<hbm>> -> memref<16384x16xf32, #tpu.memory_space<hbm>>
    tpu.wait_indirect_dma semaphore(%arg7 : memref<!tpu.dma_semaphore, #tpu.memory_space<semaphore_mem>>) src(%dma_wait3A_31 : memref<16384x16xf32, #tpu.memory_space<hbm>>) dst(%dma_wait3A_25 : memref<128x16xf32, #tpu.memory_space<vmem>>)
    %dma_start3A_32 = arith.constant 1 : i32
    %dma_start3A_33 = arith.constant 128 : i32
    %dma_start3A_34 = arith.constant 0 : i32
    %dma_start3A_35 = tpu.memref_slice %arg6[%dma_start3A_33, %dma_start3A_34] : memref<512x16xf32, #tpu.memory_space<vmem>> -> memref<128x16xf32, #tpu.memory_space<vmem>>
    %dma_start3A_36 = arith.constant 0 : i32
    %dma_start3A_37 = tpu.memref_slice %arg5[%dma_start3A_32, %dma_start3A_36] : memref<4x128xi32, #tpu.memory_space<vmem>> -> memref<1x128xi32, #tpu.memory_space<vmem>>
    %dma_start3A_38 = tpu.memref_squeeze %dma_start3A_37 : memref<1x128xi32, #tpu.memory_space<vmem>> -> memref<128xi32, #tpu.memory_space<vmem>>
    %dma_start3A_39 = arith.constant 0 : i32
    %dma_start3A_40 = arith.constant 0 : i32
    %dma_start3A_41 = tpu.memref_slice %arg2[%dma_start3A_39, %dma_start3A_40] : memref<16384x16xf32, #tpu.memory_space<hbm>> -> memref<16384x16xf32, #tpu.memory_space<hbm>>
    tpu.enqueue_indirect_dma source(%dma_start3A_41 : memref<16384x16xf32, #tpu.memory_space<hbm>>) target(%dma_start3A_35 : memref<128x16xf32, #tpu.memory_space<vmem>>) offsets(%dma_start3A_38 : memref<128xi32, #tpu.memory_space<vmem>>) semaphore(%arg7 : memref<!tpu.dma_semaphore, #tpu.memory_space<semaphore_mem>>)
    %dma_wait3A_42 = arith.constant 1 : i32
    %dma_wait3A_43 = arith.constant 128 : i32
    %dma_wait3A_44 = arith.constant 0 : i32
    %dma_wait3A_45 = tpu.memref_slice %arg6[%dma_wait3A_43, %dma_wait3A_44] : memref<512x16xf32, #tpu.memory_space<vmem>> -> memref<128x16xf32, #tpu.memory_space<vmem>>
    %dma_wait3A_46 = arith.constant 0 : i32
    %dma_wait3A_47 = tpu.memref_slice %arg5[%dma_wait3A_42, %dma_wait3A_46] : memref<4x128xi32, #tpu.memory_space<vmem>> -> memref<1x128xi32, #tpu.memory_space<vmem>>
    %dma_wait3A_48 = tpu.memref_squeeze %dma_wait3A_47 : memref<1x128xi32, #tpu.memory_space<vmem>> -> memref<128xi32, #tpu.memory_space<vmem>>
    %dma_wait3A_49 = arith.constant 0 : i32
    %dma_wait3A_50 = arith.constant 0 : i32
    %dma_wait3A_51 = tpu.memref_slice %arg2[%dma_wait3A_49, %dma_wait3A_50] : memref<16384x16xf32, #tpu.memory_space<hbm>> -> memref<16384x16xf32, #tpu.memory_space<hbm>>
    tpu.wait_indirect_dma semaphore(%arg7 : memref<!tpu.dma_semaphore, #tpu.memory_space<semaphore_mem>>) src(%dma_wait3A_51 : memref<16384x16xf32, #tpu.memory_space<hbm>>) dst(%dma_wait3A_45 : memref<128x16xf32, #tpu.memory_space<vmem>>)
    %dma_start3A_52 = arith.constant 2 : i32
    %dma_start3A_53 = arith.constant 256 : i32
    %dma_start3A_54 = arith.constant 0 : i32
    %dma_start3A_55 = tpu.memref_slice %arg6[%dma_start3A_53, %dma_start3A_54] : memref<512x16xf32, #tpu.memory_space<vmem>> -> memref<128x16xf32, #tpu.memory_space<vmem>>
    %dma_start3A_56 = arith.constant 0 : i32
    %dma_start3A_57 = tpu.memref_slice %arg5[%dma_start3A_52, %dma_start3A_56] : memref<4x128xi32, #tpu.memory_space<vmem>> -> memref<1x128xi32, #tpu.memory_space<vmem>>
    %dma_start3A_58 = tpu.memref_squeeze %dma_start3A_57 : memref<1x128xi32, #tpu.memory_space<vmem>> -> memref<128xi32, #tpu.memory_space<vmem>>
    %dma_start3A_59 = arith.constant 0 : i32
    %dma_start3A_60 = arith.constant 0 : i32
    %dma_start3A_61 = tpu.memref_slice %arg2[%dma_start3A_59, %dma_start3A_60] : memref<16384x16xf32, #tpu.memory_space<hbm>> -> memref<16384x16xf32, #tpu.memory_space<hbm>>
    tpu.enqueue_indirect_dma source(%dma_start3A_61 : memref<16384x16xf32, #tpu.memory_space<hbm>>) target(%dma_start3A_55 : memref<128x16xf32, #tpu.memory_space<vmem>>) offsets(%dma_start3A_58 : memref<128xi32, #tpu.memory_space<vmem>>) semaphore(%arg7 : memref<!tpu.dma_semaphore, #tpu.memory_space<semaphore_mem>>)
    %dma_wait3A_62 = arith.constant 2 : i32
    %dma_wait3A_63 = arith.constant 256 : i32
    %dma_wait3A_64 = arith.constant 0 : i32
    %dma_wait3A_65 = tpu.memref_slice %arg6[%dma_wait3A_63, %dma_wait3A_64] : memref<512x16xf32, #tpu.memory_space<vmem>> -> memref<128x16xf32, #tpu.memory_space<vmem>>
    %dma_wait3A_66 = arith.constant 0 : i32
    %dma_wait3A_67 = tpu.memref_slice %arg5[%dma_wait3A_62, %dma_wait3A_66] : memref<4x128xi32, #tpu.memory_space<vmem>> -> memref<1x128xi32, #tpu.memory_space<vmem>>
    %dma_wait3A_68 = tpu.memref_squeeze %dma_wait3A_67 : memref<1x128xi32, #tpu.memory_space<vmem>> -> memref<128xi32, #tpu.memory_space<vmem>>
    %dma_wait3A_69 = arith.constant 0 : i32
    %dma_wait3A_70 = arith.constant 0 : i32
    %dma_wait3A_71 = tpu.memref_slice %arg2[%dma_wait3A_69, %dma_wait3A_70] : memref<16384x16xf32, #tpu.memory_space<hbm>> -> memref<16384x16xf32, #tpu.memory_space<hbm>>
    tpu.wait_indirect_dma semaphore(%arg7 : memref<!tpu.dma_semaphore, #tpu.memory_space<semaphore_mem>>) src(%dma_wait3A_71 : memref<16384x16xf32, #tpu.memory_space<hbm>>) dst(%dma_wait3A_65 : memref<128x16xf32, #tpu.memory_space<vmem>>)
    %dma_start3A_72 = arith.constant 3 : i32
    %dma_start3A_73 = arith.constant 384 : i32
    %dma_start3A_74 = arith.constant 0 : i32
    %dma_start3A_75 = tpu.memref_slice %arg6[%dma_start3A_73, %dma_start3A_74] : memref<512x16xf32, #tpu.memory_space<vmem>> -> memref<128x16xf32, #tpu.memory_space<vmem>>
    %dma_start3A_76 = arith.constant 0 : i32
    %dma_start3A_77 = tpu.memref_slice %arg5[%dma_start3A_72, %dma_start3A_76] : memref<4x128xi32, #tpu.memory_space<vmem>> -> memref<1x128xi32, #tpu.memory_space<vmem>>
    %dma_start3A_78 = tpu.memref_squeeze %dma_start3A_77 : memref<1x128xi32, #tpu.memory_space<vmem>> -> memref<128xi32, #tpu.memory_space<vmem>>
    %dma_start3A_79 = arith.constant 0 : i32
    %dma_start3A_80 = arith.constant 0 : i32
    %dma_start3A_81 = tpu.memref_slice %arg2[%dma_start3A_79, %dma_start3A_80] : memref<16384x16xf32, #tpu.memory_space<hbm>> -> memref<16384x16xf32, #tpu.memory_space<hbm>>
    tpu.enqueue_indirect_dma source(%dma_start3A_81 : memref<16384x16xf32, #tpu.memory_space<hbm>>) target(%dma_start3A_75 : memref<128x16xf32, #tpu.memory_space<vmem>>) offsets(%dma_start3A_78 : memref<128xi32, #tpu.memory_space<vmem>>) semaphore(%arg7 : memref<!tpu.dma_semaphore, #tpu.memory_space<semaphore_mem>>)
    %dma_wait3A_82 = arith.constant 3 : i32
    %dma_wait3A_83 = arith.constant 384 : i32
    %dma_wait3A_84 = arith.constant 0 : i32
    %dma_wait3A_85 = tpu.memref_slice %arg6[%dma_wait3A_83, %dma_wait3A_84] : memref<512x16xf32, #tpu.memory_space<vmem>> -> memref<128x16xf32, #tpu.memory_space<vmem>>
    %dma_wait3A_86 = arith.constant 0 : i32
    %dma_wait3A_87 = tpu.memref_slice %arg5[%dma_wait3A_82, %dma_wait3A_86] : memref<4x128xi32, #tpu.memory_space<vmem>> -> memref<1x128xi32, #tpu.memory_space<vmem>>
    %dma_wait3A_88 = tpu.memref_squeeze %dma_wait3A_87 : memref<1x128xi32, #tpu.memory_space<vmem>> -> memref<128xi32, #tpu.memory_space<vmem>>
    %dma_wait3A_89 = arith.constant 0 : i32
    %dma_wait3A_90 = arith.constant 0 : i32
    %dma_wait3A_91 = tpu.memref_slice %arg2[%dma_wait3A_89, %dma_wait3A_90] : memref<16384x16xf32, #tpu.memory_space<hbm>> -> memref<16384x16xf32, #tpu.memory_space<hbm>>
    tpu.wait_indirect_dma semaphore(%arg7 : memref<!tpu.dma_semaphore, #tpu.memory_space<semaphore_mem>>) src(%dma_wait3A_91 : memref<16384x16xf32, #tpu.memory_space<hbm>>) dst(%dma_wait3A_85 : memref<128x16xf32, #tpu.memory_space<vmem>>)
    "tpu.region"() ({
      %run_scoped3A_92 = tpu.sem_alloc : memref<!tpu.dma_semaphore, #tpu.memory_space<semaphore_mem>>
      %dma_start3A_93 = arith.constant 0 : i32
      %dma_start3A_94 = tpu.memref_slice %arg4[%mul3A_2, %dma_start3A_93] : memref<16384x16xf32, #tpu.memory_space<hbm>> -> memref<512x16xf32, #tpu.memory_space<hbm>>
      %dma_start3A_95 = arith.constant 0 : i32
      %dma_start3A_96 = tpu.memref_slice %arg4[%mul3A_2, %dma_start3A_95] : memref<16384x16xf32, #tpu.memory_space<hbm>> -> memref<512x16xf32, #tpu.memory_space<hbm>>
      tpu.enqueue_dma source(%arg6 : memref<512x16xf32, #tpu.memory_space<vmem>>) target(%dma_start3A_96 : memref<512x16xf32, #tpu.memory_space<hbm>>) target_semaphore(%run_scoped3A_92 : memref<!tpu.dma_semaphore, #tpu.memory_space<semaphore_mem>>)
      %dma_wait3A_97 = arith.constant 0 : i32
      %dma_wait3A_98 = tpu.memref_slice %arg4[%mul3A_2, %dma_wait3A_97] : memref<16384x16xf32, #tpu.memory_space<hbm>> -> memref<512x16xf32, #tpu.memory_space<hbm>>
      %dma_wait3A_99 = arith.constant 0 : i32
      %dma_wait3A_100 = tpu.memref_slice %arg4[%mul3A_2, %dma_wait3A_99] : memref<16384x16xf32, #tpu.memory_space<hbm>> -> memref<512x16xf32, #tpu.memory_space<hbm>>
      tpu.wait_dma2 semaphore(%run_scoped3A_92 : memref<!tpu.dma_semaphore, #tpu.memory_space<semaphore_mem>>) src(%arg6 : memref<512x16xf32, #tpu.memory_space<vmem>>) dst(%dma_wait3A_100 : memref<512x16xf32, #tpu.memory_space<hbm>>)
      tpu.yield
    }) : () -> ()
    return
  }
}

module attributes {stable_mosaic.version = 14 : i64} {
  func.func @_match_body(%arg0: i32, %arg1: memref<1x3x2048xf32, #tpu.memory_space<vmem>>, %arg2: memref<1x3x2048xf32, #tpu.memory_space<vmem>>, %arg3: memref<1x3x3xf32, #tpu.memory_space<vmem>>, %arg4: memref<1x1x3xf32, #tpu.memory_space<vmem>>, %arg5: memref<1x1x2048xi32, #tpu.memory_space<vmem>>, %arg6: memref<1x3x2048xf32, #tpu.memory_space<vmem>>) attributes {dimension_semantics = [#tpu.dimension_semantics<arbitrary>], iteration_bounds = array<i64: 8>, scalar_prefetch = 0 : i64, scratch_operands = 0 : i64, tpu.core_type = #tpu.core_type<tc>, window_params = [{transform_indices = @transform_0, window_bounds = array<i64: 1, 3, 2048>}, {transform_indices = @transform_1, window_bounds = array<i64: 1, 3, 2048>}, {transform_indices = @transform_2, window_bounds = array<i64: 1, 3, 3>}, {transform_indices = @transform_3, window_bounds = array<i64: 1, 1, 3>}, {transform_indices = @transform_4, window_bounds = array<i64: 1, 1, 2048>}, {transform_indices = @transform_5, window_bounds = array<i64: 1, 3, 2048>}]} {
    %get3A = arith.constant 0 : index
    %get3A_0 = arith.constant 0 : index
    %get3A_1 = arith.constant 0 : index
    %get3A_2 = vector.load %arg1[%get3A, %get3A_0, %get3A_1] : memref<1x3x2048xf32, #tpu.memory_space<vmem>>, vector<1x3x2048xf32>
    %get3A_3 = vector.shape_cast %get3A_2 : vector<1x3x2048xf32> to vector<3x2048xf32>
    %get3A_4 = arith.constant 0 : index
    %get3A_5 = arith.constant 0 : index
    %get3A_6 = arith.constant 0 : index
    %get3A_7 = vector.load %arg2[%get3A_4, %get3A_5, %get3A_6] : memref<1x3x2048xf32, #tpu.memory_space<vmem>>, vector<1x3x2048xf32>
    %get3A_8 = vector.shape_cast %get3A_7 : vector<1x3x2048xf32> to vector<3x2048xf32>
    %convert_element_type3A = arith.truncf %get3A_3 : vector<3x2048xf32> to vector<3x2048xbf16>
    %convert_element_type3A_9 = arith.truncf %get3A_8 : vector<3x2048xf32> to vector<3x2048xbf16>
    %slice3A = vector.extract_strided_slice %get3A_3 {offsets = [0, 0], sizes = [1, 2048], strides = [1, 1]} : vector<3x2048xf32> to vector<1x2048xf32>
    %squeeze3A = vector.shape_cast %slice3A : vector<1x2048xf32> to vector<2048xf32>
    %slice3A_10 = vector.extract_strided_slice %get3A_3 {offsets = [0, 0], sizes = [1, 2048], strides = [1, 1]} : vector<3x2048xf32> to vector<1x2048xf32>
    %squeeze3A_11 = vector.shape_cast %slice3A_10 : vector<1x2048xf32> to vector<2048xf32>
    %mul3A = arith.mulf %squeeze3A, %squeeze3A_11 : vector<2048xf32>
    %slice3A_12 = vector.extract_strided_slice %get3A_3 {offsets = [1, 0], sizes = [1, 2048], strides = [1, 1]} : vector<3x2048xf32> to vector<1x2048xf32>
    %squeeze3A_13 = vector.shape_cast %slice3A_12 : vector<1x2048xf32> to vector<2048xf32>
    %slice3A_14 = vector.extract_strided_slice %get3A_3 {offsets = [1, 0], sizes = [1, 2048], strides = [1, 1]} : vector<3x2048xf32> to vector<1x2048xf32>
    %squeeze3A_15 = vector.shape_cast %slice3A_14 : vector<1x2048xf32> to vector<2048xf32>
    %mul3A_16 = arith.mulf %squeeze3A_13, %squeeze3A_15 : vector<2048xf32>
    %add3A = arith.addf %mul3A, %mul3A_16 : vector<2048xf32>
    %slice3A_17 = vector.extract_strided_slice %get3A_3 {offsets = [2, 0], sizes = [1, 2048], strides = [1, 1]} : vector<3x2048xf32> to vector<1x2048xf32>
    %squeeze3A_18 = vector.shape_cast %slice3A_17 : vector<1x2048xf32> to vector<2048xf32>
    %slice3A_19 = vector.extract_strided_slice %get3A_3 {offsets = [2, 0], sizes = [1, 2048], strides = [1, 1]} : vector<3x2048xf32> to vector<1x2048xf32>
    %squeeze3A_20 = vector.shape_cast %slice3A_19 : vector<1x2048xf32> to vector<2048xf32>
    %mul3A_21 = arith.mulf %squeeze3A_18, %squeeze3A_20 : vector<2048xf32>
    %add3A_22 = arith.addf %add3A, %mul3A_21 : vector<2048xf32>
    %slice3A_23 = vector.extract_strided_slice %get3A_8 {offsets = [0, 0], sizes = [1, 2048], strides = [1, 1]} : vector<3x2048xf32> to vector<1x2048xf32>
    %squeeze3A_24 = vector.shape_cast %slice3A_23 : vector<1x2048xf32> to vector<2048xf32>
    %slice3A_25 = vector.extract_strided_slice %get3A_8 {offsets = [0, 0], sizes = [1, 2048], strides = [1, 1]} : vector<3x2048xf32> to vector<1x2048xf32>
    %squeeze3A_26 = vector.shape_cast %slice3A_25 : vector<1x2048xf32> to vector<2048xf32>
    %mul3A_27 = arith.mulf %squeeze3A_24, %squeeze3A_26 : vector<2048xf32>
    %slice3A_28 = vector.extract_strided_slice %get3A_8 {offsets = [1, 0], sizes = [1, 2048], strides = [1, 1]} : vector<3x2048xf32> to vector<1x2048xf32>
    %squeeze3A_29 = vector.shape_cast %slice3A_28 : vector<1x2048xf32> to vector<2048xf32>
    %slice3A_30 = vector.extract_strided_slice %get3A_8 {offsets = [1, 0], sizes = [1, 2048], strides = [1, 1]} : vector<3x2048xf32> to vector<1x2048xf32>
    %squeeze3A_31 = vector.shape_cast %slice3A_30 : vector<1x2048xf32> to vector<2048xf32>
    %mul3A_32 = arith.mulf %squeeze3A_29, %squeeze3A_31 : vector<2048xf32>
    %add3A_33 = arith.addf %mul3A_27, %mul3A_32 : vector<2048xf32>
    %slice3A_34 = vector.extract_strided_slice %get3A_8 {offsets = [2, 0], sizes = [1, 2048], strides = [1, 1]} : vector<3x2048xf32> to vector<1x2048xf32>
    %squeeze3A_35 = vector.shape_cast %slice3A_34 : vector<1x2048xf32> to vector<2048xf32>
    %slice3A_36 = vector.extract_strided_slice %get3A_8 {offsets = [2, 0], sizes = [1, 2048], strides = [1, 1]} : vector<3x2048xf32> to vector<1x2048xf32>
    %squeeze3A_37 = vector.shape_cast %slice3A_36 : vector<1x2048xf32> to vector<2048xf32>
    %mul3A_38 = arith.mulf %squeeze3A_35, %squeeze3A_37 : vector<2048xf32>
    %add3A_39 = arith.addf %add3A_33, %mul3A_38 : vector<2048xf32>
    %broadcast_in_dim3A = arith.constant 0x7F800000 : f32
    %broadcast_in_dim3A_40 = vector.broadcast %broadcast_in_dim3A : f32 to vector<2048xf32>
    %broadcast_in_dim3A_41 = arith.constant 0 : i32
    %broadcast_in_dim3A_42 = vector.broadcast %broadcast_in_dim3A_41 : i32 to vector<2048xi32>
    %slice3A_43 = vector.extract_strided_slice %convert_element_type3A_9 {offsets = [0, 0], sizes = [3, 512], strides = [1, 1]} : vector<3x2048xbf16> to vector<3x512xbf16>
    %dot_general3A = arith.constant dense<0.000000e+00> : vector<2048x512xf32>
    %dot_general3A_44 = tpu.matmul %convert_element_type3A, %slice3A_43, %dot_general3A {dimension_numbers = #tpu.dot_dimension_numbers<[0], [0], [1], [1], [0, 1, 1, 1], [], []>, transpose_lhs_hint = false} : vector<3x2048xbf16>, vector<3x512xbf16>, vector<2048x512xf32> -> vector<2048x512xf32>
    %broadcast_in_dim3A_45 = vector.shape_cast %add3A_22 : vector<2048xf32> to vector<2048x1xf32>
    %slice3A_46 = vector.extract_strided_slice %add3A_39 {offsets = [0], sizes = [512], strides = [1]} : vector<2048xf32> to vector<512xf32>
    %broadcast_in_dim3A_47 = vector.shape_cast %slice3A_46 : vector<512xf32> to vector<1x512xf32>
    %add3A_48 = vector.broadcast %broadcast_in_dim3A_45 : vector<2048x1xf32> to vector<2048x512xf32>
    %add3A_49 = vector.broadcast %broadcast_in_dim3A_47 : vector<1x512xf32> to vector<2048x512xf32>
    %add3A_50 = arith.addf %add3A_48, %add3A_49 : vector<2048x512xf32>
    %mul3A_51 = arith.constant 2.000000e+00 : f32
    %mul3A_52 = vector.broadcast %mul3A_51 : f32 to vector<2048x512xf32>
    %mul3A_53 = arith.mulf %mul3A_52, %dot_general3A_44 : vector<2048x512xf32>
    %sub3A = arith.subf %add3A_50, %mul3A_53 : vector<2048x512xf32>
    %reduce_min3A = arith.constant dense<0x7F800000> : vector<2048xf32>
    %reduce_min3A_54 = vector.multi_reduction <minimumf>, %sub3A, %reduce_min3A [1] : vector<2048x512xf32> to vector<2048xf32>
    %argmin3A = tpu.reduce_index %sub3A {axis = 1 : i32, kind = #tpu.reduction_kind<arg_min>} : vector<2048x512xf32> -> vector<2048xi32>
    %add3A_55 = arith.constant 0 : i32
    %add3A_56 = vector.broadcast %add3A_55 : i32 to vector<2048xi32>
    %add3A_57 = arith.addi %argmin3A, %add3A_56 : vector<2048xi32>
    %lt3A = arith.cmpf olt, %reduce_min3A_54, %broadcast_in_dim3A_40 : vector<2048xf32>
    %select_n3A = arith.select %lt3A, %reduce_min3A_54, %broadcast_in_dim3A_40 : vector<2048xi1>, vector<2048xf32>
    %select_n3A_58 = arith.select %lt3A, %add3A_57, %broadcast_in_dim3A_42 : vector<2048xi1>, vector<2048xi32>
    %slice3A_59 = vector.extract_strided_slice %convert_element_type3A_9 {offsets = [0, 512], sizes = [3, 512], strides = [1, 1]} : vector<3x2048xbf16> to vector<3x512xbf16>
    %dot_general3A_60 = arith.constant dense<0.000000e+00> : vector<2048x512xf32>
    %dot_general3A_61 = tpu.matmul %convert_element_type3A, %slice3A_59, %dot_general3A_60 {dimension_numbers = #tpu.dot_dimension_numbers<[0], [0], [1], [1], [0, 1, 1, 1], [], []>, transpose_lhs_hint = false} : vector<3x2048xbf16>, vector<3x512xbf16>, vector<2048x512xf32> -> vector<2048x512xf32>
    %broadcast_in_dim3A_62 = vector.shape_cast %add3A_22 : vector<2048xf32> to vector<2048x1xf32>
    %slice3A_63 = vector.extract_strided_slice %add3A_39 {offsets = [512], sizes = [512], strides = [1]} : vector<2048xf32> to vector<512xf32>
    %broadcast_in_dim3A_64 = vector.shape_cast %slice3A_63 : vector<512xf32> to vector<1x512xf32>
    %add3A_65 = vector.broadcast %broadcast_in_dim3A_62 : vector<2048x1xf32> to vector<2048x512xf32>
    %add3A_66 = vector.broadcast %broadcast_in_dim3A_64 : vector<1x512xf32> to vector<2048x512xf32>
    %add3A_67 = arith.addf %add3A_65, %add3A_66 : vector<2048x512xf32>
    %mul3A_68 = arith.constant 2.000000e+00 : f32
    %mul3A_69 = vector.broadcast %mul3A_68 : f32 to vector<2048x512xf32>
    %mul3A_70 = arith.mulf %mul3A_69, %dot_general3A_61 : vector<2048x512xf32>
    %sub3A_71 = arith.subf %add3A_67, %mul3A_70 : vector<2048x512xf32>
    %reduce_min3A_72 = arith.constant dense<0x7F800000> : vector<2048xf32>
    %reduce_min3A_73 = vector.multi_reduction <minimumf>, %sub3A_71, %reduce_min3A_72 [1] : vector<2048x512xf32> to vector<2048xf32>
    %argmin3A_74 = tpu.reduce_index %sub3A_71 {axis = 1 : i32, kind = #tpu.reduction_kind<arg_min>} : vector<2048x512xf32> -> vector<2048xi32>
    %add3A_75 = arith.constant 512 : i32
    %add3A_76 = vector.broadcast %add3A_75 : i32 to vector<2048xi32>
    %add3A_77 = arith.addi %argmin3A_74, %add3A_76 : vector<2048xi32>
    %lt3A_78 = arith.cmpf olt, %reduce_min3A_73, %select_n3A : vector<2048xf32>
    %select_n3A_79 = arith.select %lt3A_78, %reduce_min3A_73, %select_n3A : vector<2048xi1>, vector<2048xf32>
    %select_n3A_80 = arith.select %lt3A_78, %add3A_77, %select_n3A_58 : vector<2048xi1>, vector<2048xi32>
    %slice3A_81 = vector.extract_strided_slice %convert_element_type3A_9 {offsets = [0, 1024], sizes = [3, 512], strides = [1, 1]} : vector<3x2048xbf16> to vector<3x512xbf16>
    %dot_general3A_82 = arith.constant dense<0.000000e+00> : vector<2048x512xf32>
    %dot_general3A_83 = tpu.matmul %convert_element_type3A, %slice3A_81, %dot_general3A_82 {dimension_numbers = #tpu.dot_dimension_numbers<[0], [0], [1], [1], [0, 1, 1, 1], [], []>, transpose_lhs_hint = false} : vector<3x2048xbf16>, vector<3x512xbf16>, vector<2048x512xf32> -> vector<2048x512xf32>
    %broadcast_in_dim3A_84 = vector.shape_cast %add3A_22 : vector<2048xf32> to vector<2048x1xf32>
    %slice3A_85 = vector.extract_strided_slice %add3A_39 {offsets = [1024], sizes = [512], strides = [1]} : vector<2048xf32> to vector<512xf32>
    %broadcast_in_dim3A_86 = vector.shape_cast %slice3A_85 : vector<512xf32> to vector<1x512xf32>
    %add3A_87 = vector.broadcast %broadcast_in_dim3A_84 : vector<2048x1xf32> to vector<2048x512xf32>
    %add3A_88 = vector.broadcast %broadcast_in_dim3A_86 : vector<1x512xf32> to vector<2048x512xf32>
    %add3A_89 = arith.addf %add3A_87, %add3A_88 : vector<2048x512xf32>
    %mul3A_90 = arith.constant 2.000000e+00 : f32
    %mul3A_91 = vector.broadcast %mul3A_90 : f32 to vector<2048x512xf32>
    %mul3A_92 = arith.mulf %mul3A_91, %dot_general3A_83 : vector<2048x512xf32>
    %sub3A_93 = arith.subf %add3A_89, %mul3A_92 : vector<2048x512xf32>
    %reduce_min3A_94 = arith.constant dense<0x7F800000> : vector<2048xf32>
    %reduce_min3A_95 = vector.multi_reduction <minimumf>, %sub3A_93, %reduce_min3A_94 [1] : vector<2048x512xf32> to vector<2048xf32>
    %argmin3A_96 = tpu.reduce_index %sub3A_93 {axis = 1 : i32, kind = #tpu.reduction_kind<arg_min>} : vector<2048x512xf32> -> vector<2048xi32>
    %add3A_97 = arith.constant 1024 : i32
    %add3A_98 = vector.broadcast %add3A_97 : i32 to vector<2048xi32>
    %add3A_99 = arith.addi %argmin3A_96, %add3A_98 : vector<2048xi32>
    %lt3A_100 = arith.cmpf olt, %reduce_min3A_95, %select_n3A_79 : vector<2048xf32>
    %select_n3A_101 = arith.select %lt3A_100, %reduce_min3A_95, %select_n3A_79 : vector<2048xi1>, vector<2048xf32>
    %select_n3A_102 = arith.select %lt3A_100, %add3A_99, %select_n3A_80 : vector<2048xi1>, vector<2048xi32>
    %slice3A_103 = vector.extract_strided_slice %convert_element_type3A_9 {offsets = [0, 1536], sizes = [3, 512], strides = [1, 1]} : vector<3x2048xbf16> to vector<3x512xbf16>
    %dot_general3A_104 = arith.constant dense<0.000000e+00> : vector<2048x512xf32>
    %dot_general3A_105 = tpu.matmul %convert_element_type3A, %slice3A_103, %dot_general3A_104 {dimension_numbers = #tpu.dot_dimension_numbers<[0], [0], [1], [1], [0, 1, 1, 1], [], []>, transpose_lhs_hint = false} : vector<3x2048xbf16>, vector<3x512xbf16>, vector<2048x512xf32> -> vector<2048x512xf32>
    %broadcast_in_dim3A_106 = vector.shape_cast %add3A_22 : vector<2048xf32> to vector<2048x1xf32>
    %slice3A_107 = vector.extract_strided_slice %add3A_39 {offsets = [1536], sizes = [512], strides = [1]} : vector<2048xf32> to vector<512xf32>
    %broadcast_in_dim3A_108 = vector.shape_cast %slice3A_107 : vector<512xf32> to vector<1x512xf32>
    %add3A_109 = vector.broadcast %broadcast_in_dim3A_106 : vector<2048x1xf32> to vector<2048x512xf32>
    %add3A_110 = vector.broadcast %broadcast_in_dim3A_108 : vector<1x512xf32> to vector<2048x512xf32>
    %add3A_111 = arith.addf %add3A_109, %add3A_110 : vector<2048x512xf32>
    %mul3A_112 = arith.constant 2.000000e+00 : f32
    %mul3A_113 = vector.broadcast %mul3A_112 : f32 to vector<2048x512xf32>
    %mul3A_114 = arith.mulf %mul3A_113, %dot_general3A_105 : vector<2048x512xf32>
    %sub3A_115 = arith.subf %add3A_111, %mul3A_114 : vector<2048x512xf32>
    %reduce_min3A_116 = arith.constant dense<0x7F800000> : vector<2048xf32>
    %reduce_min3A_117 = vector.multi_reduction <minimumf>, %sub3A_115, %reduce_min3A_116 [1] : vector<2048x512xf32> to vector<2048xf32>
    %argmin3A_118 = tpu.reduce_index %sub3A_115 {axis = 1 : i32, kind = #tpu.reduction_kind<arg_min>} : vector<2048x512xf32> -> vector<2048xi32>
    %add3A_119 = arith.constant 1536 : i32
    %add3A_120 = vector.broadcast %add3A_119 : i32 to vector<2048xi32>
    %add3A_121 = arith.addi %argmin3A_118, %add3A_120 : vector<2048xi32>
    %lt3A_122 = arith.cmpf olt, %reduce_min3A_117, %select_n3A_101 : vector<2048xf32>
    %select_n3A_123 = arith.select %lt3A_122, %add3A_121, %select_n3A_102 : vector<2048xi1>, vector<2048xi32>
    %mul3A_124 = arith.constant 2048 : i32
    %mul3A_125 = arith.muli %arg0, %mul3A_124 : i32
    %add3A_126 = vector.broadcast %mul3A_125 : i32 to vector<2048xi32>
    %add3A_127 = arith.addi %select_n3A_123, %add3A_126 : vector<2048xi32>
    %swap3A = arith.constant 0 : index
    %swap3A_128 = arith.constant 0 : index
    %swap3A_129 = arith.constant 0 : index
    %swap3A_130 = vector.load %arg5[%swap3A, %swap3A_128, %swap3A_129] : memref<1x1x2048xi32, #tpu.memory_space<vmem>>, vector<1x1x2048xi32>
    %swap3A_131 = vector.shape_cast %swap3A_130 : vector<1x1x2048xi32> to vector<2048xi32>
    %swap3A_132 = vector.shape_cast %add3A_127 : vector<2048xi32> to vector<1x1x2048xi32>
    tpu.vector_store %arg5[%swap3A, %swap3A_128, %swap3A_129], %swap3A_132 {strides = array<i32>} : memref<1x1x2048xi32, #tpu.memory_space<vmem>>, vector<1x1x2048xi32>,
    %swap3A_133 = arith.constant 0 : index
    %swap3A_134 = arith.constant 0 : index
    %swap3A_135 = arith.constant 0 : index
    %swap3A_136 = vector.load %arg6[%swap3A_133, %swap3A_134, %swap3A_135] : memref<1x3x2048xf32, #tpu.memory_space<vmem>>, vector<1x3x2048xf32>
    %swap3A_137 = vector.shape_cast %swap3A_136 : vector<1x3x2048xf32> to vector<3x2048xf32>
    %swap3A_138 = vector.shape_cast %get3A_3 : vector<3x2048xf32> to vector<1x3x2048xf32>
    tpu.vector_store %arg6[%swap3A_133, %swap3A_134, %swap3A_135], %swap3A_138 {strides = array<i32>} : memref<1x3x2048xf32, #tpu.memory_space<vmem>>, vector<1x3x2048xf32>,
    return
  }
  func.func @transform_0(%arg0: i32) -> (i32, i32, i32) {
    %c0_i32 = arith.constant 0 : i32
    %c0_i32_0 = arith.constant 0 : i32
    %c0_i32_1 = arith.constant 0 : i32
    return %arg0, %c0_i32, %c0_i32_0 : i32, i32, i32
  }
  func.func @transform_1(%arg0: i32) -> (i32, i32, i32) {
    %c0_i32 = arith.constant 0 : i32
    %c0_i32_0 = arith.constant 0 : i32
    %c0_i32_1 = arith.constant 0 : i32
    return %arg0, %c0_i32, %c0_i32_0 : i32, i32, i32
  }
  func.func @transform_2(%arg0: i32) -> (i32, i32, i32) {
    %c0_i32 = arith.constant 0 : i32
    %c0_i32_0 = arith.constant 0 : i32
    %c0_i32_1 = arith.constant 0 : i32
    return %arg0, %c0_i32, %c0_i32_0 : i32, i32, i32
  }
  func.func @transform_3(%arg0: i32) -> (i32, i32, i32) {
    %c0_i32 = arith.constant 0 : i32
    %c0_i32_0 = arith.constant 0 : i32
    %c0_i32_1 = arith.constant 0 : i32
    return %arg0, %c0_i32, %c0_i32_0 : i32, i32, i32
  }
  func.func @transform_4(%arg0: i32) -> (i32, i32, i32) {
    %c0_i32 = arith.constant 0 : i32
    %c0_i32_0 = arith.constant 0 : i32
    %c0_i32_1 = arith.constant 0 : i32
    return %arg0, %c0_i32, %c0_i32_0 : i32, i32, i32
  }
  func.func @transform_5(%arg0: i32) -> (i32, i32, i32) {
    %c0_i32 = arith.constant 0 : i32
    %c0_i32_0 = arith.constant 0 : i32
    %c0_i32_1 = arith.constant 0 : i32
    return %arg0, %c0_i32, %c0_i32_0 : i32, i32, i32
  }
}

module attributes {stable_mosaic.version = 14 : i64} {
  func.func @_reduce_body(%arg0: i32, %arg1: memref<1x3x2048xf32, #tpu.memory_space<vmem>>, %arg2: memref<1x2048x16xf32, #tpu.memory_space<vmem>>, %arg3: memref<1x3x3xf32, #tpu.memory_space<vmem>>, %arg4: memref<1x1x3xf32, #tpu.memory_space<vmem>>, %arg5: memref<1x1x3xf32, #tpu.memory_space<vmem>>) attributes {dimension_semantics = [#tpu.dimension_semantics<arbitrary>], iteration_bounds = array<i64: 8>, scalar_prefetch = 0 : i64, scratch_operands = 0 : i64, tpu.core_type = #tpu.core_type<tc>, window_params = [{transform_indices = @transform_0, window_bounds = array<i64: 1, 3, 2048>}, {transform_indices = @transform_1, window_bounds = array<i64: 1, 2048, 16>}, {transform_indices = @transform_2, window_bounds = array<i64: 1, 3, 3>}, {transform_indices = @transform_3, window_bounds = array<i64: 1, 1, 3>}, {transform_indices = @transform_4, window_bounds = array<i64: 1, 1, 3>}]} {
    %get3A = arith.constant 0 : index
    %get3A_0 = arith.constant 0 : index
    %get3A_1 = arith.constant 0 : index
    %get3A_2 = vector.load %arg1[%get3A, %get3A_0, %get3A_1] : memref<1x3x2048xf32, #tpu.memory_space<vmem>>, vector<1x3x2048xf32>
    %get3A_3 = vector.shape_cast %get3A_2 : vector<1x3x2048xf32> to vector<3x2048xf32>
    %get3A_4 = arith.constant 0 : index
    %get3A_5 = arith.constant 0 : index
    %get3A_6 = arith.constant 0 : index
    %get3A_7 = vector.load %arg2[%get3A_4, %get3A_5, %get3A_6] : memref<1x2048x16xf32, #tpu.memory_space<vmem>>, vector<1x2048x16xf32>
    %get3A_8 = vector.shape_cast %get3A_7 : vector<1x2048x16xf32> to vector<2048x16xf32>
    %slice3A = vector.extract_strided_slice %get3A_8 {offsets = [0, 0], sizes = [2048, 3], strides = [1, 1]} : vector<2048x16xf32> to vector<2048x3xf32>
    %reduce_sum3A = arith.constant dense<0.000000e+00> : vector<3xf32>
    %reduce_sum3A_9 = vector.multi_reduction <add>, %get3A_3, %reduce_sum3A [1] : vector<3x2048xf32> to vector<3xf32>
    %div3A = arith.constant 2.048000e+03 : f32
    %div3A_10 = vector.broadcast %div3A : f32 to vector<3xf32>
    %div3A_11 = arith.divf %reduce_sum3A_9, %div3A_10 : vector<3xf32>
    %reduce_sum3A_12 = arith.constant dense<0.000000e+00> : vector<3xf32>
    %reduce_sum3A_13 = vector.multi_reduction <add>, %slice3A, %reduce_sum3A_12 [0] : vector<2048x3xf32> to vector<3xf32>
    %div3A_14 = arith.constant 2.048000e+03 : f32
    %div3A_15 = vector.broadcast %div3A_14 : f32 to vector<3xf32>
    %div3A_16 = arith.divf %reduce_sum3A_13, %div3A_15 : vector<3xf32>
    %broadcast_in_dim3A = vector.shape_cast %div3A_11 : vector<3xf32> to vector<3x1xf32>
    %sub3A = vector.broadcast %broadcast_in_dim3A : vector<3x1xf32> to vector<3x2048xf32>
    %sub3A_17 = arith.subf %get3A_3, %sub3A : vector<3x2048xf32>
    %convert_element_type3A = arith.truncf %sub3A_17 : vector<3x2048xf32> to vector<3x2048xbf16>
    %broadcast_in_dim3A_18 = vector.shape_cast %div3A_16 : vector<3xf32> to vector<1x3xf32>
    %sub3A_19 = vector.broadcast %broadcast_in_dim3A_18 : vector<1x3xf32> to vector<2048x3xf32>
    %sub3A_20 = arith.subf %slice3A, %sub3A_19 : vector<2048x3xf32>
    %convert_element_type3A_21 = arith.truncf %sub3A_20 : vector<2048x3xf32> to vector<2048x3xbf16>
    %dot_general3A = arith.constant dense<0.000000e+00> : vector<3x3xf32>
    %dot_general3A_22 = tpu.matmul %convert_element_type3A, %convert_element_type3A_21, %dot_general3A {dimension_numbers = #tpu.dot_dimension_numbers<[1], [0], [0], [1], [0, 0, 1, 1], [], []>, transpose_lhs_hint = false} : vector<3x2048xbf16>, vector<2048x3xbf16>, vector<3x3xf32> -> vector<3x3xf32>
    %swap3A = arith.constant 0 : index
    %swap3A_23 = arith.constant 0 : index
    %swap3A_24 = arith.constant 0 : index
    %swap3A_25 = vector.load %arg3[%swap3A, %swap3A_23, %swap3A_24] : memref<1x3x3xf32, #tpu.memory_space<vmem>>, vector<1x3x3xf32>
    %swap3A_26 = vector.shape_cast %swap3A_25 : vector<1x3x3xf32> to vector<3x3xf32>
    %swap3A_27 = vector.shape_cast %dot_general3A_22 : vector<3x3xf32> to vector<1x3x3xf32>
    tpu.vector_store %arg3[%swap3A, %swap3A_23, %swap3A_24], %swap3A_27 {strides = array<i32>} : memref<1x3x3xf32, #tpu.memory_space<vmem>>, vector<1x3x3xf32>,
    %swap3A_28 = arith.constant 0 : index
    %swap3A_29 = arith.constant 0 : index
    %swap3A_30 = arith.constant 0 : index
    %swap3A_31 = vector.load %arg4[%swap3A_28, %swap3A_29, %swap3A_30] : memref<1x1x3xf32, #tpu.memory_space<vmem>>, vector<1x1x3xf32>
    %swap3A_32 = vector.shape_cast %swap3A_31 : vector<1x1x3xf32> to vector<3xf32>
    %swap3A_33 = vector.shape_cast %div3A_11 : vector<3xf32> to vector<1x1x3xf32>
    tpu.vector_store %arg4[%swap3A_28, %swap3A_29, %swap3A_30], %swap3A_33 {strides = array<i32>} : memref<1x1x3xf32, #tpu.memory_space<vmem>>, vector<1x1x3xf32>,
    %swap3A_34 = arith.constant 0 : index
    %swap3A_35 = arith.constant 0 : index
    %swap3A_36 = arith.constant 0 : index
    %swap3A_37 = vector.load %arg5[%swap3A_34, %swap3A_35, %swap3A_36] : memref<1x1x3xf32, #tpu.memory_space<vmem>>, vector<1x1x3xf32>
    %swap3A_38 = vector.shape_cast %swap3A_37 : vector<1x1x3xf32> to vector<3xf32>
    %swap3A_39 = vector.shape_cast %div3A_16 : vector<3xf32> to vector<1x1x3xf32>
    tpu.vector_store %arg5[%swap3A_34, %swap3A_35, %swap3A_36], %swap3A_39 {strides = array<i32>} : memref<1x1x3xf32, #tpu.memory_space<vmem>>, vector<1x1x3xf32>,
    return
  }
  func.func @transform_0(%arg0: i32) -> (i32, i32, i32) {
    %c0_i32 = arith.constant 0 : i32
    %c0_i32_0 = arith.constant 0 : i32
    %c0_i32_1 = arith.constant 0 : i32
    return %arg0, %c0_i32, %c0_i32_0 : i32, i32, i32
  }
  func.func @transform_1(%arg0: i32) -> (i32, i32, i32) {
    %c0_i32 = arith.constant 0 : i32
    %c0_i32_0 = arith.constant 0 : i32
    %c0_i32_1 = arith.constant 0 : i32
    return %arg0, %c0_i32, %c0_i32_0 : i32, i32, i32
  }
  func.func @transform_2(%arg0: i32) -> (i32, i32, i32) {
    %c0_i32 = arith.constant 0 : i32
    %c0_i32_0 = arith.constant 0 : i32
    %c0_i32_1 = arith.constant 0 : i32
    return %arg0, %c0_i32, %c0_i32_0 : i32, i32, i32
  }
  func.func @transform_3(%arg0: i32) -> (i32, i32, i32) {
    %c0_i32 = arith.constant 0 : i32
    %c0_i32_0 = arith.constant 0 : i32
    %c0_i32_1 = arith.constant 0 : i32
    return %arg0, %c0_i32, %c0_i32_0 : i32, i32, i32
  }
  func.func @transform_4(%arg0: i32) -> (i32, i32, i32) {
    %c0_i32 = arith.constant 0 : i32
    %c0_i32_0 = arith.constant 0 : i32
    %c0_i32_1 = arith.constant 0 : i32
    return %arg0, %c0_i32, %c0_i32_0 : i32, i32, i32
  }
}

module attributes {stable_mosaic.version = 14 : i64} {
  func.func @_match_body(%arg0: i32, %arg1: memref<1x3x2048xf32, #tpu.memory_space<vmem>>, %arg2: memref<1x3x2048xf32, #tpu.memory_space<vmem>>, %arg3: memref<1x3x3xf32, #tpu.memory_space<vmem>>, %arg4: memref<1x1x3xf32, #tpu.memory_space<vmem>>, %arg5: memref<1x1x2048xi32, #tpu.memory_space<vmem>>, %arg6: memref<1x3x2048xf32, #tpu.memory_space<vmem>>) attributes {dimension_semantics = [#tpu.dimension_semantics<arbitrary>], iteration_bounds = array<i64: 8>, scalar_prefetch = 0 : i64, scratch_operands = 0 : i64, tpu.core_type = #tpu.core_type<tc>, window_params = [{transform_indices = @transform_0, window_bounds = array<i64: 1, 3, 2048>}, {transform_indices = @transform_1, window_bounds = array<i64: 1, 3, 2048>}, {transform_indices = @transform_2, window_bounds = array<i64: 1, 3, 3>}, {transform_indices = @transform_3, window_bounds = array<i64: 1, 1, 3>}, {transform_indices = @transform_4, window_bounds = array<i64: 1, 1, 2048>}, {transform_indices = @transform_5, window_bounds = array<i64: 1, 3, 2048>}]} {
    %get3A = arith.constant 0 : index
    %get3A_0 = arith.constant 0 : index
    %get3A_1 = arith.constant 0 : index
    %get3A_2 = vector.load %arg1[%get3A, %get3A_0, %get3A_1] : memref<1x3x2048xf32, #tpu.memory_space<vmem>>, vector<1x3x2048xf32>
    %get3A_3 = vector.shape_cast %get3A_2 : vector<1x3x2048xf32> to vector<3x2048xf32>
    %get3A_4 = arith.constant 0 : index
    %get3A_5 = arith.constant 0 : index
    %get3A_6 = arith.constant 0 : index
    %get3A_7 = vector.load %arg2[%get3A_4, %get3A_5, %get3A_6] : memref<1x3x2048xf32, #tpu.memory_space<vmem>>, vector<1x3x2048xf32>
    %get3A_8 = vector.shape_cast %get3A_7 : vector<1x3x2048xf32> to vector<3x2048xf32>
    %get3A_9 = arith.constant 0 : index
    %get3A_10 = arith.constant 0 : index
    %get3A_11 = arith.constant 0 : index
    %get3A_12 = vector.load %arg3[%get3A_9, %get3A_10, %get3A_11] : memref<1x3x3xf32, #tpu.memory_space<vmem>>, vector<1x3x3xf32>
    %get3A_13 = vector.shape_cast %get3A_12 : vector<1x3x3xf32> to vector<3x3xf32>
    %get3A_14 = arith.constant 0 : index
    %get3A_15 = arith.constant 0 : index
    %get3A_16 = arith.constant 0 : index
    %get3A_17 = vector.load %arg4[%get3A_14, %get3A_15, %get3A_16] : memref<1x1x3xf32, #tpu.memory_space<vmem>>, vector<1x1x3xf32>
    %get3A_18 = vector.shape_cast %get3A_17 : vector<1x1x3xf32> to vector<1x3xf32>
    %convert_element_type3A = arith.truncf %get3A_13 : vector<3x3xf32> to vector<3x3xbf16>
    %convert_element_type3A_19 = arith.truncf %get3A_3 : vector<3x2048xf32> to vector<3x2048xbf16>
    %dot_general3A = arith.constant dense<0.000000e+00> : vector<3x2048xf32>
    %dot_general3A_20 = tpu.matmul %convert_element_type3A, %convert_element_type3A_19, %dot_general3A {dimension_numbers = #tpu.dot_dimension_numbers<[1], [0], [0], [1], [0, 0, 1, 1], [], []>, transpose_lhs_hint = false} : vector<3x3xbf16>, vector<3x2048xbf16>, vector<3x2048xf32> -> vector<3x2048xf32>
    %reshape3A = vector.shape_cast %get3A_18 : vector<1x3xf32> to vector<3x1xf32>
    %add3A = vector.broadcast %reshape3A : vector<3x1xf32> to vector<3x2048xf32>
    %add3A_21 = arith.addf %dot_general3A_20, %add3A : vector<3x2048xf32>
    %convert_element_type3A_22 = arith.truncf %add3A_21 : vector<3x2048xf32> to vector<3x2048xbf16>
    %convert_element_type3A_23 = arith.truncf %get3A_8 : vector<3x2048xf32> to vector<3x2048xbf16>
    %slice3A = vector.extract_strided_slice %add3A_21 {offsets = [0, 0], sizes = [1, 2048], strides = [1, 1]} : vector<3x2048xf32> to vector<1x2048xf32>
    %squeeze3A = vector.shape_cast %slice3A : vector<1x2048xf32> to vector<2048xf32>
    %slice3A_24 = vector.extract_strided_slice %add3A_21 {offsets = [0, 0], sizes = [1, 2048], strides = [1, 1]} : vector<3x2048xf32> to vector<1x2048xf32>
    %squeeze3A_25 = vector.shape_cast %slice3A_24 : vector<1x2048xf32> to vector<2048xf32>
    %mul3A = arith.mulf %squeeze3A, %squeeze3A_25 : vector<2048xf32>
    %slice3A_26 = vector.extract_strided_slice %add3A_21 {offsets = [1, 0], sizes = [1, 2048], strides = [1, 1]} : vector<3x2048xf32> to vector<1x2048xf32>
    %squeeze3A_27 = vector.shape_cast %slice3A_26 : vector<1x2048xf32> to vector<2048xf32>
    %slice3A_28 = vector.extract_strided_slice %add3A_21 {offsets = [1, 0], sizes = [1, 2048], strides = [1, 1]} : vector<3x2048xf32> to vector<1x2048xf32>
    %squeeze3A_29 = vector.shape_cast %slice3A_28 : vector<1x2048xf32> to vector<2048xf32>
    %mul3A_30 = arith.mulf %squeeze3A_27, %squeeze3A_29 : vector<2048xf32>
    %add3A_31 = arith.addf %mul3A, %mul3A_30 : vector<2048xf32>
    %slice3A_32 = vector.extract_strided_slice %add3A_21 {offsets = [2, 0], sizes = [1, 2048], strides = [1, 1]} : vector<3x2048xf32> to vector<1x2048xf32>
    %squeeze3A_33 = vector.shape_cast %slice3A_32 : vector<1x2048xf32> to vector<2048xf32>
    %slice3A_34 = vector.extract_strided_slice %add3A_21 {offsets = [2, 0], sizes = [1, 2048], strides = [1, 1]} : vector<3x2048xf32> to vector<1x2048xf32>
    %squeeze3A_35 = vector.shape_cast %slice3A_34 : vector<1x2048xf32> to vector<2048xf32>
    %mul3A_36 = arith.mulf %squeeze3A_33, %squeeze3A_35 : vector<2048xf32>
    %add3A_37 = arith.addf %add3A_31, %mul3A_36 : vector<2048xf32>
    %slice3A_38 = vector.extract_strided_slice %get3A_8 {offsets = [0, 0], sizes = [1, 2048], strides = [1, 1]} : vector<3x2048xf32> to vector<1x2048xf32>
    %squeeze3A_39 = vector.shape_cast %slice3A_38 : vector<1x2048xf32> to vector<2048xf32>
    %slice3A_40 = vector.extract_strided_slice %get3A_8 {offsets = [0, 0], sizes = [1, 2048], strides = [1, 1]} : vector<3x2048xf32> to vector<1x2048xf32>
    %squeeze3A_41 = vector.shape_cast %slice3A_40 : vector<1x2048xf32> to vector<2048xf32>
    %mul3A_42 = arith.mulf %squeeze3A_39, %squeeze3A_41 : vector<2048xf32>
    %slice3A_43 = vector.extract_strided_slice %get3A_8 {offsets = [1, 0], sizes = [1, 2048], strides = [1, 1]} : vector<3x2048xf32> to vector<1x2048xf32>
    %squeeze3A_44 = vector.shape_cast %slice3A_43 : vector<1x2048xf32> to vector<2048xf32>
    %slice3A_45 = vector.extract_strided_slice %get3A_8 {offsets = [1, 0], sizes = [1, 2048], strides = [1, 1]} : vector<3x2048xf32> to vector<1x2048xf32>
    %squeeze3A_46 = vector.shape_cast %slice3A_45 : vector<1x2048xf32> to vector<2048xf32>
    %mul3A_47 = arith.mulf %squeeze3A_44, %squeeze3A_46 : vector<2048xf32>
    %add3A_48 = arith.addf %mul3A_42, %mul3A_47 : vector<2048xf32>
    %slice3A_49 = vector.extract_strided_slice %get3A_8 {offsets = [2, 0], sizes = [1, 2048], strides = [1, 1]} : vector<3x2048xf32> to vector<1x2048xf32>
    %squeeze3A_50 = vector.shape_cast %slice3A_49 : vector<1x2048xf32> to vector<2048xf32>
    %slice3A_51 = vector.extract_strided_slice %get3A_8 {offsets = [2, 0], sizes = [1, 2048], strides = [1, 1]} : vector<3x2048xf32> to vector<1x2048xf32>
    %squeeze3A_52 = vector.shape_cast %slice3A_51 : vector<1x2048xf32> to vector<2048xf32>
    %mul3A_53 = arith.mulf %squeeze3A_50, %squeeze3A_52 : vector<2048xf32>
    %add3A_54 = arith.addf %add3A_48, %mul3A_53 : vector<2048xf32>
    %broadcast_in_dim3A = arith.constant 0x7F800000 : f32
    %broadcast_in_dim3A_55 = vector.broadcast %broadcast_in_dim3A : f32 to vector<2048xf32>
    %broadcast_in_dim3A_56 = arith.constant 0 : i32
    %broadcast_in_dim3A_57 = vector.broadcast %broadcast_in_dim3A_56 : i32 to vector<2048xi32>
    %slice3A_58 = vector.extract_strided_slice %convert_element_type3A_23 {offsets = [0, 0], sizes = [3, 512], strides = [1, 1]} : vector<3x2048xbf16> to vector<3x512xbf16>
    %dot_general3A_59 = arith.constant dense<0.000000e+00> : vector<2048x512xf32>
    %dot_general3A_60 = tpu.matmul %convert_element_type3A_22, %slice3A_58, %dot_general3A_59 {dimension_numbers = #tpu.dot_dimension_numbers<[0], [0], [1], [1], [0, 1, 1, 1], [], []>, transpose_lhs_hint = false} : vector<3x2048xbf16>, vector<3x512xbf16>, vector<2048x512xf32> -> vector<2048x512xf32>
    %broadcast_in_dim3A_61 = vector.shape_cast %add3A_37 : vector<2048xf32> to vector<2048x1xf32>
    %slice3A_62 = vector.extract_strided_slice %add3A_54 {offsets = [0], sizes = [512], strides = [1]} : vector<2048xf32> to vector<512xf32>
    %broadcast_in_dim3A_63 = vector.shape_cast %slice3A_62 : vector<512xf32> to vector<1x512xf32>
    %add3A_64 = vector.broadcast %broadcast_in_dim3A_61 : vector<2048x1xf32> to vector<2048x512xf32>
    %add3A_65 = vector.broadcast %broadcast_in_dim3A_63 : vector<1x512xf32> to vector<2048x512xf32>
    %add3A_66 = arith.addf %add3A_64, %add3A_65 : vector<2048x512xf32>
    %mul3A_67 = arith.constant 2.000000e+00 : f32
    %mul3A_68 = vector.broadcast %mul3A_67 : f32 to vector<2048x512xf32>
    %mul3A_69 = arith.mulf %mul3A_68, %dot_general3A_60 : vector<2048x512xf32>
    %sub3A = arith.subf %add3A_66, %mul3A_69 : vector<2048x512xf32>
    %reduce_min3A = arith.constant dense<0x7F800000> : vector<2048xf32>
    %reduce_min3A_70 = vector.multi_reduction <minimumf>, %sub3A, %reduce_min3A [1] : vector<2048x512xf32> to vector<2048xf32>
    %argmin3A = tpu.reduce_index %sub3A {axis = 1 : i32, kind = #tpu.reduction_kind<arg_min>} : vector<2048x512xf32> -> vector<2048xi32>
    %add3A_71 = arith.constant 0 : i32
    %add3A_72 = vector.broadcast %add3A_71 : i32 to vector<2048xi32>
    %add3A_73 = arith.addi %argmin3A, %add3A_72 : vector<2048xi32>
    %lt3A = arith.cmpf olt, %reduce_min3A_70, %broadcast_in_dim3A_55 : vector<2048xf32>
    %select_n3A = arith.select %lt3A, %reduce_min3A_70, %broadcast_in_dim3A_55 : vector<2048xi1>, vector<2048xf32>
    %select_n3A_74 = arith.select %lt3A, %add3A_73, %broadcast_in_dim3A_57 : vector<2048xi1>, vector<2048xi32>
    %slice3A_75 = vector.extract_strided_slice %convert_element_type3A_23 {offsets = [0, 512], sizes = [3, 512], strides = [1, 1]} : vector<3x2048xbf16> to vector<3x512xbf16>
    %dot_general3A_76 = arith.constant dense<0.000000e+00> : vector<2048x512xf32>
    %dot_general3A_77 = tpu.matmul %convert_element_type3A_22, %slice3A_75, %dot_general3A_76 {dimension_numbers = #tpu.dot_dimension_numbers<[0], [0], [1], [1], [0, 1, 1, 1], [], []>, transpose_lhs_hint = false} : vector<3x2048xbf16>, vector<3x512xbf16>, vector<2048x512xf32> -> vector<2048x512xf32>
    %broadcast_in_dim3A_78 = vector.shape_cast %add3A_37 : vector<2048xf32> to vector<2048x1xf32>
    %slice3A_79 = vector.extract_strided_slice %add3A_54 {offsets = [512], sizes = [512], strides = [1]} : vector<2048xf32> to vector<512xf32>
    %broadcast_in_dim3A_80 = vector.shape_cast %slice3A_79 : vector<512xf32> to vector<1x512xf32>
    %add3A_81 = vector.broadcast %broadcast_in_dim3A_78 : vector<2048x1xf32> to vector<2048x512xf32>
    %add3A_82 = vector.broadcast %broadcast_in_dim3A_80 : vector<1x512xf32> to vector<2048x512xf32>
    %add3A_83 = arith.addf %add3A_81, %add3A_82 : vector<2048x512xf32>
    %mul3A_84 = arith.constant 2.000000e+00 : f32
    %mul3A_85 = vector.broadcast %mul3A_84 : f32 to vector<2048x512xf32>
    %mul3A_86 = arith.mulf %mul3A_85, %dot_general3A_77 : vector<2048x512xf32>
    %sub3A_87 = arith.subf %add3A_83, %mul3A_86 : vector<2048x512xf32>
    %reduce_min3A_88 = arith.constant dense<0x7F800000> : vector<2048xf32>
    %reduce_min3A_89 = vector.multi_reduction <minimumf>, %sub3A_87, %reduce_min3A_88 [1] : vector<2048x512xf32> to vector<2048xf32>
    %argmin3A_90 = tpu.reduce_index %sub3A_87 {axis = 1 : i32, kind = #tpu.reduction_kind<arg_min>} : vector<2048x512xf32> -> vector<2048xi32>
    %add3A_91 = arith.constant 512 : i32
    %add3A_92 = vector.broadcast %add3A_91 : i32 to vector<2048xi32>
    %add3A_93 = arith.addi %argmin3A_90, %add3A_92 : vector<2048xi32>
    %lt3A_94 = arith.cmpf olt, %reduce_min3A_89, %select_n3A : vector<2048xf32>
    %select_n3A_95 = arith.select %lt3A_94, %reduce_min3A_89, %select_n3A : vector<2048xi1>, vector<2048xf32>
    %select_n3A_96 = arith.select %lt3A_94, %add3A_93, %select_n3A_74 : vector<2048xi1>, vector<2048xi32>
    %slice3A_97 = vector.extract_strided_slice %convert_element_type3A_23 {offsets = [0, 1024], sizes = [3, 512], strides = [1, 1]} : vector<3x2048xbf16> to vector<3x512xbf16>
    %dot_general3A_98 = arith.constant dense<0.000000e+00> : vector<2048x512xf32>
    %dot_general3A_99 = tpu.matmul %convert_element_type3A_22, %slice3A_97, %dot_general3A_98 {dimension_numbers = #tpu.dot_dimension_numbers<[0], [0], [1], [1], [0, 1, 1, 1], [], []>, transpose_lhs_hint = false} : vector<3x2048xbf16>, vector<3x512xbf16>, vector<2048x512xf32> -> vector<2048x512xf32>
    %broadcast_in_dim3A_100 = vector.shape_cast %add3A_37 : vector<2048xf32> to vector<2048x1xf32>
    %slice3A_101 = vector.extract_strided_slice %add3A_54 {offsets = [1024], sizes = [512], strides = [1]} : vector<2048xf32> to vector<512xf32>
    %broadcast_in_dim3A_102 = vector.shape_cast %slice3A_101 : vector<512xf32> to vector<1x512xf32>
    %add3A_103 = vector.broadcast %broadcast_in_dim3A_100 : vector<2048x1xf32> to vector<2048x512xf32>
    %add3A_104 = vector.broadcast %broadcast_in_dim3A_102 : vector<1x512xf32> to vector<2048x512xf32>
    %add3A_105 = arith.addf %add3A_103, %add3A_104 : vector<2048x512xf32>
    %mul3A_106 = arith.constant 2.000000e+00 : f32
    %mul3A_107 = vector.broadcast %mul3A_106 : f32 to vector<2048x512xf32>
    %mul3A_108 = arith.mulf %mul3A_107, %dot_general3A_99 : vector<2048x512xf32>
    %sub3A_109 = arith.subf %add3A_105, %mul3A_108 : vector<2048x512xf32>
    %reduce_min3A_110 = arith.constant dense<0x7F800000> : vector<2048xf32>
    %reduce_min3A_111 = vector.multi_reduction <minimumf>, %sub3A_109, %reduce_min3A_110 [1] : vector<2048x512xf32> to vector<2048xf32>
    %argmin3A_112 = tpu.reduce_index %sub3A_109 {axis = 1 : i32, kind = #tpu.reduction_kind<arg_min>} : vector<2048x512xf32> -> vector<2048xi32>
    %add3A_113 = arith.constant 1024 : i32
    %add3A_114 = vector.broadcast %add3A_113 : i32 to vector<2048xi32>
    %add3A_115 = arith.addi %argmin3A_112, %add3A_114 : vector<2048xi32>
    %lt3A_116 = arith.cmpf olt, %reduce_min3A_111, %select_n3A_95 : vector<2048xf32>
    %select_n3A_117 = arith.select %lt3A_116, %reduce_min3A_111, %select_n3A_95 : vector<2048xi1>, vector<2048xf32>
    %select_n3A_118 = arith.select %lt3A_116, %add3A_115, %select_n3A_96 : vector<2048xi1>, vector<2048xi32>
    %slice3A_119 = vector.extract_strided_slice %convert_element_type3A_23 {offsets = [0, 1536], sizes = [3, 512], strides = [1, 1]} : vector<3x2048xbf16> to vector<3x512xbf16>
    %dot_general3A_120 = arith.constant dense<0.000000e+00> : vector<2048x512xf32>
    %dot_general3A_121 = tpu.matmul %convert_element_type3A_22, %slice3A_119, %dot_general3A_120 {dimension_numbers = #tpu.dot_dimension_numbers<[0], [0], [1], [1], [0, 1, 1, 1], [], []>, transpose_lhs_hint = false} : vector<3x2048xbf16>, vector<3x512xbf16>, vector<2048x512xf32> -> vector<2048x512xf32>
    %broadcast_in_dim3A_122 = vector.shape_cast %add3A_37 : vector<2048xf32> to vector<2048x1xf32>
    %slice3A_123 = vector.extract_strided_slice %add3A_54 {offsets = [1536], sizes = [512], strides = [1]} : vector<2048xf32> to vector<512xf32>
    %broadcast_in_dim3A_124 = vector.shape_cast %slice3A_123 : vector<512xf32> to vector<1x512xf32>
    %add3A_125 = vector.broadcast %broadcast_in_dim3A_122 : vector<2048x1xf32> to vector<2048x512xf32>
    %add3A_126 = vector.broadcast %broadcast_in_dim3A_124 : vector<1x512xf32> to vector<2048x512xf32>
    %add3A_127 = arith.addf %add3A_125, %add3A_126 : vector<2048x512xf32>
    %mul3A_128 = arith.constant 2.000000e+00 : f32
    %mul3A_129 = vector.broadcast %mul3A_128 : f32 to vector<2048x512xf32>
    %mul3A_130 = arith.mulf %mul3A_129, %dot_general3A_121 : vector<2048x512xf32>
    %sub3A_131 = arith.subf %add3A_127, %mul3A_130 : vector<2048x512xf32>
    %reduce_min3A_132 = arith.constant dense<0x7F800000> : vector<2048xf32>
    %reduce_min3A_133 = vector.multi_reduction <minimumf>, %sub3A_131, %reduce_min3A_132 [1] : vector<2048x512xf32> to vector<2048xf32>
    %argmin3A_134 = tpu.reduce_index %sub3A_131 {axis = 1 : i32, kind = #tpu.reduction_kind<arg_min>} : vector<2048x512xf32> -> vector<2048xi32>
    %add3A_135 = arith.constant 1536 : i32
    %add3A_136 = vector.broadcast %add3A_135 : i32 to vector<2048xi32>
    %add3A_137 = arith.addi %argmin3A_134, %add3A_136 : vector<2048xi32>
    %lt3A_138 = arith.cmpf olt, %reduce_min3A_133, %select_n3A_117 : vector<2048xf32>
    %select_n3A_139 = arith.select %lt3A_138, %add3A_137, %select_n3A_118 : vector<2048xi1>, vector<2048xi32>
    %mul3A_140 = arith.constant 2048 : i32
    %mul3A_141 = arith.muli %arg0, %mul3A_140 : i32
    %add3A_142 = vector.broadcast %mul3A_141 : i32 to vector<2048xi32>
    %add3A_143 = arith.addi %select_n3A_139, %add3A_142 : vector<2048xi32>
    %swap3A = arith.constant 0 : index
    %swap3A_144 = arith.constant 0 : index
    %swap3A_145 = arith.constant 0 : index
    %swap3A_146 = vector.load %arg5[%swap3A, %swap3A_144, %swap3A_145] : memref<1x1x2048xi32, #tpu.memory_space<vmem>>, vector<1x1x2048xi32>
    %swap3A_147 = vector.shape_cast %swap3A_146 : vector<1x1x2048xi32> to vector<2048xi32>
    %swap3A_148 = vector.shape_cast %add3A_143 : vector<2048xi32> to vector<1x1x2048xi32>
    tpu.vector_store %arg5[%swap3A, %swap3A_144, %swap3A_145], %swap3A_148 {strides = array<i32>} : memref<1x1x2048xi32, #tpu.memory_space<vmem>>, vector<1x1x2048xi32>,
    %swap3A_149 = arith.constant 0 : index
    %swap3A_150 = arith.constant 0 : index
    %swap3A_151 = arith.constant 0 : index
    %swap3A_152 = vector.load %arg6[%swap3A_149, %swap3A_150, %swap3A_151] : memref<1x3x2048xf32, #tpu.memory_space<vmem>>, vector<1x3x2048xf32>
    %swap3A_153 = vector.shape_cast %swap3A_152 : vector<1x3x2048xf32> to vector<3x2048xf32>
    %swap3A_154 = vector.shape_cast %add3A_21 : vector<3x2048xf32> to vector<1x3x2048xf32>
    tpu.vector_store %arg6[%swap3A_149, %swap3A_150, %swap3A_151], %swap3A_154 {strides = array<i32>} : memref<1x3x2048xf32, #tpu.memory_space<vmem>>, vector<1x3x2048xf32>,
    return
  }
  func.func @transform_0(%arg0: i32) -> (i32, i32, i32) {
    %c0_i32 = arith.constant 0 : i32
    %c0_i32_0 = arith.constant 0 : i32
    %c0_i32_1 = arith.constant 0 : i32
    return %arg0, %c0_i32, %c0_i32_0 : i32, i32, i32
  }
  func.func @transform_1(%arg0: i32) -> (i32, i32, i32) {
    %c0_i32 = arith.constant 0 : i32
    %c0_i32_0 = arith.constant 0 : i32
    %c0_i32_1 = arith.constant 0 : i32
    return %arg0, %c0_i32, %c0_i32_0 : i32, i32, i32
  }
  func.func @transform_2(%arg0: i32) -> (i32, i32, i32) {
    %c0_i32 = arith.constant 0 : i32
    %c0_i32_0 = arith.constant 0 : i32
    %c0_i32_1 = arith.constant 0 : i32
    return %arg0, %c0_i32, %c0_i32_0 : i32, i32, i32
  }
  func.func @transform_3(%arg0: i32) -> (i32, i32, i32) {
    %c0_i32 = arith.constant 0 : i32
    %c0_i32_0 = arith.constant 0 : i32
    %c0_i32_1 = arith.constant 0 : i32
    return %arg0, %c0_i32, %c0_i32_0 : i32, i32, i32
  }
  func.func @transform_4(%arg0: i32) -> (i32, i32, i32) {
    %c0_i32 = arith.constant 0 : i32
    %c0_i32_0 = arith.constant 0 : i32
    %c0_i32_1 = arith.constant 0 : i32
    return %arg0, %c0_i32, %c0_i32_0 : i32, i32, i32
  }
  func.func @transform_5(%arg0: i32) -> (i32, i32, i32) {
    %c0_i32 = arith.constant 0 : i32
    %c0_i32_0 = arith.constant 0 : i32
    %c0_i32_1 = arith.constant 0 : i32
    return %arg0, %c0_i32, %c0_i32_0 : i32, i32, i32
  }
}

module attributes {stable_mosaic.version = 14 : i64} {
  func.func @_final_body(%arg0: i32, %arg1: memref<1x3x2048xf32, #tpu.memory_space<vmem>>, %arg2: memref<1x3x2048xf32, #tpu.memory_space<vmem>>, %arg3: memref<1x3x3xf32, #tpu.memory_space<vmem>>, %arg4: memref<1x1x3xf32, #tpu.memory_space<vmem>>, %arg5: memref<1x3x3xf32, #tpu.memory_space<vmem>>, %arg6: memref<1x1x3xf32, #tpu.memory_space<vmem>>, %arg7: memref<1x1x3xf32, #tpu.memory_space<vmem>>) attributes {dimension_semantics = [#tpu.dimension_semantics<arbitrary>], iteration_bounds = array<i64: 8>, scalar_prefetch = 0 : i64, scratch_operands = 0 : i64, tpu.core_type = #tpu.core_type<tc>, window_params = [{transform_indices = @transform_0, window_bounds = array<i64: 1, 3, 2048>}, {transform_indices = @transform_1, window_bounds = array<i64: 1, 3, 2048>}, {transform_indices = @transform_2, window_bounds = array<i64: 1, 3, 3>}, {transform_indices = @transform_3, window_bounds = array<i64: 1, 1, 3>}, {transform_indices = @transform_4, window_bounds = array<i64: 1, 3, 3>}, {transform_indices = @transform_5, window_bounds = array<i64: 1, 1, 3>}, {transform_indices = @transform_6, window_bounds = array<i64: 1, 1, 3>}]} {
    %get3A = arith.constant 0 : index
    %get3A_0 = arith.constant 0 : index
    %get3A_1 = arith.constant 0 : index
    %get3A_2 = vector.load %arg1[%get3A, %get3A_0, %get3A_1] : memref<1x3x2048xf32, #tpu.memory_space<vmem>>, vector<1x3x2048xf32>
    %get3A_3 = vector.shape_cast %get3A_2 : vector<1x3x2048xf32> to vector<3x2048xf32>
    %get3A_4 = arith.constant 0 : index
    %get3A_5 = arith.constant 0 : index
    %get3A_6 = arith.constant 0 : index
    %get3A_7 = vector.load %arg2[%get3A_4, %get3A_5, %get3A_6] : memref<1x3x2048xf32, #tpu.memory_space<vmem>>, vector<1x3x2048xf32>
    %get3A_8 = vector.shape_cast %get3A_7 : vector<1x3x2048xf32> to vector<3x2048xf32>
    %get3A_9 = arith.constant 0 : index
    %get3A_10 = arith.constant 0 : index
    %get3A_11 = arith.constant 0 : index
    %get3A_12 = vector.load %arg3[%get3A_9, %get3A_10, %get3A_11] : memref<1x3x3xf32, #tpu.memory_space<vmem>>, vector<1x3x3xf32>
    %get3A_13 = vector.shape_cast %get3A_12 : vector<1x3x3xf32> to vector<3x3xf32>
    %get3A_14 = arith.constant 0 : index
    %get3A_15 = arith.constant 0 : index
    %get3A_16 = arith.constant 0 : index
    %get3A_17 = vector.load %arg4[%get3A_14, %get3A_15, %get3A_16] : memref<1x1x3xf32, #tpu.memory_space<vmem>>, vector<1x1x3xf32>
    %get3A_18 = vector.shape_cast %get3A_17 : vector<1x1x3xf32> to vector<1x3xf32>
    %convert_element_type3A = arith.truncf %get3A_13 : vector<3x3xf32> to vector<3x3xbf16>
    %convert_element_type3A_19 = arith.truncf %get3A_8 : vector<3x2048xf32> to vector<3x2048xbf16>
    %dot_general3A = arith.constant dense<0.000000e+00> : vector<3x2048xf32>
    %dot_general3A_20 = tpu.matmul %convert_element_type3A, %convert_element_type3A_19, %dot_general3A {dimension_numbers = #tpu.dot_dimension_numbers<[1], [0], [0], [1], [0, 0, 1, 1], [], []>, transpose_lhs_hint = false} : vector<3x3xbf16>, vector<3x2048xbf16>, vector<3x2048xf32> -> vector<3x2048xf32>
    %reshape3A = vector.shape_cast %get3A_18 : vector<1x3xf32> to vector<3x1xf32>
    %add3A = vector.broadcast %reshape3A : vector<3x1xf32> to vector<3x2048xf32>
    %add3A_21 = arith.addf %dot_general3A_20, %add3A : vector<3x2048xf32>
    %reduce_sum3A = arith.constant dense<0.000000e+00> : vector<3xf32>
    %reduce_sum3A_22 = vector.multi_reduction <add>, %get3A_3, %reduce_sum3A [1] : vector<3x2048xf32> to vector<3xf32>
    %div3A = arith.constant 2.048000e+03 : f32
    %div3A_23 = vector.broadcast %div3A : f32 to vector<3xf32>
    %div3A_24 = arith.divf %reduce_sum3A_22, %div3A_23 : vector<3xf32>
    %reduce_sum3A_25 = arith.constant dense<0.000000e+00> : vector<3xf32>
    %reduce_sum3A_26 = vector.multi_reduction <add>, %add3A_21, %reduce_sum3A_25 [1] : vector<3x2048xf32> to vector<3xf32>
    %div3A_27 = arith.constant 2.048000e+03 : f32
    %div3A_28 = vector.broadcast %div3A_27 : f32 to vector<3xf32>
    %div3A_29 = arith.divf %reduce_sum3A_26, %div3A_28 : vector<3xf32>
    %broadcast_in_dim3A = vector.shape_cast %div3A_24 : vector<3xf32> to vector<3x1xf32>
    %sub3A = vector.broadcast %broadcast_in_dim3A : vector<3x1xf32> to vector<3x2048xf32>
    %sub3A_30 = arith.subf %get3A_3, %sub3A : vector<3x2048xf32>
    %convert_element_type3A_31 = arith.truncf %sub3A_30 : vector<3x2048xf32> to vector<3x2048xbf16>
    %broadcast_in_dim3A_32 = vector.shape_cast %div3A_29 : vector<3xf32> to vector<3x1xf32>
    %sub3A_33 = vector.broadcast %broadcast_in_dim3A_32 : vector<3x1xf32> to vector<3x2048xf32>
    %sub3A_34 = arith.subf %add3A_21, %sub3A_33 : vector<3x2048xf32>
    %convert_element_type3A_35 = arith.truncf %sub3A_34 : vector<3x2048xf32> to vector<3x2048xbf16>
    %dot_general3A_36 = arith.constant dense<0.000000e+00> : vector<3x3xf32>
    %dot_general3A_37 = tpu.matmul %convert_element_type3A_31, %convert_element_type3A_35, %dot_general3A_36 {dimension_numbers = #tpu.dot_dimension_numbers<[1], [1], [0], [0], [0, 0, 1, 0], [], []>, transpose_lhs_hint = false} : vector<3x2048xbf16>, vector<3x2048xbf16>, vector<3x3xf32> -> vector<3x3xf32>
    %swap3A = arith.constant 0 : index
    %swap3A_38 = arith.constant 0 : index
    %swap3A_39 = arith.constant 0 : index
    %swap3A_40 = vector.load %arg5[%swap3A, %swap3A_38, %swap3A_39] : memref<1x3x3xf32, #tpu.memory_space<vmem>>, vector<1x3x3xf32>
    %swap3A_41 = vector.shape_cast %swap3A_40 : vector<1x3x3xf32> to vector<3x3xf32>
    %swap3A_42 = vector.shape_cast %dot_general3A_37 : vector<3x3xf32> to vector<1x3x3xf32>
    tpu.vector_store %arg5[%swap3A, %swap3A_38, %swap3A_39], %swap3A_42 {strides = array<i32>} : memref<1x3x3xf32, #tpu.memory_space<vmem>>, vector<1x3x3xf32>,
    %swap3A_43 = arith.constant 0 : index
    %swap3A_44 = arith.constant 0 : index
    %swap3A_45 = arith.constant 0 : index
    %swap3A_46 = vector.load %arg6[%swap3A_43, %swap3A_44, %swap3A_45] : memref<1x1x3xf32, #tpu.memory_space<vmem>>, vector<1x1x3xf32>
    %swap3A_47 = vector.shape_cast %swap3A_46 : vector<1x1x3xf32> to vector<3xf32>
    %swap3A_48 = vector.shape_cast %div3A_24 : vector<3xf32> to vector<1x1x3xf32>
    tpu.vector_store %arg6[%swap3A_43, %swap3A_44, %swap3A_45], %swap3A_48 {strides = array<i32>} : memref<1x1x3xf32, #tpu.memory_space<vmem>>, vector<1x1x3xf32>,
    %swap3A_49 = arith.constant 0 : index
    %swap3A_50 = arith.constant 0 : index
    %swap3A_51 = arith.constant 0 : index
    %swap3A_52 = vector.load %arg7[%swap3A_49, %swap3A_50, %swap3A_51] : memref<1x1x3xf32, #tpu.memory_space<vmem>>, vector<1x1x3xf32>
    %swap3A_53 = vector.shape_cast %swap3A_52 : vector<1x1x3xf32> to vector<3xf32>
    %swap3A_54 = vector.shape_cast %div3A_29 : vector<3xf32> to vector<1x1x3xf32>
    tpu.vector_store %arg7[%swap3A_49, %swap3A_50, %swap3A_51], %swap3A_54 {strides = array<i32>} : memref<1x1x3xf32, #tpu.memory_space<vmem>>, vector<1x1x3xf32>,
    return
  }
  func.func @transform_0(%arg0: i32) -> (i32, i32, i32) {
    %c0_i32 = arith.constant 0 : i32
    %c0_i32_0 = arith.constant 0 : i32
    %c0_i32_1 = arith.constant 0 : i32
    return %arg0, %c0_i32, %c0_i32_0 : i32, i32, i32
  }
  func.func @transform_1(%arg0: i32) -> (i32, i32, i32) {
    %c0_i32 = arith.constant 0 : i32
    %c0_i32_0 = arith.constant 0 : i32
    %c0_i32_1 = arith.constant 0 : i32
    return %arg0, %c0_i32, %c0_i32_0 : i32, i32, i32
  }
  func.func @transform_2(%arg0: i32) -> (i32, i32, i32) {
    %c0_i32 = arith.constant 0 : i32
    %c0_i32_0 = arith.constant 0 : i32
    %c0_i32_1 = arith.constant 0 : i32
    return %arg0, %c0_i32, %c0_i32_0 : i32, i32, i32
  }
  func.func @transform_3(%arg0: i32) -> (i32, i32, i32) {
    %c0_i32 = arith.constant 0 : i32
    %c0_i32_0 = arith.constant 0 : i32
    %c0_i32_1 = arith.constant 0 : i32
    return %arg0, %c0_i32, %c0_i32_0 : i32, i32, i32
  }
  func.func @transform_4(%arg0: i32) -> (i32, i32, i32) {
    %c0_i32 = arith.constant 0 : i32
    %c0_i32_0 = arith.constant 0 : i32
    %c0_i32_1 = arith.constant 0 : i32
    return %arg0, %c0_i32, %c0_i32_0 : i32, i32, i32
  }
  func.func @transform_5(%arg0: i32) -> (i32, i32, i32) {
    %c0_i32 = arith.constant 0 : i32
    %c0_i32_0 = arith.constant 0 : i32
    %c0_i32_1 = arith.constant 0 : i32
    return %arg0, %c0_i32, %c0_i32_0 : i32, i32, i32
  }
  func.func @transform_6(%arg0: i32) -> (i32, i32, i32) {
    %c0_i32 = arith.constant 0 : i32
    %c0_i32_0 = arith.constant 0 : i32
    %c0_i32_1 = arith.constant 0 : i32
    return %arg0, %c0_i32, %c0_i32_0 : i32, i32, i32
  }
}

</mosaic_0001>

<sc_bundles>
// kernel: kernel.18.cloned.1.call-start
scs
__scs_entry_jumppad:
0x0: {  	(pc) =	sbr.rel $0x88, $3  }
0x1: {  	(tag) =	ssettag $0x0;
	lr =	simm.s32 $0x1  }
0x2: {  	[smem:$0x3F9F] =	sst lr;
	_ =	strace $0xD0000000  }
0x3: {  	_ = 	snop  }
0x4: {  	_ = 	snop  }
0x5: {  	_ = 	snop  }
0x6: {  	_ = 	snop  }
0x7: {  	_ = 	snop  }
__scs_overlays_trampoline_lowered:
0x8: {  	[smem:$0x3FAE] =	sst s0  }
0x9: {  	[smem:$0x3FAF] =	sst s1  }
0xa: {  	[smem:$0x3FB0] =	sst s2  }
0xb: {  	[smem:$0x3FB1] =	sst s3  }
0xc: {  	[smem:$0x3FB2] =	sst s4  }
0xd: {  	[smem:$0x3FB3] =	sst s5  }
0xe: {  	[smem:$0x3FB4] =	sst s6  }
0xf: {  	[smem:$0x3FB5] =	sst s7  }
0x10: {  	[smem:$0x3FB6] =	sst s8  }
0x11: {  	[smem:$0x3FB7] =	sst s9;
	s0 =	simm.s32 @!p0 $0x0  }
0x12: {  	s1 =	sld [smem:$0x3F9D];
	s0 =	simm.s32 @p0 $0x1  }
0x13: {  	[smem:$0x3FB8] =	sst s0;
	s0 =	simm.s32 @!p1 $0x0  }
0x14: {  	s2 =	sld [smem:$0x3F9C];
	s0 =	simm.s32 @p1 $0x1  }
0x15: {  	[smem:$0x3FB9] =	sst s0;
	s0 =	simm.s32 @!p2 $0x0  }
0x16: {  	s3 =	sld [smem:$0x3FDB];
	s0 =	simm.s32 @p2 $0x1  }
0x17: {  	s4 =	simm.s32 $0x1BF5;
	[smem:$0x3FBB] =	sst s0  }
0x18: {  	s0 =	sld [smem:$0x3F9E];
	_ =	swait.ge [sflag:s4], $0x0  }
0x19: {  	s7 =	sld [smem:$0x3F9F]  }
0x1a: {  	s8 =	sadd.s32 $0xFFFFE003, lr  }
0x1b: {  	s9 =	sadd.s32 $0xFFFFFEF7, lr;
	s5 =	simm.s32 $0xFFFFFFFF;
	p2 =	slt.u32 s8, $0xFFFFF086  }
0x1c: {  	p1 =	slt.u32 s9, $0xF7A;
	s5 =	simm.s32 @!p2 $0x0  }
0x1d: {  	s5 =	simm.s32 @p1 $0x1;
	p0 =	seq.s32 s7, s2  }
0x1e: {  	s7 =	smul.u32 @!p0 $0xF7A, s2;
	p2 =	seq.s32 @!p0 s5, $0x0  }
0x1f: {  	s9 =	smul.u32 $0xF7A, s1;
	s8 =	simm.s32 @!p0 $0x1BF5;
	p2 =	por !p2, p0  }
0x20: {  	[sflag:s8] =	ssyncset.s32 @!p0 $0xFFFFF086;
	s6 =	sadd.s32 @!p0 s3, s7;
	s7 =	simm.s32 @!p0 $0x108  }
0x21: {  	s3 =	sadd.s32 s3, s9;
	s6 =	sadd.s32 @!p0 $0x88, s6;
	s7 =	simm.s32 @p2 $0x1082  }
0x22: {  	[simem:s7], [sflag:s8] =	dma.local @!p0 [hbm:s6], $0xF7A  }
0x23: {  	s9 =	sor.u32 $0xD0000000, s2;
	s6 =	simm.s32 $0x108;
	_ =	swait.ge @!p0 [sflag:s8], $0x0  }
0x24: {  	s3 =	sadd.s32 $0x88, s3;
	s6 =	simm.s32 @!p1 $0x1082;
	[sflag:s4] =	ssyncset.s32 $0xFFFFF086  }
0x25: {  	[simem:s6], [sflag:s4] =	dma.local [hbm:s3], $0xF7A  }
0x26: {  	[smem:$0x3F9F] =	sst s1;
	(tag) =	ssettag s2;
	_ =	strace s9  }
0x27: {  	s1 =	sld [smem:$0x3FAF]  }
0x28: {  	s2 =	sld [smem:$0x3FB0]  }
0x29: {  	s4 =	sld [smem:$0x3FB2]  }
0x2a: {  	p0 =	seq.s32 s5, $0x0;
	s5 =	sld [smem:$0x3FB3]  }
0x2b: {  	s6 =	sld [smem:$0x3FB4]  }
0x2c: {  	s7 =	sld [smem:$0x3FB5]  }
0x2d: {  	s3 =	simm.s32 $0x108;
	s8 =	sld [smem:$0x3FB6]  }
0x2e: {  	s3 =	simm.s32 @!p0 $0x1082;
	s9 =	sld [smem:$0x3FB7]  }
0x2f: {  	lr =	sadd.s32 s0, s3;
	s0 =	sld [smem:$0x3FAE]  }
0x30: {  	s3 =	sld [smem:$0x3FB1]  }
0x31: {  	[smem:$0x3FBA] =	sst s10  }
0x32: {  	s10 =	sld [smem:$0x3FB8];
	_ =	sdelay $0x3  }
0x33: {  	p0 =	seq.s32 s10, $0x1;
	s10 =	sld [smem:$0x3FBA];
	_ =	sdelay $0x3  }
0x34: {  	[smem:$0x3FBA] =	sst s10  }
0x35: {  	s10 =	sld [smem:$0x3FB9];
	_ =	sdelay $0x3  }
0x36: {  	p1 =	seq.s32 s10, $0x1;
	s10 =	sld [smem:$0x3FBA];
	_ =	sdelay $0x3  }
0x37: {  	[smem:$0x3FBA] =	sst s10  }
0x38: {  	s10 =	sld [smem:$0x3FBB]  }
0x39: {  	_ = 	snop;
	(pc) =	sbr.ind lr, $3  }
0x3a: {  	_ = 	snop  }
0x3b: {  	_ = 	snop  }
0x3c: {  	p2 =	seq.s32 s10, $0x1;
	s10 =	sld [smem:$0x3FBA]  }
0x3d: {  	_ =	shalt  }
0x3e: {  	_ =	shalt  }
0x3f: {  	_ =	shalt  }
0x40: {  	_ =	shalt  }
0x41: {  	_ =	shalt  }
0x42: {  	_ =	shalt  }
0x43: {  	_ =	shalt  }
0x44: {  	_ =	shalt  }
0x45: {  	_ =	shalt  }
0x46: {  	_ =	shalt  }
0x47: {  	_ =	shalt  }
0x48: {  	_ =	shalt  }
0x49: {  	_ =	shalt  }
0x4a: {  	_ =	shalt  }
0x4b: {  	_ =	shalt  }
0x4c: {  	_ =	shalt  }
0x4d: {  	_ =	shalt  }
0x4e: {  	_ =	shalt  }
0x4f: {  	_ =	shalt  }
0x50: {  	_ =	shalt  }
0x51: {  	_ =	shalt  }
0x52: {  	_ =	shalt  }
0x53: {  	_ =	shalt  }
0x54: {  	_ =	shalt  }
0x55: {  	_ =	shalt  }
0x56: {  	_ =	shalt  }
0x57: {  	_ =	shalt  }
0x58: {  	_ =	shalt  }
0x59: {  	_ =	shalt  }
0x5a: {  	_ =	shalt  }
0x5b: {  	_ =	shalt  }
0x5c: {  	_ =	shalt  }
0x5d: {  	_ =	shalt  }
0x5e: {  	_ =	shalt  }
0x5f: {  	_ =	shalt  }
0x60: {  	_ =	shalt  }
0x61: {  	_ =	shalt  }
0x62: {  	_ =	shalt  }
0x63: {  	_ =	shalt  }
0x64: {  	_ =	shalt  }
0x65: {  	_ =	shalt  }
0x66: {  	_ =	shalt  }
0x67: {  	_ =	shalt  }
0x68: {  	_ =	shalt  }
0x69: {  	_ =	shalt  }
0x6a: {  	_ =	shalt  }
0x6b: {  	_ =	shalt  }
0x6c: {  	_ =	shalt  }
0x6d: {  	_ =	shalt  }
0x6e: {  	_ =	shalt  }
0x6f: {  	_ =	shalt  }
0x70: {  	_ =	shalt  }
0x71: {  	_ =	shalt  }
0x72: {  	_ =	shalt  }
0x73: {  	_ =	shalt  }
0x74: {  	_ =	shalt  }
0x75: {  	_ =	shalt  }
0x76: {  	_ =	shalt  }
0x77: {  	_ =	shalt  }
0x78: {  	_ =	shalt  }
0x79: {  	_ =	shalt  }
0x7a: {  	_ =	shalt  }
0x7b: {  	_ =	shalt  }
0x7c: {  	_ =	shalt  }
0x7d: {  	_ =	shalt  }
0x7e: {  	_ =	shalt  }
0x7f: {  	_ =	shalt  }
0x80: {  	_ =	shalt  }
0x81: {  	_ =	shalt  }
0x82: {  	_ =	shalt  }
0x83: {  	_ =	shalt  }
0x84: {  	_ =	shalt  }
0x85: {  	_ =	shalt  }
0x86: {  	_ =	shalt  }
0x87: {  	_ =	shalt  }
.Lfunc_end0:
.L_simem_size_0:
called_computation_lowered:
.L_overlay_start_0:
0x88: {  	s2 =	sld [smem:$0x3FD9]  }
0x89: {  	s3 =	sld [smem:$0x3FFE];
	_ =	sdelay $0x1  }
0x8a: {  	s1 =	srdreg.scid  }
0x8b: {  	s0 =	sand.u32 $0x1, s1  }
0x8c: {  	s16 =	sshll.u32 s0, $0xA;
	s2 =	sadd.s32 s3, s2  }
0x8d: {  	s2 =	sadd.s32 s2, s16  }
0x8e: {  	[smem:$0x3FC6] =	sst s2  }
0x8f: {  	_ = 	snop  }
0x90: {  	(tm) =	ssettm $0x1  }
0x91: {  	s17 =	sld [smem:$0x3FFB];
	_ =	sdelay $0x3  }
0x92: {  	_ =	strace s17  }
0x93: {  	s2 =	sld [smem:$0x3FFC];
	_ =	sdelay $0x3  }
0x94: {  	_ =	strace s2  }
0x95: {  	s2 =	sld [smem:$0x3FFD];
	_ =	sdelay $0x3  }
0x96: {  	_ =	strace s2  }
0x97: {  	_ =	strace $0x8FFFFFFF  }
0x98: {  	s18 =	sld [smem:$0x3FDB];
	_ =	sdelay $0x1  }
0x99: {  	s19 =	simm.s32 $_scs_section_size  }
0x9a: {  	s4 =	simm.s32 $_size__tile_overlayer_lowered;
	s5 =	simm.s32 $_tile_overlayer_lowered  }
0x9b: {  	s22 =	simm.s32 $0x1BFF;
	s21 =	sshll.u32 s5, $0x1;
	s2 =	sadd.s32 s19, s18  }
0x9c: {  	s6 =	simm.s32 $0x0;
	s20 =	sshll.u32 s4, $0x1;
	s4 =	sadd.s32 s21, s2  }
0x9d: {  	[timem:s6], [sflag:s22] =	dma.local [hbm:s4], s20  }
0x9e: {  	_ =	swait.ge [sflag:s22], s20  }
0x9f: {  	s3 =	ssub.s32 $0x0, s20;
	[sflag:s22] =	ssyncset.done $0x0  }
0xa0: {  	[sflag:s22] =	ssyncadd.s32 s3;
	_ =	sdelay $0x1  }
0xa1: {  	s23 =	simm.s32 $0x1B8B  }
0xa2: {  	_ =	swait.ge [sflag:s23], $0x1  }
0xa3: {  	[sflag:s23] =	ssyncset.done $0x0  }
0xa4: {  	s25 =	simm.s32 $0x1B8E;
	s24 =	sld [smem:$0x3FFE];
	[sflag:s23] =	ssyncadd.s32 $0xFFFFFFFF  }
0xa5: {  	s26 =	simm.s32 $execute0_lowered;
	[smem:$0x3FD2] =	sst s25  }
0xa6: {  	s4 =	sshll.u32 s26, $0x1;
	_ =	strace $0x80000046;
	[dreg:$0x1] =	wrdreg $0xFFFFFFFF  }
0xa7: {  	s28 =	simm.s32 $_size_execute0_lowered;
	s2 =	sadd.s32 s2, s4;
	[dreg:$0x0] =	wrdreg $0x0  }
0xa8: {  	s4 =	sshll.u32 s28, $0x1;
	[dreg:$0x2] =	wrdreg s2  }
0xa9: {  	[dreg:$0x3] =	wrdreg s4  }
0xaa: {  	[dreg:$0x4] =	wrdreg $0xC0  }
0xab: {  	_ =	task [dreg:s6], $0x5FFFF  }
0xac: {  	[dreg:$0x1] =	wrdreg $0xFFFFFFFF  }
0xad: {  	[dreg:$0x0] =	wrdreg $0x60  }
0xae: {  	[dreg:$0x2] =	wrdreg s24  }
0xaf: {  	[dreg:$0x3] =	wrdreg $0x9  }
0xb0: {  	_ =	task.clear_ibuf [dreg:s6], $0x4FFFF;
	_ =	strace $0x90000046  }
0xb1: {  	s29 =	simm.s32 $0x9;
	_ =	strace $0x80000048  }
0xb2: {  	_ =	swait.ge [sflag:s29], $0x1  }
0xb3: {  	[sflag:s29] =	ssyncadd.s32 $0xFFFFFFFF  }
0xb4: {  	_ =	strace $0x90000048  }
0xb5: {  	_ =	sfence  }
0xb6: {  	s30 =	sld [smem:$0x0];
	_ =	sdelay $0x2  }
0xb7: {  	s31 =	sshll.u32 s1, $0xD;
	s1 =	sshrl.u32 s1, $0x2  }
0xb8: {  	s3 =	sand.u32 $0x4000, s31;
	s1 =	sadd.s32 s1, s30  }
0xb9: {  	s0 =	sor.u32 s3, s0;
	s1 =	sshll.u32 s1, $0x11  }
0xba: {  	s0 =	sor.u32 s1, s0  }
0xbb: {  	s0 =	sadd.s32 $0x8F2B, s0  }
0xbc: {  	[sflag:s0] =	ssyncadd.remote.s32 $0x1  }
0xbd: {  	_ =	sfence.sel $0xFFFF  }
0xbe: {  	[dreg:$0x0] =	wrdreg $0xFFFFFFFF;
	(pc) =	sbr.abs _section_cstart, $3  }
0xbf: {  	[dreg:$0x1] =	wrdreg $0xFFFFFFFF  }
0xc0: {  	_ =	task.clear_ibuf [dreg:s6], $0x2FFFF;
	_ =	strace $0x9FFFFFFF  }
0xc1: {  	(tm) =	ssettm $0x7FFFFFFF  }
tec
execute0_lowered:
.L_overlay_start_1:
0x0: {  	(tag) =	ssettag $0x1  }
0x1: {  	s1 =	srdreg.scid  }
0x2: {  	s0 =	stileid.u32;
	s16 =	sand.u32 $0x1, s1  }
0x3: {  	s31 =	sshll.u32 s0, $0xA;
	s3 =	sshll.u32 s16, $0x9  }
0x4: {  	s2 =	rddreg [dreg:$0x0];
	s17 =	sor.u32 s3, s31  }
0x5: {  	s1 =	rddreg [dreg:$0x1];
	s3 =	simm.s32 $0x0;
	s4 =	sshrl.u32 s17, $0x3  }
0x6: {  	[smem:$0x7FF] =	sst s3;
	s10 =	sadd.s32 s4, s2  }
0x7: {  	_ =	strace $0x80000047;
	s4 =	simm.s32 $0x2;
	s5 =	sadd.s32 $0x8000, s10  }
0x8: {  	[tilespmem:s3], [sflag:$0x2] =	stream.linear.gather [hbm4b:s5+s3], $0x80, $0x38;
	[tilespmem:$0x2200] =	vst v63  }
0x9: {  	_ =	swait.ge [sflag:s4], $0x80  }
0xa: {  	[sflag:s4] =	ssyncset.done $0x0  }
0xb: {  	s7 =	simm.s32 $0x80;
	s6 =	sadd.s32 $0x8010, s10;
	[sflag:s4] =	ssyncadd.s32 $0xFFFFFF80  }
0xc: {  	[tilespmem:s7], [sflag:$0x2] =	stream.linear.gather [hbm4b:s6+s3], $0x80, $0x38;
	[tilespmem:$0x2200] =	vst v63  }
0xd: {  	_ =	swait.ge [sflag:s4], $0x80  }
0xe: {  	[sflag:s4] =	ssyncset.done $0x0  }
0xf: {  	s9 =	simm.s32 $0x100;
	s8 =	sadd.s32 $0x8020, s10;
	[sflag:s4] =	ssyncadd.s32 $0xFFFFFF80  }
0x10: {  	[tilespmem:s9], [sflag:$0x2] =	stream.linear.gather [hbm4b:s8+s3], $0x80, $0x38;
	[tilespmem:$0x2200] =	vst v63  }
0x11: {  	_ =	swait.ge [sflag:s4], $0x80  }
0x12: {  	[sflag:s4] =	ssyncset.done $0x0  }
0x13: {  	s11 =	simm.s32 $0x180;
	s10 =	sadd.s32 $0x8030, s10;
	[sflag:s4] =	ssyncadd.s32 $0xFFFFFF80  }
0x14: {  	[tilespmem:s11], [sflag:$0x2] =	stream.linear.gather [hbm4b:s10+s3], $0x80, $0x38;
	[tilespmem:$0x2200] =	vst v63  }
0x15: {  	_ =	swait.ge [sflag:s4], $0x80  }
0x16: {  	[sflag:s4] =	ssyncset.done $0x0  }
0x17: {  	s12 =	simm.s32 $0x200;
	s13 =	simm.s32 $0x1;
	[sflag:s4] =	ssyncadd.s32 $0xFFFFFF80  }
0x18: {  	[tilespmem:s12], [sflag:$0x1] =	stream.indirect.gather [hbm4b:s2+s7], $0x10, s3, s7, $0xb8;
	[tilespmem:$0x2200] =	vst v63  }
0x19: {  	_ =	swait.ge [sflag:s13], $0x800  }
0x1a: {  	[sflag:s13] =	ssyncset.done $0x0  }
0x1b: {  	s14 =	simm.s32 $0xA00;
	[sflag:s13] =	ssyncadd.s32 $0xFFFFF800  }
0x1c: {  	[tilespmem:s14], [sflag:$0x1] =	stream.indirect.gather [hbm4b:s2+s7], $0x10, s7, s7, $0xb8;
	[tilespmem:$0x2200] =	vst v63  }
0x1d: {  	_ =	swait.ge [sflag:s13], $0x800  }
0x1e: {  	[sflag:s13] =	ssyncset.done $0x0  }
0x1f: {  	s15 =	simm.s32 $0x1200;
	s18 =	ssub.s32 $0x2, s16;
	[sflag:s13] =	ssyncadd.s32 $0xFFFFF800  }
0x20: {  	[tilespmem:s15], [sflag:$0x1] =	stream.indirect.gather [hbm4b:s2+s7], $0x10, s9, s7, $0xb8;
	[tilespmem:$0x2200] =	vst v63  }
0x21: {  	s19 =	sshrl.u32 s18, $0x1;
	_ =	swait.ge [sflag:s13], $0x800  }
0x22: {  	s18 =	ssub.s32 s18, s19;
	[sflag:s13] =	ssyncset.done $0x0  }
0x23: {  	s16 =	simm.s32 $0x1A00;
	s18 =	smax.u32 s18, $0x1;
	[sflag:s13] =	ssyncadd.s32 $0xFFFFF800  }
0x24: {  	[tilespmem:s16], [sflag:$0x1] =	stream.indirect.gather [hbm4b:s2+s7], $0x10, s11, s7, $0xb8;
	[tilespmem:$0x2200] =	vst v63  }
0x25: {  	s17 =	sshll.u32 s17, $0x1;
	p0 =	sne.s32 s18, $0x1;
	_ =	swait.ge [sflag:s13], $0x800  }
.Ltmp0:
0x26: {  	s17 =	sadd.s32 s17, s2;
	[sflag:s13] =	ssyncset.done $0x0;
	(pc) =	sbr.rel @!p0 .LBB2_2-.Ltmp0, $4  }
0x27: {  	s17 =	sadd.s32 $0x8800, s17;
	[sflag:s13] =	ssyncadd.s32 $0xFFFFF800  }
0x28: {  	[hbm4b:s17+s3] =	stream.linear.scatter [tilespmem:s12], [sflag:$0x2], $0x2000, $0x38;
	[tilespmem:$0x2200] =	vst v63  }
0x29: {  	_ =	swait.ge [sflag:s4], $0x2000  }
0x2a: {  	s18 =	sadd.s32 $0xFFFFFFFF, s18;
	[sflag:s4] =	ssyncset.done $0x0  }
.LBB2_1:
0x2b: {  	p0 =	sne.s32 s18, $0x1;
	s18 =	sadd.s32 $0xFFFFFFFF, s18;
	[sflag:s4] =	ssyncadd.s32 $0xFFFFE000  }
0x2c: {  	[tilespmem:s3], [sflag:$0x2] =	stream.linear.gather [hbm4b:s5+s3], $0x80, $0x38;
	[tilespmem:$0x2200] =	vst v63  }
0x2d: {  	_ =	swait.ge [sflag:s4], $0x80  }
0x2e: {  	[sflag:s4] =	ssyncset.done $0x0  }
0x2f: {  	[sflag:s4] =	ssyncadd.s32 $0xFFFFFF80  }
0x30: {  	[tilespmem:s7], [sflag:$0x2] =	stream.linear.gather [hbm4b:s6+s3], $0x80, $0x38;
	[tilespmem:$0x2200] =	vst v63  }
0x31: {  	_ =	swait.ge [sflag:s4], $0x80  }
0x32: {  	[sflag:s4] =	ssyncset.done $0x0  }
0x33: {  	[sflag:s4] =	ssyncadd.s32 $0xFFFFFF80  }
0x34: {  	[tilespmem:s9], [sflag:$0x2] =	stream.linear.gather [hbm4b:s8+s3], $0x80, $0x38;
	[tilespmem:$0x2200] =	vst v63  }
0x35: {  	_ =	swait.ge [sflag:s4], $0x80  }
0x36: {  	[sflag:s4] =	ssyncset.done $0x0  }
0x37: {  	[sflag:s4] =	ssyncadd.s32 $0xFFFFFF80  }
0x38: {  	[tilespmem:s11], [sflag:$0x2] =	stream.linear.gather [hbm4b:s10+s3], $0x80, $0x38;
	[tilespmem:$0x2200] =	vst v63  }
0x39: {  	_ =	swait.ge [sflag:s4], $0x80  }
0x3a: {  	[sflag:s4] =	ssyncset.done $0x0  }
0x3b: {  	[sflag:s4] =	ssyncadd.s32 $0xFFFFFF80  }
0x3c: {  	[tilespmem:s12], [sflag:$0x1] =	stream.indirect.gather [hbm4b:s2+s7], $0x10, s3, s7, $0xb8;
	[tilespmem:$0x2200] =	vst v63  }
0x3d: {  	_ =	swait.ge [sflag:s13], $0x800  }
0x3e: {  	[sflag:s13] =	ssyncset.done $0x0  }
0x3f: {  	[sflag:s13] =	ssyncadd.s32 $0xFFFFF800  }
0x40: {  	[tilespmem:s14], [sflag:$0x1] =	stream.indirect.gather [hbm4b:s2+s7], $0x10, s7, s7, $0xb8;
	[tilespmem:$0x2200] =	vst v63  }
0x41: {  	_ =	swait.ge [sflag:s13], $0x800  }
0x42: {  	[sflag:s13] =	ssyncset.done $0x0  }
0x43: {  	[sflag:s13] =	ssyncadd.s32 $0xFFFFF800  }
0x44: {  	[tilespmem:s15], [sflag:$0x1] =	stream.indirect.gather [hbm4b:s2+s7], $0x10, s9, s7, $0xb8;
	[tilespmem:$0x2200] =	vst v63  }
0x45: {  	_ =	swait.ge [sflag:s13], $0x800  }
0x46: {  	[sflag:s13] =	ssyncset.done $0x0  }
0x47: {  	[sflag:s13] =	ssyncadd.s32 $0xFFFFF800  }
0x48: {  	[tilespmem:s16], [sflag:$0x1] =	stream.indirect.gather [hbm4b:s2+s7], $0x10, s11, s7, $0xb8;
	[tilespmem:$0x2200] =	vst v63  }
0x49: {  	_ =	swait.ge [sflag:s13], $0x800  }
.Ltmp1:
0x4a: {  	[sflag:s13] =	ssyncset.done $0x0;
	(pc) =	sbr.rel @p0 .LBB2_1-.Ltmp1, $4  }
0x4b: {  	[sflag:s13] =	ssyncadd.s32 $0xFFFFF800  }
0x4c: {  	[hbm4b:s17+s3] =	stream.linear.scatter [tilespmem:s12], [sflag:$0x2], $0x2000, $0x38;
	[tilespmem:$0x2200] =	vst v63  }
0x4d: {  	_ =	swait.ge [sflag:s4], $0x2000  }
0x4e: {  	[sflag:s4] =	ssyncset.done $0x0  }
.LBB2_2:
0x4f: {  	[sflag:s4] =	ssyncadd.s32 $0xFFFFE000  }
0x50: {  	_ =	sfence.sel $0x180000  }
0x51: {  	[bflag:$0x0] =	sbarrier.arrive $0xFFFF  }
0x52: {  	p0 =	sne.s32 s0, $0x0;
	_ =	strace $0x90000047  }
0x53: {  	s0 =	sadd.s32 @!p0 $0x100000, s1;
	[bflag:$0x2] =	sbarrier.arrive $0xFFFF  }
0x54: {  	[sflag:s0] =	ssyncadd.tile.s32 @!p0 $0x1;
	_ =	shalt  }
.Lfunc_end2:
_tile_overlayer_lowered:
.L_overlay_start_2:
0x55: {  	(tag) =	ssettag $0x2  }
0x56: {  	s0 =	rddreg [dreg:$0x0];
	s2 =	stileid.u32  }
0x57: {  	s1 =	rddreg [dreg:$0x1];
	p0 =	sne.s32 s2, $0x0  }
0x58: {  	s3 =	rddreg [dreg:$0x2];
	[bflag:$0x3] =	sbarrier.arrive $0xFFFF;
	s2 =	simm.s32 @!p0 $0x1C02  }
0x59: {  	[timem:s3], [sflag:s2] =	dma.local @!p0 [hbm:s0], s1  }
0x5a: {  	s0 =	simm.s32 @!p0 $0x2  }
0x5b: {  	_ =	swait.ge @!p0 [sflag:s0], s1  }
0x5c: {  	s1 =	ssub.s32 @!p0 $0x0, s1;
	[sflag:s0] =	ssyncset.done @!p0 $0x0  }
0x5d: {  	[sflag:s0] =	ssyncadd.s32 @!p0 s1  }
0x5e: {  	[bflag:$0x3] =	sbarrier.arrive $0xFFFF  }
0x5f: {  	_ =	shalt  }

// kernel: kernel.21.cloned.1.call-start
scs
__scs_entry_jumppad:
0x0: {  	(pc) =	sbr.rel $0x88, $3  }
0x1: {  	(tag) =	ssettag $0x0;
	lr =	simm.s32 $0x1  }
0x2: {  	[smem:$0x3F9F] =	sst lr;
	_ =	strace $0xD0000000  }
0x3: {  	_ = 	snop  }
0x4: {  	_ = 	snop  }
0x5: {  	_ = 	snop  }
0x6: {  	_ = 	snop  }
0x7: {  	_ = 	snop  }
__scs_overlays_trampoline_lowered:
0x8: {  	[smem:$0x3FAE] =	sst s0  }
0x9: {  	[smem:$0x3FAF] =	sst s1  }
0xa: {  	[smem:$0x3FB0] =	sst s2  }
0xb: {  	[smem:$0x3FB1] =	sst s3  }
0xc: {  	[smem:$0x3FB2] =	sst s4  }
0xd: {  	[smem:$0x3FB3] =	sst s5  }
0xe: {  	[smem:$0x3FB4] =	sst s6  }
0xf: {  	[smem:$0x3FB5] =	sst s7  }
0x10: {  	[smem:$0x3FB6] =	sst s8  }
0x11: {  	[smem:$0x3FB7] =	sst s9;
	s0 =	simm.s32 @!p0 $0x0  }
0x12: {  	s1 =	sld [smem:$0x3F9D];
	s0 =	simm.s32 @p0 $0x1  }
0x13: {  	[smem:$0x3FB8] =	sst s0;
	s0 =	simm.s32 @!p1 $0x0  }
0x14: {  	s2 =	sld [smem:$0x3F9C];
	s0 =	simm.s32 @p1 $0x1  }
0x15: {  	[smem:$0x3FB9] =	sst s0;
	s0 =	simm.s32 @!p2 $0x0  }
0x16: {  	s3 =	sld [smem:$0x3FDB];
	s0 =	simm.s32 @p2 $0x1  }
0x17: {  	s4 =	simm.s32 $0x1BF5;
	[smem:$0x3FBB] =	sst s0  }
0x18: {  	s0 =	sld [smem:$0x3F9E];
	_ =	swait.ge [sflag:s4], $0x0  }
0x19: {  	s7 =	sld [smem:$0x3F9F]  }
0x1a: {  	s8 =	sadd.s32 $0xFFFFE003, lr  }
0x1b: {  	s9 =	sadd.s32 $0xFFFFFEF7, lr;
	s5 =	simm.s32 $0xFFFFFFFF;
	p2 =	slt.u32 s8, $0xFFFFF086  }
0x1c: {  	p1 =	slt.u32 s9, $0xF7A;
	s5 =	simm.s32 @!p2 $0x0  }
0x1d: {  	s5 =	simm.s32 @p1 $0x1;
	p0 =	seq.s32 s7, s2  }
0x1e: {  	s7 =	smul.u32 @!p0 $0xF7A, s2;
	p2 =	seq.s32 @!p0 s5, $0x0  }
0x1f: {  	s9 =	smul.u32 $0xF7A, s1;
	s8 =	simm.s32 @!p0 $0x1BF5;
	p2 =	por !p2, p0  }
0x20: {  	[sflag:s8] =	ssyncset.s32 @!p0 $0xFFFFF086;
	s6 =	sadd.s32 @!p0 s3, s7;
	s7 =	simm.s32 @!p0 $0x108  }
0x21: {  	s3 =	sadd.s32 s3, s9;
	s6 =	sadd.s32 @!p0 $0x88, s6;
	s7 =	simm.s32 @p2 $0x1082  }
0x22: {  	[simem:s7], [sflag:s8] =	dma.local @!p0 [hbm:s6], $0xF7A  }
0x23: {  	s9 =	sor.u32 $0xD0000000, s2;
	s6 =	simm.s32 $0x108;
	_ =	swait.ge @!p0 [sflag:s8], $0x0  }
0x24: {  	s3 =	sadd.s32 $0x88, s3;
	s6 =	simm.s32 @!p1 $0x1082;
	[sflag:s4] =	ssyncset.s32 $0xFFFFF086  }
0x25: {  	[simem:s6], [sflag:s4] =	dma.local [hbm:s3], $0xF7A  }
0x26: {  	[smem:$0x3F9F] =	sst s1;
	(tag) =	ssettag s2;
	_ =	strace s9  }
0x27: {  	s1 =	sld [smem:$0x3FAF]  }
0x28: {  	s2 =	sld [smem:$0x3FB0]  }
0x29: {  	s4 =	sld [smem:$0x3FB2]  }
0x2a: {  	p0 =	seq.s32 s5, $0x0;
	s5 =	sld [smem:$0x3FB3]  }
0x2b: {  	s6 =	sld [smem:$0x3FB4]  }
0x2c: {  	s7 =	sld [smem:$0x3FB5]  }
0x2d: {  	s3 =	simm.s32 $0x108;
	s8 =	sld [smem:$0x3FB6]  }
0x2e: {  	s3 =	simm.s32 @!p0 $0x1082;
	s9 =	sld [smem:$0x3FB7]  }
0x2f: {  	lr =	sadd.s32 s0, s3;
	s0 =	sld [smem:$0x3FAE]  }
0x30: {  	s3 =	sld [smem:$0x3FB1]  }
0x31: {  	[smem:$0x3FBA] =	sst s10  }
0x32: {  	s10 =	sld [smem:$0x3FB8];
	_ =	sdelay $0x3  }
0x33: {  	p0 =	seq.s32 s10, $0x1;
	s10 =	sld [smem:$0x3FBA];
	_ =	sdelay $0x3  }
0x34: {  	[smem:$0x3FBA] =	sst s10  }
0x35: {  	s10 =	sld [smem:$0x3FB9];
	_ =	sdelay $0x3  }
0x36: {  	p1 =	seq.s32 s10, $0x1;
	s10 =	sld [smem:$0x3FBA];
	_ =	sdelay $0x3  }
0x37: {  	[smem:$0x3FBA] =	sst s10  }
0x38: {  	s10 =	sld [smem:$0x3FBB]  }
0x39: {  	_ = 	snop;
	(pc) =	sbr.ind lr, $3  }
0x3a: {  	_ = 	snop  }
0x3b: {  	_ = 	snop  }
0x3c: {  	p2 =	seq.s32 s10, $0x1;
	s10 =	sld [smem:$0x3FBA]  }
0x3d: {  	_ =	shalt  }
0x3e: {  	_ =	shalt  }
0x3f: {  	_ =	shalt  }
0x40: {  	_ =	shalt  }
0x41: {  	_ =	shalt  }
0x42: {  	_ =	shalt  }
0x43: {  	_ =	shalt  }
0x44: {  	_ =	shalt  }
0x45: {  	_ =	shalt  }
0x46: {  	_ =	shalt  }
0x47: {  	_ =	shalt  }
0x48: {  	_ =	shalt  }
0x49: {  	_ =	shalt  }
0x4a: {  	_ =	shalt  }
0x4b: {  	_ =	shalt  }
0x4c: {  	_ =	shalt  }
0x4d: {  	_ =	shalt  }
0x4e: {  	_ =	shalt  }
0x4f: {  	_ =	shalt  }
0x50: {  	_ =	shalt  }
0x51: {  	_ =	shalt  }
0x52: {  	_ =	shalt  }
0x53: {  	_ =	shalt  }
0x54: {  	_ =	shalt  }
0x55: {  	_ =	shalt  }
0x56: {  	_ =	shalt  }
0x57: {  	_ =	shalt  }
0x58: {  	_ =	shalt  }
0x59: {  	_ =	shalt  }
0x5a: {  	_ =	shalt  }
0x5b: {  	_ =	shalt  }
0x5c: {  	_ =	shalt  }
0x5d: {  	_ =	shalt  }
0x5e: {  	_ =	shalt  }
0x5f: {  	_ =	shalt  }
0x60: {  	_ =	shalt  }
0x61: {  	_ =	shalt  }
0x62: {  	_ =	shalt  }
0x63: {  	_ =	shalt  }
0x64: {  	_ =	shalt  }
0x65: {  	_ =	shalt  }
0x66: {  	_ =	shalt  }
0x67: {  	_ =	shalt  }
0x68: {  	_ =	shalt  }
0x69: {  	_ =	shalt  }
0x6a: {  	_ =	shalt  }
0x6b: {  	_ =	shalt  }
0x6c: {  	_ =	shalt  }
0x6d: {  	_ =	shalt  }
0x6e: {  	_ =	shalt  }
0x6f: {  	_ =	shalt  }
0x70: {  	_ =	shalt  }
0x71: {  	_ =	shalt  }
0x72: {  	_ =	shalt  }
0x73: {  	_ =	shalt  }
0x74: {  	_ =	shalt  }
0x75: {  	_ =	shalt  }
0x76: {  	_ =	shalt  }
0x77: {  	_ =	shalt  }
0x78: {  	_ =	shalt  }
0x79: {  	_ =	shalt  }
0x7a: {  	_ =	shalt  }
0x7b: {  	_ =	shalt  }
0x7c: {  	_ =	shalt  }
0x7d: {  	_ =	shalt  }
0x7e: {  	_ =	shalt  }
0x7f: {  	_ =	shalt  }
0x80: {  	_ =	shalt  }
0x81: {  	_ =	shalt  }
0x82: {  	_ =	shalt  }
0x83: {  	_ =	shalt  }
0x84: {  	_ =	shalt  }
0x85: {  	_ =	shalt  }
0x86: {  	_ =	shalt  }
0x87: {  	_ =	shalt  }
.Lfunc_end0:
.L_simem_size_0:
called_computation.1_lowered:
.L_overlay_start_0:
0x88: {  	s2 =	sld [smem:$0x3FD9]  }
0x89: {  	s3 =	sld [smem:$0x3FFE];
	_ =	sdelay $0x1  }
0x8a: {  	s1 =	srdreg.scid  }
0x8b: {  	s0 =	sand.u32 $0x1, s1  }
0x8c: {  	s16 =	sshll.u32 s0, $0xA;
	s2 =	sadd.s32 s3, s2  }
0x8d: {  	s2 =	sadd.s32 s2, s16  }
0x8e: {  	[smem:$0x3FC6] =	sst s2  }
0x8f: {  	_ = 	snop  }
0x90: {  	(tm) =	ssettm $0x1  }
0x91: {  	s17 =	sld [smem:$0x3FFB];
	_ =	sdelay $0x3  }
0x92: {  	_ =	strace s17  }
0x93: {  	s2 =	sld [smem:$0x3FFC];
	_ =	sdelay $0x3  }
0x94: {  	_ =	strace s2  }
0x95: {  	s2 =	sld [smem:$0x3FFD];
	_ =	sdelay $0x3  }
0x96: {  	_ =	strace s2  }
0x97: {  	_ =	strace $0x8FFFFFFF  }
0x98: {  	s18 =	sld [smem:$0x3FDB];
	_ =	sdelay $0x1  }
0x99: {  	s19 =	simm.s32 $_scs_section_size  }
0x9a: {  	s4 =	simm.s32 $_size__tile_overlayer_lowered;
	s5 =	simm.s32 $_tile_overlayer_lowered  }
0x9b: {  	s22 =	simm.s32 $0x1BFF;
	s21 =	sshll.u32 s5, $0x1;
	s2 =	sadd.s32 s19, s18  }
0x9c: {  	s6 =	simm.s32 $0x0;
	s20 =	sshll.u32 s4, $0x1;
	s4 =	sadd.s32 s21, s2  }
0x9d: {  	[timem:s6], [sflag:s22] =	dma.local [hbm:s4], s20  }
0x9e: {  	_ =	swait.ge [sflag:s22], s20  }
0x9f: {  	s3 =	ssub.s32 $0x0, s20;
	[sflag:s22] =	ssyncset.done $0x0  }
0xa0: {  	[sflag:s22] =	ssyncadd.s32 s3;
	_ =	sdelay $0x1  }
0xa1: {  	s23 =	simm.s32 $0x1B8B  }
0xa2: {  	_ =	swait.ge [sflag:s23], $0x1  }
0xa3: {  	[sflag:s23] =	ssyncset.done $0x0  }
0xa4: {  	s25 =	simm.s32 $0x1B8E;
	s24 =	sld [smem:$0x3FFE];
	[sflag:s23] =	ssyncadd.s32 $0xFFFFFFFF  }
0xa5: {  	s26 =	simm.s32 $execute0_lowered;
	[smem:$0x3FD2] =	sst s25  }
0xa6: {  	s4 =	sshll.u32 s26, $0x1;
	_ =	strace $0x80000049;
	[dreg:$0x1] =	wrdreg $0xFFFFFFFF  }
0xa7: {  	s28 =	simm.s32 $_size_execute0_lowered;
	s2 =	sadd.s32 s2, s4;
	[dreg:$0x0] =	wrdreg $0x0  }
0xa8: {  	s4 =	sshll.u32 s28, $0x1;
	[dreg:$0x2] =	wrdreg s2  }
0xa9: {  	[dreg:$0x3] =	wrdreg s4  }
0xaa: {  	[dreg:$0x4] =	wrdreg $0xC0  }
0xab: {  	_ =	task [dreg:s6], $0x5FFFF  }
0xac: {  	[dreg:$0x1] =	wrdreg $0xFFFFFFFF  }
0xad: {  	[dreg:$0x0] =	wrdreg $0x60  }
0xae: {  	[dreg:$0x2] =	wrdreg s24  }
0xaf: {  	[dreg:$0x3] =	wrdreg $0x9  }
0xb0: {  	_ =	task.clear_ibuf [dreg:s6], $0x4FFFF;
	_ =	strace $0x90000049  }
0xb1: {  	s29 =	simm.s32 $0x9;
	_ =	strace $0x8000004B  }
0xb2: {  	_ =	swait.ge [sflag:s29], $0x1  }
0xb3: {  	[sflag:s29] =	ssyncadd.s32 $0xFFFFFFFF  }
0xb4: {  	_ =	strace $0x9000004B  }
0xb5: {  	_ =	sfence  }
0xb6: {  	s30 =	sld [smem:$0x0];
	_ =	sdelay $0x2  }
0xb7: {  	s31 =	sshll.u32 s1, $0xD;
	s1 =	sshrl.u32 s1, $0x2  }
0xb8: {  	s3 =	sand.u32 $0x4000, s31;
	s1 =	sadd.s32 s1, s30  }
0xb9: {  	s0 =	sor.u32 s3, s0;
	s1 =	sshll.u32 s1, $0x11  }
0xba: {  	s0 =	sor.u32 s1, s0  }
0xbb: {  	s0 =	sadd.s32 $0x8F2B, s0  }
0xbc: {  	[sflag:s0] =	ssyncadd.remote.s32 $0x1  }
0xbd: {  	_ =	sfence.sel $0xFFFF  }
0xbe: {  	[dreg:$0x0] =	wrdreg $0xFFFFFFFF;
	(pc) =	sbr.abs _section_cstart, $3  }
0xbf: {  	[dreg:$0x1] =	wrdreg $0xFFFFFFFF  }
0xc0: {  	_ =	task.clear_ibuf [dreg:s6], $0x2FFFF;
	_ =	strace $0x9FFFFFFF  }
0xc1: {  	(tm) =	ssettm $0x7FFFFFFF  }
tec
execute0_lowered:
.L_overlay_start_1:
0x0: {  	(tag) =	ssettag $0x1  }
0x1: {  	s1 =	srdreg.scid  }
0x2: {  	s0 =	stileid.u32;
	s16 =	sand.u32 $0x1, s1  }
0x3: {  	s31 =	sshll.u32 s0, $0xA;
	s3 =	sshll.u32 s16, $0x9  }
0x4: {  	s2 =	rddreg [dreg:$0x0];
	s17 =	sor.u32 s3, s31  }
0x5: {  	s1 =	rddreg [dreg:$0x1];
	s3 =	simm.s32 $0x0;
	s4 =	sshrl.u32 s17, $0x3  }
0x6: {  	[smem:$0x7FF] =	sst s3;
	s10 =	sadd.s32 s4, s2  }
0x7: {  	_ =	strace $0x8000004A;
	s4 =	simm.s32 $0x2;
	s5 =	sadd.s32 $0x8000, s10  }
0x8: {  	[tilespmem:s3], [sflag:$0x2] =	stream.linear.gather [hbm4b:s5+s3], $0x80, $0x38;
	[tilespmem:$0x2200] =	vst v63  }
0x9: {  	_ =	swait.ge [sflag:s4], $0x80  }
0xa: {  	[sflag:s4] =	ssyncset.done $0x0  }
0xb: {  	s7 =	simm.s32 $0x80;
	s6 =	sadd.s32 $0x8010, s10;
	[sflag:s4] =	ssyncadd.s32 $0xFFFFFF80  }
0xc: {  	[tilespmem:s7], [sflag:$0x2] =	stream.linear.gather [hbm4b:s6+s3], $0x80, $0x38;
	[tilespmem:$0x2200] =	vst v63  }
0xd: {  	_ =	swait.ge [sflag:s4], $0x80  }
0xe: {  	[sflag:s4] =	ssyncset.done $0x0  }
0xf: {  	s9 =	simm.s32 $0x100;
	s8 =	sadd.s32 $0x8020, s10;
	[sflag:s4] =	ssyncadd.s32 $0xFFFFFF80  }
0x10: {  	[tilespmem:s9], [sflag:$0x2] =	stream.linear.gather [hbm4b:s8+s3], $0x80, $0x38;
	[tilespmem:$0x2200] =	vst v63  }
0x11: {  	_ =	swait.ge [sflag:s4], $0x80  }
0x12: {  	[sflag:s4] =	ssyncset.done $0x0  }
0x13: {  	s11 =	simm.s32 $0x180;
	s10 =	sadd.s32 $0x8030, s10;
	[sflag:s4] =	ssyncadd.s32 $0xFFFFFF80  }
0x14: {  	[tilespmem:s11], [sflag:$0x2] =	stream.linear.gather [hbm4b:s10+s3], $0x80, $0x38;
	[tilespmem:$0x2200] =	vst v63  }
0x15: {  	_ =	swait.ge [sflag:s4], $0x80  }
0x16: {  	[sflag:s4] =	ssyncset.done $0x0  }
0x17: {  	s12 =	simm.s32 $0x200;
	s13 =	simm.s32 $0x1;
	[sflag:s4] =	ssyncadd.s32 $0xFFFFFF80  }
0x18: {  	[tilespmem:s12], [sflag:$0x1] =	stream.indirect.gather [hbm4b:s2+s7], $0x10, s3, s7, $0xb8;
	[tilespmem:$0x2200] =	vst v63  }
0x19: {  	_ =	swait.ge [sflag:s13], $0x800  }
0x1a: {  	[sflag:s13] =	ssyncset.done $0x0  }
0x1b: {  	s14 =	simm.s32 $0xA00;
	[sflag:s13] =	ssyncadd.s32 $0xFFFFF800  }
0x1c: {  	[tilespmem:s14], [sflag:$0x1] =	stream.indirect.gather [hbm4b:s2+s7], $0x10, s7, s7, $0xb8;
	[tilespmem:$0x2200] =	vst v63  }
0x1d: {  	_ =	swait.ge [sflag:s13], $0x800  }
0x1e: {  	[sflag:s13] =	ssyncset.done $0x0  }
0x1f: {  	s15 =	simm.s32 $0x1200;
	s18 =	ssub.s32 $0x2, s16;
	[sflag:s13] =	ssyncadd.s32 $0xFFFFF800  }
0x20: {  	[tilespmem:s15], [sflag:$0x1] =	stream.indirect.gather [hbm4b:s2+s7], $0x10, s9, s7, $0xb8;
	[tilespmem:$0x2200] =	vst v63  }
0x21: {  	s19 =	sshrl.u32 s18, $0x1;
	_ =	swait.ge [sflag:s13], $0x800  }
0x22: {  	s18 =	ssub.s32 s18, s19;
	[sflag:s13] =	ssyncset.done $0x0  }
0x23: {  	s16 =	simm.s32 $0x1A00;
	s18 =	smax.u32 s18, $0x1;
	[sflag:s13] =	ssyncadd.s32 $0xFFFFF800  }
0x24: {  	[tilespmem:s16], [sflag:$0x1] =	stream.indirect.gather [hbm4b:s2+s7], $0x10, s11, s7, $0xb8;
	[tilespmem:$0x2200] =	vst v63  }
0x25: {  	s17 =	sshll.u32 s17, $0x1;
	p0 =	sne.s32 s18, $0x1;
	_ =	swait.ge [sflag:s13], $0x800  }
.Ltmp0:
0x26: {  	s17 =	sadd.s32 s17, s2;
	[sflag:s13] =	ssyncset.done $0x0;
	(pc) =	sbr.rel @!p0 .LBB2_2-.Ltmp0, $4  }
0x27: {  	s17 =	sadd.s32 $0x8800, s17;
	[sflag:s13] =	ssyncadd.s32 $0xFFFFF800  }
0x28: {  	[hbm4b:s17+s3] =	stream.linear.scatter [tilespmem:s12], [sflag:$0x2], $0x2000, $0x38;
	[tilespmem:$0x2200] =	vst v63  }
0x29: {  	_ =	swait.ge [sflag:s4], $0x2000  }
0x2a: {  	s18 =	sadd.s32 $0xFFFFFFFF, s18;
	[sflag:s4] =	ssyncset.done $0x0  }
.LBB2_1:
0x2b: {  	p0 =	sne.s32 s18, $0x1;
	s18 =	sadd.s32 $0xFFFFFFFF, s18;
	[sflag:s4] =	ssyncadd.s32 $0xFFFFE000  }
0x2c: {  	[tilespmem:s3], [sflag:$0x2] =	stream.linear.gather [hbm4b:s5+s3], $0x80, $0x38;
	[tilespmem:$0x2200] =	vst v63  }
0x2d: {  	_ =	swait.ge [sflag:s4], $0x80  }
0x2e: {  	[sflag:s4] =	ssyncset.done $0x0  }
0x2f: {  	[sflag:s4] =	ssyncadd.s32 $0xFFFFFF80  }
0x30: {  	[tilespmem:s7], [sflag:$0x2] =	stream.linear.gather [hbm4b:s6+s3], $0x80, $0x38;
	[tilespmem:$0x2200] =	vst v63  }
0x31: {  	_ =	swait.ge [sflag:s4], $0x80  }
0x32: {  	[sflag:s4] =	ssyncset.done $0x0  }
0x33: {  	[sflag:s4] =	ssyncadd.s32 $0xFFFFFF80  }
0x34: {  	[tilespmem:s9], [sflag:$0x2] =	stream.linear.gather [hbm4b:s8+s3], $0x80, $0x38;
	[tilespmem:$0x2200] =	vst v63  }
0x35: {  	_ =	swait.ge [sflag:s4], $0x80  }
0x36: {  	[sflag:s4] =	ssyncset.done $0x0  }
0x37: {  	[sflag:s4] =	ssyncadd.s32 $0xFFFFFF80  }
0x38: {  	[tilespmem:s11], [sflag:$0x2] =	stream.linear.gather [hbm4b:s10+s3], $0x80, $0x38;
	[tilespmem:$0x2200] =	vst v63  }
0x39: {  	_ =	swait.ge [sflag:s4], $0x80  }
0x3a: {  	[sflag:s4] =	ssyncset.done $0x0  }
0x3b: {  	[sflag:s4] =	ssyncadd.s32 $0xFFFFFF80  }
0x3c: {  	[tilespmem:s12], [sflag:$0x1] =	stream.indirect.gather [hbm4b:s2+s7], $0x10, s3, s7, $0xb8;
	[tilespmem:$0x2200] =	vst v63  }
0x3d: {  	_ =	swait.ge [sflag:s13], $0x800  }
0x3e: {  	[sflag:s13] =	ssyncset.done $0x0  }
0x3f: {  	[sflag:s13] =	ssyncadd.s32 $0xFFFFF800  }
0x40: {  	[tilespmem:s14], [sflag:$0x1] =	stream.indirect.gather [hbm4b:s2+s7], $0x10, s7, s7, $0xb8;
	[tilespmem:$0x2200] =	vst v63  }
0x41: {  	_ =	swait.ge [sflag:s13], $0x800  }
0x42: {  	[sflag:s13] =	ssyncset.done $0x0  }
0x43: {  	[sflag:s13] =	ssyncadd.s32 $0xFFFFF800  }
0x44: {  	[tilespmem:s15], [sflag:$0x1] =	stream.indirect.gather [hbm4b:s2+s7], $0x10, s9, s7, $0xb8;
	[tilespmem:$0x2200] =	vst v63  }
0x45: {  	_ =	swait.ge [sflag:s13], $0x800  }
0x46: {  	[sflag:s13] =	ssyncset.done $0x0  }
0x47: {  	[sflag:s13] =	ssyncadd.s32 $0xFFFFF800  }
0x48: {  	[tilespmem:s16], [sflag:$0x1] =	stream.indirect.gather [hbm4b:s2+s7], $0x10, s11, s7, $0xb8;
	[tilespmem:$0x2200] =	vst v63  }
0x49: {  	_ =	swait.ge [sflag:s13], $0x800  }
.Ltmp1:
0x4a: {  	[sflag:s13] =	ssyncset.done $0x0;
	(pc) =	sbr.rel @p0 .LBB2_1-.Ltmp1, $4  }
0x4b: {  	[sflag:s13] =	ssyncadd.s32 $0xFFFFF800  }
0x4c: {  	[hbm4b:s17+s3] =	stream.linear.scatter [tilespmem:s12], [sflag:$0x2], $0x2000, $0x38;
	[tilespmem:$0x2200] =	vst v63  }
0x4d: {  	_ =	swait.ge [sflag:s4], $0x2000  }
0x4e: {  	[sflag:s4] =	ssyncset.done $0x0  }
.LBB2_2:
0x4f: {  	[sflag:s4] =	ssyncadd.s32 $0xFFFFE000  }
0x50: {  	_ =	sfence.sel $0x180000  }
0x51: {  	[bflag:$0x0] =	sbarrier.arrive $0xFFFF  }
0x52: {  	p0 =	sne.s32 s0, $0x0;
	_ =	strace $0x9000004A  }
0x53: {  	s0 =	sadd.s32 @!p0 $0x100000, s1;
	[bflag:$0x2] =	sbarrier.arrive $0xFFFF  }
0x54: {  	[sflag:s0] =	ssyncadd.tile.s32 @!p0 $0x1;
	_ =	shalt  }
.Lfunc_end2:
_tile_overlayer_lowered:
.L_overlay_start_2:
0x55: {  	(tag) =	ssettag $0x2  }
0x56: {  	s0 =	rddreg [dreg:$0x0];
	s2 =	stileid.u32  }
0x57: {  	s1 =	rddreg [dreg:$0x1];
	p0 =	sne.s32 s2, $0x0  }
0x58: {  	s3 =	rddreg [dreg:$0x2];
	[bflag:$0x3] =	sbarrier.arrive $0xFFFF;
	s2 =	simm.s32 @!p0 $0x1C02  }
0x59: {  	[timem:s3], [sflag:s2] =	dma.local @!p0 [hbm:s0], s1  }
0x5a: {  	s0 =	simm.s32 @!p0 $0x2  }
0x5b: {  	_ =	swait.ge @!p0 [sflag:s0], s1  }
0x5c: {  	s1 =	ssub.s32 @!p0 $0x0, s1;
	[sflag:s0] =	ssyncset.done @!p0 $0x0  }
0x5d: {  	[sflag:s0] =	ssyncadd.s32 @!p0 s1  }
0x5e: {  	[bflag:$0x3] =	sbarrier.arrive $0xFFFF  }
0x5f: {  	_ =	shalt  }

// kernel: kernel.24.cloned.1.call-start
scs
__scs_entry_jumppad:
0x0: {  	(pc) =	sbr.rel $0x88, $3  }
0x1: {  	(tag) =	ssettag $0x0;
	lr =	simm.s32 $0x1  }
0x2: {  	[smem:$0x3F9F] =	sst lr;
	_ =	strace $0xD0000000  }
0x3: {  	_ = 	snop  }
0x4: {  	_ = 	snop  }
0x5: {  	_ = 	snop  }
0x6: {  	_ = 	snop  }
0x7: {  	_ = 	snop  }
__scs_overlays_trampoline_lowered:
0x8: {  	[smem:$0x3FAE] =	sst s0  }
0x9: {  	[smem:$0x3FAF] =	sst s1  }
0xa: {  	[smem:$0x3FB0] =	sst s2  }
0xb: {  	[smem:$0x3FB1] =	sst s3  }
0xc: {  	[smem:$0x3FB2] =	sst s4  }
0xd: {  	[smem:$0x3FB3] =	sst s5  }
0xe: {  	[smem:$0x3FB4] =	sst s6  }
0xf: {  	[smem:$0x3FB5] =	sst s7  }
0x10: {  	[smem:$0x3FB6] =	sst s8  }
0x11: {  	[smem:$0x3FB7] =	sst s9;
	s0 =	simm.s32 @!p0 $0x0  }
0x12: {  	s1 =	sld [smem:$0x3F9D];
	s0 =	simm.s32 @p0 $0x1  }
0x13: {  	[smem:$0x3FB8] =	sst s0;
	s0 =	simm.s32 @!p1 $0x0  }
0x14: {  	s2 =	sld [smem:$0x3F9C];
	s0 =	simm.s32 @p1 $0x1  }
0x15: {  	[smem:$0x3FB9] =	sst s0;
	s0 =	simm.s32 @!p2 $0x0  }
0x16: {  	s3 =	sld [smem:$0x3FDB];
	s0 =	simm.s32 @p2 $0x1  }
0x17: {  	s4 =	simm.s32 $0x1BF5;
	[smem:$0x3FBB] =	sst s0  }
0x18: {  	s0 =	sld [smem:$0x3F9E];
	_ =	swait.ge [sflag:s4], $0x0  }
0x19: {  	s7 =	sld [smem:$0x3F9F]  }
0x1a: {  	s8 =	sadd.s32 $0xFFFFE003, lr  }
0x1b: {  	s9 =	sadd.s32 $0xFFFFFEF7, lr;
	s5 =	simm.s32 $0xFFFFFFFF;
	p2 =	slt.u32 s8, $0xFFFFF086  }
0x1c: {  	p1 =	slt.u32 s9, $0xF7A;
	s5 =	simm.s32 @!p2 $0x0  }
0x1d: {  	s5 =	simm.s32 @p1 $0x1;
	p0 =	seq.s32 s7, s2  }
0x1e: {  	s7 =	smul.u32 @!p0 $0xF7A, s2;
	p2 =	seq.s32 @!p0 s5, $0x0  }
0x1f: {  	s9 =	smul.u32 $0xF7A, s1;
	s8 =	simm.s32 @!p0 $0x1BF5;
	p2 =	por !p2, p0  }
0x20: {  	[sflag:s8] =	ssyncset.s32 @!p0 $0xFFFFF086;
	s6 =	sadd.s32 @!p0 s3, s7;
	s7 =	simm.s32 @!p0 $0x108  }
0x21: {  	s3 =	sadd.s32 s3, s9;
	s6 =	sadd.s32 @!p0 $0x88, s6;
	s7 =	simm.s32 @p2 $0x1082  }
0x22: {  	[simem:s7], [sflag:s8] =	dma.local @!p0 [hbm:s6], $0xF7A  }
0x23: {  	s9 =	sor.u32 $0xD0000000, s2;
	s6 =	simm.s32 $0x108;
	_ =	swait.ge @!p0 [sflag:s8], $0x0  }
0x24: {  	s3 =	sadd.s32 $0x88, s3;
	s6 =	simm.s32 @!p1 $0x1082;
	[sflag:s4] =	ssyncset.s32 $0xFFFFF086  }
0x25: {  	[simem:s6], [sflag:s4] =	dma.local [hbm:s3], $0xF7A  }
0x26: {  	[smem:$0x3F9F] =	sst s1;
	(tag) =	ssettag s2;
	_ =	strace s9  }
0x27: {  	s1 =	sld [smem:$0x3FAF]  }
0x28: {  	s2 =	sld [smem:$0x3FB0]  }
0x29: {  	s4 =	sld [smem:$0x3FB2]  }
0x2a: {  	p0 =	seq.s32 s5, $0x0;
	s5 =	sld [smem:$0x3FB3]  }
0x2b: {  	s6 =	sld [smem:$0x3FB4]  }
0x2c: {  	s7 =	sld [smem:$0x3FB5]  }
0x2d: {  	s3 =	simm.s32 $0x108;
	s8 =	sld [smem:$0x3FB6]  }
0x2e: {  	s3 =	simm.s32 @!p0 $0x1082;
	s9 =	sld [smem:$0x3FB7]  }
0x2f: {  	lr =	sadd.s32 s0, s3;
	s0 =	sld [smem:$0x3FAE]  }
0x30: {  	s3 =	sld [smem:$0x3FB1]  }
0x31: {  	[smem:$0x3FBA] =	sst s10  }
0x32: {  	s10 =	sld [smem:$0x3FB8];
	_ =	sdelay $0x3  }
0x33: {  	p0 =	seq.s32 s10, $0x1;
	s10 =	sld [smem:$0x3FBA];
	_ =	sdelay $0x3  }
0x34: {  	[smem:$0x3FBA] =	sst s10  }
0x35: {  	s10 =	sld [smem:$0x3FB9];
	_ =	sdelay $0x3  }
0x36: {  	p1 =	seq.s32 s10, $0x1;
	s10 =	sld [smem:$0x3FBA];
	_ =	sdelay $0x3  }
0x37: {  	[smem:$0x3FBA] =	sst s10  }
0x38: {  	s10 =	sld [smem:$0x3FBB]  }
0x39: {  	_ = 	snop;
	(pc) =	sbr.ind lr, $3  }
0x3a: {  	_ = 	snop  }
0x3b: {  	_ = 	snop  }
0x3c: {  	p2 =	seq.s32 s10, $0x1;
	s10 =	sld [smem:$0x3FBA]  }
0x3d: {  	_ =	shalt  }
0x3e: {  	_ =	shalt  }
0x3f: {  	_ =	shalt  }
0x40: {  	_ =	shalt  }
0x41: {  	_ =	shalt  }
0x42: {  	_ =	shalt  }
0x43: {  	_ =	shalt  }
0x44: {  	_ =	shalt  }
0x45: {  	_ =	shalt  }
0x46: {  	_ =	shalt  }
0x47: {  	_ =	shalt  }
0x48: {  	_ =	shalt  }
0x49: {  	_ =	shalt  }
0x4a: {  	_ =	shalt  }
0x4b: {  	_ =	shalt  }
0x4c: {  	_ =	shalt  }
0x4d: {  	_ =	shalt  }
0x4e: {  	_ =	shalt  }
0x4f: {  	_ =	shalt  }
0x50: {  	_ =	shalt  }
0x51: {  	_ =	shalt  }
0x52: {  	_ =	shalt  }
0x53: {  	_ =	shalt  }
0x54: {  	_ =	shalt  }
0x55: {  	_ =	shalt  }
0x56: {  	_ =	shalt  }
0x57: {  	_ =	shalt  }
0x58: {  	_ =	shalt  }
0x59: {  	_ =	shalt  }
0x5a: {  	_ =	shalt  }
0x5b: {  	_ =	shalt  }
0x5c: {  	_ =	shalt  }
0x5d: {  	_ =	shalt  }
0x5e: {  	_ =	shalt  }
0x5f: {  	_ =	shalt  }
0x60: {  	_ =	shalt  }
0x61: {  	_ =	shalt  }
0x62: {  	_ =	shalt  }
0x63: {  	_ =	shalt  }
0x64: {  	_ =	shalt  }
0x65: {  	_ =	shalt  }
0x66: {  	_ =	shalt  }
0x67: {  	_ =	shalt  }
0x68: {  	_ =	shalt  }
0x69: {  	_ =	shalt  }
0x6a: {  	_ =	shalt  }
0x6b: {  	_ =	shalt  }
0x6c: {  	_ =	shalt  }
0x6d: {  	_ =	shalt  }
0x6e: {  	_ =	shalt  }
0x6f: {  	_ =	shalt  }
0x70: {  	_ =	shalt  }
0x71: {  	_ =	shalt  }
0x72: {  	_ =	shalt  }
0x73: {  	_ =	shalt  }
0x74: {  	_ =	shalt  }
0x75: {  	_ =	shalt  }
0x76: {  	_ =	shalt  }
0x77: {  	_ =	shalt  }
0x78: {  	_ =	shalt  }
0x79: {  	_ =	shalt  }
0x7a: {  	_ =	shalt  }
0x7b: {  	_ =	shalt  }
0x7c: {  	_ =	shalt  }
0x7d: {  	_ =	shalt  }
0x7e: {  	_ =	shalt  }
0x7f: {  	_ =	shalt  }
0x80: {  	_ =	shalt  }
0x81: {  	_ =	shalt  }
0x82: {  	_ =	shalt  }
0x83: {  	_ =	shalt  }
0x84: {  	_ =	shalt  }
0x85: {  	_ =	shalt  }
0x86: {  	_ =	shalt  }
0x87: {  	_ =	shalt  }
.Lfunc_end0:
.L_simem_size_0:
called_computation.2_lowered:
.L_overlay_start_0:
0x88: {  	s2 =	sld [smem:$0x3FD9]  }
0x89: {  	s3 =	sld [smem:$0x3FFE];
	_ =	sdelay $0x1  }
0x8a: {  	s1 =	srdreg.scid  }
0x8b: {  	s0 =	sand.u32 $0x1, s1  }
0x8c: {  	s16 =	sshll.u32 s0, $0xA;
	s2 =	sadd.s32 s3, s2  }
0x8d: {  	s2 =	sadd.s32 s2, s16  }
0x8e: {  	[smem:$0x3FC6] =	sst s2  }
0x8f: {  	_ = 	snop  }
0x90: {  	(tm) =	ssettm $0x1  }
0x91: {  	s17 =	sld [smem:$0x3FFB];
	_ =	sdelay $0x3  }
0x92: {  	_ =	strace s17  }
0x93: {  	s2 =	sld [smem:$0x3FFC];
	_ =	sdelay $0x3  }
0x94: {  	_ =	strace s2  }
0x95: {  	s2 =	sld [smem:$0x3FFD];
	_ =	sdelay $0x3  }
0x96: {  	_ =	strace s2  }
0x97: {  	_ =	strace $0x8FFFFFFF  }
0x98: {  	s18 =	sld [smem:$0x3FDB];
	_ =	sdelay $0x1  }
0x99: {  	s19 =	simm.s32 $_scs_section_size  }
0x9a: {  	s4 =	simm.s32 $_size__tile_overlayer_lowered;
	s5 =	simm.s32 $_tile_overlayer_lowered  }
0x9b: {  	s22 =	simm.s32 $0x1BFF;
	s21 =	sshll.u32 s5, $0x1;
	s2 =	sadd.s32 s19, s18  }
0x9c: {  	s6 =	simm.s32 $0x0;
	s20 =	sshll.u32 s4, $0x1;
	s4 =	sadd.s32 s21, s2  }
0x9d: {  	[timem:s6], [sflag:s22] =	dma.local [hbm:s4], s20  }
0x9e: {  	_ =	swait.ge [sflag:s22], s20  }
0x9f: {  	s3 =	ssub.s32 $0x0, s20;
	[sflag:s22] =	ssyncset.done $0x0  }
0xa0: {  	[sflag:s22] =	ssyncadd.s32 s3;
	_ =	sdelay $0x1  }
0xa1: {  	s23 =	simm.s32 $0x1B8B  }
0xa2: {  	_ =	swait.ge [sflag:s23], $0x1  }
0xa3: {  	[sflag:s23] =	ssyncset.done $0x0  }
0xa4: {  	s25 =	simm.s32 $0x1B8E;
	s24 =	sld [smem:$0x3FFE];
	[sflag:s23] =	ssyncadd.s32 $0xFFFFFFFF  }
0xa5: {  	s26 =	simm.s32 $execute0_lowered;
	[smem:$0x3FD2] =	sst s25  }
0xa6: {  	s4 =	sshll.u32 s26, $0x1;
	_ =	strace $0x8000004C;
	[dreg:$0x1] =	wrdreg $0xFFFFFFFF  }
0xa7: {  	s28 =	simm.s32 $_size_execute0_lowered;
	s2 =	sadd.s32 s2, s4;
	[dreg:$0x0] =	wrdreg $0x0  }
0xa8: {  	s4 =	sshll.u32 s28, $0x1;
	[dreg:$0x2] =	wrdreg s2  }
0xa9: {  	[dreg:$0x3] =	wrdreg s4  }
0xaa: {  	[dreg:$0x4] =	wrdreg $0xC0  }
0xab: {  	_ =	task [dreg:s6], $0x5FFFF  }
0xac: {  	[dreg:$0x1] =	wrdreg $0xFFFFFFFF  }
0xad: {  	[dreg:$0x0] =	wrdreg $0x60  }
0xae: {  	[dreg:$0x2] =	wrdreg s24  }
0xaf: {  	[dreg:$0x3] =	wrdreg $0x9  }
0xb0: {  	_ =	task.clear_ibuf [dreg:s6], $0x4FFFF;
	_ =	strace $0x9000004C  }
0xb1: {  	s29 =	simm.s32 $0x9;
	_ =	strace $0x8000004E  }
0xb2: {  	_ =	swait.ge [sflag:s29], $0x1  }
0xb3: {  	[sflag:s29] =	ssyncadd.s32 $0xFFFFFFFF  }
0xb4: {  	_ =	strace $0x9000004E  }
0xb5: {  	_ =	sfence  }
0xb6: {  	s30 =	sld [smem:$0x0];
	_ =	sdelay $0x2  }
0xb7: {  	s31 =	sshll.u32 s1, $0xD;
	s1 =	sshrl.u32 s1, $0x2  }
0xb8: {  	s3 =	sand.u32 $0x4000, s31;
	s1 =	sadd.s32 s1, s30  }
0xb9: {  	s0 =	sor.u32 s3, s0;
	s1 =	sshll.u32 s1, $0x11  }
0xba: {  	s0 =	sor.u32 s1, s0  }
0xbb: {  	s0 =	sadd.s32 $0x8F2B, s0  }
0xbc: {  	[sflag:s0] =	ssyncadd.remote.s32 $0x1  }
0xbd: {  	_ =	sfence.sel $0xFFFF  }
0xbe: {  	[dreg:$0x0] =	wrdreg $0xFFFFFFFF;
	(pc) =	sbr.abs _section_cstart, $3  }
0xbf: {  	[dreg:$0x1] =	wrdreg $0xFFFFFFFF  }
0xc0: {  	_ =	task.clear_ibuf [dreg:s6], $0x2FFFF;
	_ =	strace $0x9FFFFFFF  }
0xc1: {  	(tm) =	ssettm $0x7FFFFFFF  }
tec
execute0_lowered:
.L_overlay_start_1:
0x0: {  	(tag) =	ssettag $0x1  }
0x1: {  	s1 =	srdreg.scid  }
0x2: {  	s0 =	stileid.u32;
	s16 =	sand.u32 $0x1, s1  }
0x3: {  	s31 =	sshll.u32 s0, $0xA;
	s3 =	sshll.u32 s16, $0x9  }
0x4: {  	s2 =	rddreg [dreg:$0x0];
	s17 =	sor.u32 s3, s31  }
0x5: {  	s1 =	rddreg [dreg:$0x1];
	s3 =	simm.s32 $0x0;
	s4 =	sshrl.u32 s17, $0x3  }
0x6: {  	[smem:$0x7FF] =	sst s3;
	s10 =	sadd.s32 s4, s2  }
0x7: {  	_ =	strace $0x8000004D;
	s4 =	simm.s32 $0x2;
	s5 =	sadd.s32 $0x8000, s10  }
0x8: {  	[tilespmem:s3], [sflag:$0x2] =	stream.linear.gather [hbm4b:s5+s3], $0x80, $0x38;
	[tilespmem:$0x2200] =	vst v63  }
0x9: {  	_ =	swait.ge [sflag:s4], $0x80  }
0xa: {  	[sflag:s4] =	ssyncset.done $0x0  }
0xb: {  	s7 =	simm.s32 $0x80;
	s6 =	sadd.s32 $0x8010, s10;
	[sflag:s4] =	ssyncadd.s32 $0xFFFFFF80  }
0xc: {  	[tilespmem:s7], [sflag:$0x2] =	stream.linear.gather [hbm4b:s6+s3], $0x80, $0x38;
	[tilespmem:$0x2200] =	vst v63  }
0xd: {  	_ =	swait.ge [sflag:s4], $0x80  }
0xe: {  	[sflag:s4] =	ssyncset.done $0x0  }
0xf: {  	s9 =	simm.s32 $0x100;
	s8 =	sadd.s32 $0x8020, s10;
	[sflag:s4] =	ssyncadd.s32 $0xFFFFFF80  }
0x10: {  	[tilespmem:s9], [sflag:$0x2] =	stream.linear.gather [hbm4b:s8+s3], $0x80, $0x38;
	[tilespmem:$0x2200] =	vst v63  }
0x11: {  	_ =	swait.ge [sflag:s4], $0x80  }
0x12: {  	[sflag:s4] =	ssyncset.done $0x0  }
0x13: {  	s11 =	simm.s32 $0x180;
	s10 =	sadd.s32 $0x8030, s10;
	[sflag:s4] =	ssyncadd.s32 $0xFFFFFF80  }
0x14: {  	[tilespmem:s11], [sflag:$0x2] =	stream.linear.gather [hbm4b:s10+s3], $0x80, $0x38;
	[tilespmem:$0x2200] =	vst v63  }
0x15: {  	_ =	swait.ge [sflag:s4], $0x80  }
0x16: {  	[sflag:s4] =	ssyncset.done $0x0  }
0x17: {  	s12 =	simm.s32 $0x200;
	s13 =	simm.s32 $0x1;
	[sflag:s4] =	ssyncadd.s32 $0xFFFFFF80  }
0x18: {  	[tilespmem:s12], [sflag:$0x1] =	stream.indirect.gather [hbm4b:s2+s7], $0x10, s3, s7, $0xb8;
	[tilespmem:$0x2200] =	vst v63  }
0x19: {  	_ =	swait.ge [sflag:s13], $0x800  }
0x1a: {  	[sflag:s13] =	ssyncset.done $0x0  }
0x1b: {  	s14 =	simm.s32 $0xA00;
	[sflag:s13] =	ssyncadd.s32 $0xFFFFF800  }
0x1c: {  	[tilespmem:s14], [sflag:$0x1] =	stream.indirect.gather [hbm4b:s2+s7], $0x10, s7, s7, $0xb8;
	[tilespmem:$0x2200] =	vst v63  }
0x1d: {  	_ =	swait.ge [sflag:s13], $0x800  }
0x1e: {  	[sflag:s13] =	ssyncset.done $0x0  }
0x1f: {  	s15 =	simm.s32 $0x1200;
	s18 =	ssub.s32 $0x2, s16;
	[sflag:s13] =	ssyncadd.s32 $0xFFFFF800  }
0x20: {  	[tilespmem:s15], [sflag:$0x1] =	stream.indirect.gather [hbm4b:s2+s7], $0x10, s9, s7, $0xb8;
	[tilespmem:$0x2200] =	vst v63  }
0x21: {  	s19 =	sshrl.u32 s18, $0x1;
	_ =	swait.ge [sflag:s13], $0x800  }
0x22: {  	s18 =	ssub.s32 s18, s19;
	[sflag:s13] =	ssyncset.done $0x0  }
0x23: {  	s16 =	simm.s32 $0x1A00;
	s18 =	smax.u32 s18, $0x1;
	[sflag:s13] =	ssyncadd.s32 $0xFFFFF800  }
0x24: {  	[tilespmem:s16], [sflag:$0x1] =	stream.indirect.gather [hbm4b:s2+s7], $0x10, s11, s7, $0xb8;
	[tilespmem:$0x2200] =	vst v63  }
0x25: {  	s17 =	sshll.u32 s17, $0x1;
	p0 =	sne.s32 s18, $0x1;
	_ =	swait.ge [sflag:s13], $0x800  }
.Ltmp0:
0x26: {  	s17 =	sadd.s32 s17, s2;
	[sflag:s13] =	ssyncset.done $0x0;
	(pc) =	sbr.rel @!p0 .LBB2_2-.Ltmp0, $4  }
0x27: {  	s17 =	sadd.s32 $0x8800, s17;
	[sflag:s13] =	ssyncadd.s32 $0xFFFFF800  }
0x28: {  	[hbm4b:s17+s3] =	stream.linear.scatter [tilespmem:s12], [sflag:$0x2], $0x2000, $0x38;
	[tilespmem:$0x2200] =	vst v63  }
0x29: {  	_ =	swait.ge [sflag:s4], $0x2000  }
0x2a: {  	s18 =	sadd.s32 $0xFFFFFFFF, s18;
	[sflag:s4] =	ssyncset.done $0x0  }
.LBB2_1:
0x2b: {  	p0 =	sne.s32 s18, $0x1;
	s18 =	sadd.s32 $0xFFFFFFFF, s18;
	[sflag:s4] =	ssyncadd.s32 $0xFFFFE000  }
0x2c: {  	[tilespmem:s3], [sflag:$0x2] =	stream.linear.gather [hbm4b:s5+s3], $0x80, $0x38;
	[tilespmem:$0x2200] =	vst v63  }
0x2d: {  	_ =	swait.ge [sflag:s4], $0x80  }
0x2e: {  	[sflag:s4] =	ssyncset.done $0x0  }
0x2f: {  	[sflag:s4] =	ssyncadd.s32 $0xFFFFFF80  }
0x30: {  	[tilespmem:s7], [sflag:$0x2] =	stream.linear.gather [hbm4b:s6+s3], $0x80, $0x38;
	[tilespmem:$0x2200] =	vst v63  }
0x31: {  	_ =	swait.ge [sflag:s4], $0x80  }
0x32: {  	[sflag:s4] =	ssyncset.done $0x0  }
0x33: {  	[sflag:s4] =	ssyncadd.s32 $0xFFFFFF80  }
0x34: {  	[tilespmem:s9], [sflag:$0x2] =	stream.linear.gather [hbm4b:s8+s3], $0x80, $0x38;
	[tilespmem:$0x2200] =	vst v63  }
0x35: {  	_ =	swait.ge [sflag:s4], $0x80  }
0x36: {  	[sflag:s4] =	ssyncset.done $0x0  }
0x37: {  	[sflag:s4] =	ssyncadd.s32 $0xFFFFFF80  }
0x38: {  	[tilespmem:s11], [sflag:$0x2] =	stream.linear.gather [hbm4b:s10+s3], $0x80, $0x38;
	[tilespmem:$0x2200] =	vst v63  }
0x39: {  	_ =	swait.ge [sflag:s4], $0x80  }
0x3a: {  	[sflag:s4] =	ssyncset.done $0x0  }
0x3b: {  	[sflag:s4] =	ssyncadd.s32 $0xFFFFFF80  }
0x3c: {  	[tilespmem:s12], [sflag:$0x1] =	stream.indirect.gather [hbm4b:s2+s7], $0x10, s3, s7, $0xb8;
	[tilespmem:$0x2200] =	vst v63  }
0x3d: {  	_ =	swait.ge [sflag:s13], $0x800  }
0x3e: {  	[sflag:s13] =	ssyncset.done $0x0  }
0x3f: {  	[sflag:s13] =	ssyncadd.s32 $0xFFFFF800  }
0x40: {  	[tilespmem:s14], [sflag:$0x1] =	stream.indirect.gather [hbm4b:s2+s7], $0x10, s7, s7, $0xb8;
	[tilespmem:$0x2200] =	vst v63  }
0x41: {  	_ =	swait.ge [sflag:s13], $0x800  }
0x42: {  	[sflag:s13] =	ssyncset.done $0x0  }
0x43: {  	[sflag:s13] =	ssyncadd.s32 $0xFFFFF800  }
0x44: {  	[tilespmem:s15], [sflag:$0x1] =	stream.indirect.gather [hbm4b:s2+s7], $0x10, s9, s7, $0xb8;
	[tilespmem:$0x2200] =	vst v63  }
0x45: {  	_ =	swait.ge [sflag:s13], $0x800  }
0x46: {  	[sflag:s13] =	ssyncset.done $0x0  }
0x47: {  	[sflag:s13] =	ssyncadd.s32 $0xFFFFF800  }
0x48: {  	[tilespmem:s16], [sflag:$0x1] =	stream.indirect.gather [hbm4b:s2+s7], $0x10, s11, s7, $0xb8;
	[tilespmem:$0x2200] =	vst v63  }
0x49: {  	_ =	swait.ge [sflag:s13], $0x800  }
.Ltmp1:
0x4a: {  	[sflag:s13] =	ssyncset.done $0x0;
	(pc) =	sbr.rel @p0 .LBB2_1-.Ltmp1, $4  }
0x4b: {  	[sflag:s13] =	ssyncadd.s32 $0xFFFFF800  }
0x4c: {  	[hbm4b:s17+s3] =	stream.linear.scatter [tilespmem:s12], [sflag:$0x2], $0x2000, $0x38;
	[tilespmem:$0x2200] =	vst v63  }
0x4d: {  	_ =	swait.ge [sflag:s4], $0x2000  }
0x4e: {  	[sflag:s4] =	ssyncset.done $0x0  }
.LBB2_2:
0x4f: {  	[sflag:s4] =	ssyncadd.s32 $0xFFFFE000  }
0x50: {  	_ =	sfence.sel $0x180000  }
0x51: {  	[bflag:$0x0] =	sbarrier.arrive $0xFFFF  }
0x52: {  	p0 =	sne.s32 s0, $0x0;
	_ =	strace $0x9000004D  }
0x53: {  	s0 =	sadd.s32 @!p0 $0x100000, s1;
	[bflag:$0x2] =	sbarrier.arrive $0xFFFF  }
0x54: {  	[sflag:s0] =	ssyncadd.tile.s32 @!p0 $0x1;
	_ =	shalt  }
.Lfunc_end2:
_tile_overlayer_lowered:
.L_overlay_start_2:
0x55: {  	(tag) =	ssettag $0x2  }
0x56: {  	s0 =	rddreg [dreg:$0x0];
	s2 =	stileid.u32  }
0x57: {  	s1 =	rddreg [dreg:$0x1];
	p0 =	sne.s32 s2, $0x0  }
0x58: {  	s3 =	rddreg [dreg:$0x2];
	[bflag:$0x3] =	sbarrier.arrive $0xFFFF;
	s2 =	simm.s32 @!p0 $0x1C02  }
0x59: {  	[timem:s3], [sflag:s2] =	dma.local @!p0 [hbm:s0], s1  }
0x5a: {  	s0 =	simm.s32 @!p0 $0x2  }
0x5b: {  	_ =	swait.ge @!p0 [sflag:s0], s1  }
0x5c: {  	s1 =	ssub.s32 @!p0 $0x0, s1;
	[sflag:s0] =	ssyncset.done @!p0 $0x0  }
0x5d: {  	[sflag:s0] =	ssyncadd.s32 @!p0 s1  }
0x5e: {  	[bflag:$0x3] =	sbarrier.arrive $0xFFFF  }
0x5f: {  	_ =	shalt  }

// kernel: kernel.27.cloned.1.call-start
scs
__scs_entry_jumppad:
0x0: {  	(pc) =	sbr.rel $0x88, $3  }
0x1: {  	(tag) =	ssettag $0x0;
	lr =	simm.s32 $0x1  }
0x2: {  	[smem:$0x3F9F] =	sst lr;
	_ =	strace $0xD0000000  }
0x3: {  	_ = 	snop  }
0x4: {  	_ = 	snop  }
0x5: {  	_ = 	snop  }
0x6: {  	_ = 	snop  }
0x7: {  	_ = 	snop  }
__scs_overlays_trampoline_lowered:
0x8: {  	[smem:$0x3FAE] =	sst s0  }
0x9: {  	[smem:$0x3FAF] =	sst s1  }
0xa: {  	[smem:$0x3FB0] =	sst s2  }
0xb: {  	[smem:$0x3FB1] =	sst s3  }
0xc: {  	[smem:$0x3FB2] =	sst s4  }
0xd: {  	[smem:$0x3FB3] =	sst s5  }
0xe: {  	[smem:$0x3FB4] =	sst s6  }
0xf: {  	[smem:$0x3FB5] =	sst s7  }
0x10: {  	[smem:$0x3FB6] =	sst s8  }
0x11: {  	[smem:$0x3FB7] =	sst s9;
	s0 =	simm.s32 @!p0 $0x0  }
0x12: {  	s1 =	sld [smem:$0x3F9D];
	s0 =	simm.s32 @p0 $0x1  }
0x13: {  	[smem:$0x3FB8] =	sst s0;
	s0 =	simm.s32 @!p1 $0x0  }
0x14: {  	s2 =	sld [smem:$0x3F9C];
	s0 =	simm.s32 @p1 $0x1  }
0x15: {  	[smem:$0x3FB9] =	sst s0;
	s0 =	simm.s32 @!p2 $0x0  }
0x16: {  	s3 =	sld [smem:$0x3FDB];
	s0 =	simm.s32 @p2 $0x1  }
0x17: {  	s4 =	simm.s32 $0x1BF5;
	[smem:$0x3FBB] =	sst s0  }
0x18: {  	s0 =	sld [smem:$0x3F9E];
	_ =	swait.ge [sflag:s4], $0x0  }
0x19: {  	s7 =	sld [smem:$0x3F9F]  }
0x1a: {  	s8 =	sadd.s32 $0xFFFFE003, lr  }
0x1b: {  	s9 =	sadd.s32 $0xFFFFFEF7, lr;
	s5 =	simm.s32 $0xFFFFFFFF;
	p2 =	slt.u32 s8, $0xFFFFF086  }
0x1c: {  	p1 =	slt.u32 s9, $0xF7A;
	s5 =	simm.s32 @!p2 $0x0  }
0x1d: {  	s5 =	simm.s32 @p1 $0x1;
	p0 =	seq.s32 s7, s2  }
0x1e: {  	s7 =	smul.u32 @!p0 $0xF7A, s2;
	p2 =	seq.s32 @!p0 s5, $0x0  }
0x1f: {  	s9 =	smul.u32 $0xF7A, s1;
	s8 =	simm.s32 @!p0 $0x1BF5;
	p2 =	por !p2, p0  }
0x20: {  	[sflag:s8] =	ssyncset.s32 @!p0 $0xFFFFF086;
	s6 =	sadd.s32 @!p0 s3, s7;
	s7 =	simm.s32 @!p0 $0x108  }
0x21: {  	s3 =	sadd.s32 s3, s9;
	s6 =	sadd.s32 @!p0 $0x88, s6;
	s7 =	simm.s32 @p2 $0x1082  }
0x22: {  	[simem:s7], [sflag:s8] =	dma.local @!p0 [hbm:s6], $0xF7A  }
0x23: {  	s9 =	sor.u32 $0xD0000000, s2;
	s6 =	simm.s32 $0x108;
	_ =	swait.ge @!p0 [sflag:s8], $0x0  }
0x24: {  	s3 =	sadd.s32 $0x88, s3;
	s6 =	simm.s32 @!p1 $0x1082;
	[sflag:s4] =	ssyncset.s32 $0xFFFFF086  }
0x25: {  	[simem:s6], [sflag:s4] =	dma.local [hbm:s3], $0xF7A  }
0x26: {  	[smem:$0x3F9F] =	sst s1;
	(tag) =	ssettag s2;
	_ =	strace s9  }
0x27: {  	s1 =	sld [smem:$0x3FAF]  }
0x28: {  	s2 =	sld [smem:$0x3FB0]  }
0x29: {  	s4 =	sld [smem:$0x3FB2]  }
0x2a: {  	p0 =	seq.s32 s5, $0x0;
	s5 =	sld [smem:$0x3FB3]  }
0x2b: {  	s6 =	sld [smem:$0x3FB4]  }
0x2c: {  	s7 =	sld [smem:$0x3FB5]  }
0x2d: {  	s3 =	simm.s32 $0x108;
	s8 =	sld [smem:$0x3FB6]  }
0x2e: {  	s3 =	simm.s32 @!p0 $0x1082;
	s9 =	sld [smem:$0x3FB7]  }
0x2f: {  	lr =	sadd.s32 s0, s3;
	s0 =	sld [smem:$0x3FAE]  }
0x30: {  	s3 =	sld [smem:$0x3FB1]  }
0x31: {  	[smem:$0x3FBA] =	sst s10  }
0x32: {  	s10 =	sld [smem:$0x3FB8];
	_ =	sdelay $0x3  }
0x33: {  	p0 =	seq.s32 s10, $0x1;
	s10 =	sld [smem:$0x3FBA];
	_ =	sdelay $0x3  }
0x34: {  	[smem:$0x3FBA] =	sst s10  }
0x35: {  	s10 =	sld [smem:$0x3FB9];
	_ =	sdelay $0x3  }
0x36: {  	p1 =	seq.s32 s10, $0x1;
	s10 =	sld [smem:$0x3FBA];
	_ =	sdelay $0x3  }
0x37: {  	[smem:$0x3FBA] =	sst s10  }
0x38: {  	s10 =	sld [smem:$0x3FBB]  }
0x39: {  	_ = 	snop;
	(pc) =	sbr.ind lr, $3  }
0x3a: {  	_ = 	snop  }
0x3b: {  	_ = 	snop  }
0x3c: {  	p2 =	seq.s32 s10, $0x1;
	s10 =	sld [smem:$0x3FBA]  }
0x3d: {  	_ =	shalt  }
0x3e: {  	_ =	shalt  }
0x3f: {  	_ =	shalt  }
0x40: {  	_ =	shalt  }
0x41: {  	_ =	shalt  }
0x42: {  	_ =	shalt  }
0x43: {  	_ =	shalt  }
0x44: {  	_ =	shalt  }
0x45: {  	_ =	shalt  }
0x46: {  	_ =	shalt  }
0x47: {  	_ =	shalt  }
0x48: {  	_ =	shalt  }
0x49: {  	_ =	shalt  }
0x4a: {  	_ =	shalt  }
0x4b: {  	_ =	shalt  }
0x4c: {  	_ =	shalt  }
0x4d: {  	_ =	shalt  }
0x4e: {  	_ =	shalt  }
0x4f: {  	_ =	shalt  }
0x50: {  	_ =	shalt  }
0x51: {  	_ =	shalt  }
0x52: {  	_ =	shalt  }
0x53: {  	_ =	shalt  }
0x54: {  	_ =	shalt  }
0x55: {  	_ =	shalt  }
0x56: {  	_ =	shalt  }
0x57: {  	_ =	shalt  }
0x58: {  	_ =	shalt  }
0x59: {  	_ =	shalt  }
0x5a: {  	_ =	shalt  }
0x5b: {  	_ =	shalt  }
0x5c: {  	_ =	shalt  }
0x5d: {  	_ =	shalt  }
0x5e: {  	_ =	shalt  }
0x5f: {  	_ =	shalt  }
0x60: {  	_ =	shalt  }
0x61: {  	_ =	shalt  }
0x62: {  	_ =	shalt  }
0x63: {  	_ =	shalt  }
0x64: {  	_ =	shalt  }
0x65: {  	_ =	shalt  }
0x66: {  	_ =	shalt  }
0x67: {  	_ =	shalt  }
0x68: {  	_ =	shalt  }
0x69: {  	_ =	shalt  }
0x6a: {  	_ =	shalt  }
0x6b: {  	_ =	shalt  }
0x6c: {  	_ =	shalt  }
0x6d: {  	_ =	shalt  }
0x6e: {  	_ =	shalt  }
0x6f: {  	_ =	shalt  }
0x70: {  	_ =	shalt  }
0x71: {  	_ =	shalt  }
0x72: {  	_ =	shalt  }
0x73: {  	_ =	shalt  }
0x74: {  	_ =	shalt  }
0x75: {  	_ =	shalt  }
0x76: {  	_ =	shalt  }
0x77: {  	_ =	shalt  }
0x78: {  	_ =	shalt  }
0x79: {  	_ =	shalt  }
0x7a: {  	_ =	shalt  }
0x7b: {  	_ =	shalt  }
0x7c: {  	_ =	shalt  }
0x7d: {  	_ =	shalt  }
0x7e: {  	_ =	shalt  }
0x7f: {  	_ =	shalt  }
0x80: {  	_ =	shalt  }
0x81: {  	_ =	shalt  }
0x82: {  	_ =	shalt  }
0x83: {  	_ =	shalt  }
0x84: {  	_ =	shalt  }
0x85: {  	_ =	shalt  }
0x86: {  	_ =	shalt  }
0x87: {  	_ =	shalt  }
.Lfunc_end0:
.L_simem_size_0:
called_computation.3_lowered:
.L_overlay_start_0:
0x88: {  	s2 =	sld [smem:$0x3FD9]  }
0x89: {  	s3 =	sld [smem:$0x3FFE];
	_ =	sdelay $0x1  }
0x8a: {  	s1 =	srdreg.scid  }
0x8b: {  	s0 =	sand.u32 $0x1, s1  }
0x8c: {  	s16 =	sshll.u32 s0, $0xA;
	s2 =	sadd.s32 s3, s2  }
0x8d: {  	s2 =	sadd.s32 s2, s16  }
0x8e: {  	[smem:$0x3FC6] =	sst s2  }
0x8f: {  	_ = 	snop  }
0x90: {  	(tm) =	ssettm $0x1  }
0x91: {  	s17 =	sld [smem:$0x3FFB];
	_ =	sdelay $0x3  }
0x92: {  	_ =	strace s17  }
0x93: {  	s2 =	sld [smem:$0x3FFC];
	_ =	sdelay $0x3  }
0x94: {  	_ =	strace s2  }
0x95: {  	s2 =	sld [smem:$0x3FFD];
	_ =	sdelay $0x3  }
0x96: {  	_ =	strace s2  }
0x97: {  	_ =	strace $0x8FFFFFFF  }
0x98: {  	s18 =	sld [smem:$0x3FDB];
	_ =	sdelay $0x1  }
0x99: {  	s19 =	simm.s32 $_scs_section_size  }
0x9a: {  	s4 =	simm.s32 $_size__tile_overlayer_lowered;
	s5 =	simm.s32 $_tile_overlayer_lowered  }
0x9b: {  	s22 =	simm.s32 $0x1BFF;
	s21 =	sshll.u32 s5, $0x1;
	s2 =	sadd.s32 s19, s18  }
0x9c: {  	s6 =	simm.s32 $0x0;
	s20 =	sshll.u32 s4, $0x1;
	s4 =	sadd.s32 s21, s2  }
0x9d: {  	[timem:s6], [sflag:s22] =	dma.local [hbm:s4], s20  }
0x9e: {  	_ =	swait.ge [sflag:s22], s20  }
0x9f: {  	s3 =	ssub.s32 $0x0, s20;
	[sflag:s22] =	ssyncset.done $0x0  }
0xa0: {  	[sflag:s22] =	ssyncadd.s32 s3;
	_ =	sdelay $0x1  }
0xa1: {  	s23 =	simm.s32 $0x1B8B  }
0xa2: {  	_ =	swait.ge [sflag:s23], $0x1  }
0xa3: {  	[sflag:s23] =	ssyncset.done $0x0  }
0xa4: {  	s25 =	simm.s32 $0x1B8E;
	s24 =	sld [smem:$0x3FFE];
	[sflag:s23] =	ssyncadd.s32 $0xFFFFFFFF  }
0xa5: {  	s26 =	simm.s32 $execute0_lowered;
	[smem:$0x3FD2] =	sst s25  }
0xa6: {  	s4 =	sshll.u32 s26, $0x1;
	_ =	strace $0x8000004F;
	[dreg:$0x1] =	wrdreg $0xFFFFFFFF  }
0xa7: {  	s28 =	simm.s32 $_size_execute0_lowered;
	s2 =	sadd.s32 s2, s4;
	[dreg:$0x0] =	wrdreg $0x0  }
0xa8: {  	s4 =	sshll.u32 s28, $0x1;
	[dreg:$0x2] =	wrdreg s2  }
0xa9: {  	[dreg:$0x3] =	wrdreg s4  }
0xaa: {  	[dreg:$0x4] =	wrdreg $0xC0  }
0xab: {  	_ =	task [dreg:s6], $0x5FFFF  }
0xac: {  	[dreg:$0x1] =	wrdreg $0xFFFFFFFF  }
0xad: {  	[dreg:$0x0] =	wrdreg $0x60  }
0xae: {  	[dreg:$0x2] =	wrdreg s24  }
0xaf: {  	[dreg:$0x3] =	wrdreg $0x9  }
0xb0: {  	_ =	task.clear_ibuf [dreg:s6], $0x4FFFF;
	_ =	strace $0x9000004F  }
0xb1: {  	s29 =	simm.s32 $0x9;
	_ =	strace $0x80000051  }
0xb2: {  	_ =	swait.ge [sflag:s29], $0x1  }
0xb3: {  	[sflag:s29] =	ssyncadd.s32 $0xFFFFFFFF  }
0xb4: {  	_ =	strace $0x90000051  }
0xb5: {  	_ =	sfence  }
0xb6: {  	s30 =	sld [smem:$0x0];
	_ =	sdelay $0x2  }
0xb7: {  	s31 =	sshll.u32 s1, $0xD;
	s1 =	sshrl.u32 s1, $0x2  }
0xb8: {  	s3 =	sand.u32 $0x4000, s31;
	s1 =	sadd.s32 s1, s30  }
0xb9: {  	s0 =	sor.u32 s3, s0;
	s1 =	sshll.u32 s1, $0x11  }
0xba: {  	s0 =	sor.u32 s1, s0  }
0xbb: {  	s0 =	sadd.s32 $0x8F2B, s0  }
0xbc: {  	[sflag:s0] =	ssyncadd.remote.s32 $0x1  }
0xbd: {  	_ =	sfence.sel $0xFFFF  }
0xbe: {  	[dreg:$0x0] =	wrdreg $0xFFFFFFFF;
	(pc) =	sbr.abs _section_cstart, $3  }
0xbf: {  	[dreg:$0x1] =	wrdreg $0xFFFFFFFF  }
0xc0: {  	_ =	task.clear_ibuf [dreg:s6], $0x2FFFF;
	_ =	strace $0x9FFFFFFF  }
0xc1: {  	(tm) =	ssettm $0x7FFFFFFF  }
tec
execute0_lowered:
.L_overlay_start_1:
0x0: {  	(tag) =	ssettag $0x1  }
0x1: {  	s1 =	srdreg.scid  }
0x2: {  	s0 =	stileid.u32;
	s16 =	sand.u32 $0x1, s1  }
0x3: {  	s31 =	sshll.u32 s0, $0xA;
	s3 =	sshll.u32 s16, $0x9  }
0x4: {  	s2 =	rddreg [dreg:$0x0];
	s17 =	sor.u32 s3, s31  }
0x5: {  	s1 =	rddreg [dreg:$0x1];
	s3 =	simm.s32 $0x0;
	s4 =	sshrl.u32 s17, $0x3  }
0x6: {  	[smem:$0x7FF] =	sst s3;
	s10 =	sadd.s32 s4, s2  }
0x7: {  	_ =	strace $0x80000050;
	s4 =	simm.s32 $0x2;
	s5 =	sadd.s32 $0x8000, s10  }
0x8: {  	[tilespmem:s3], [sflag:$0x2] =	stream.linear.gather [hbm4b:s5+s3], $0x80, $0x38;
	[tilespmem:$0x2200] =	vst v63  }
0x9: {  	_ =	swait.ge [sflag:s4], $0x80  }
0xa: {  	[sflag:s4] =	ssyncset.done $0x0  }
0xb: {  	s7 =	simm.s32 $0x80;
	s6 =	sadd.s32 $0x8010, s10;
	[sflag:s4] =	ssyncadd.s32 $0xFFFFFF80  }
0xc: {  	[tilespmem:s7], [sflag:$0x2] =	stream.linear.gather [hbm4b:s6+s3], $0x80, $0x38;
	[tilespmem:$0x2200] =	vst v63  }
0xd: {  	_ =	swait.ge [sflag:s4], $0x80  }
0xe: {  	[sflag:s4] =	ssyncset.done $0x0  }
0xf: {  	s9 =	simm.s32 $0x100;
	s8 =	sadd.s32 $0x8020, s10;
	[sflag:s4] =	ssyncadd.s32 $0xFFFFFF80  }
0x10: {  	[tilespmem:s9], [sflag:$0x2] =	stream.linear.gather [hbm4b:s8+s3], $0x80, $0x38;
	[tilespmem:$0x2200] =	vst v63  }
0x11: {  	_ =	swait.ge [sflag:s4], $0x80  }
0x12: {  	[sflag:s4] =	ssyncset.done $0x0  }
0x13: {  	s11 =	simm.s32 $0x180;
	s10 =	sadd.s32 $0x8030, s10;
	[sflag:s4] =	ssyncadd.s32 $0xFFFFFF80  }
0x14: {  	[tilespmem:s11], [sflag:$0x2] =	stream.linear.gather [hbm4b:s10+s3], $0x80, $0x38;
	[tilespmem:$0x2200] =	vst v63  }
0x15: {  	_ =	swait.ge [sflag:s4], $0x80  }
0x16: {  	[sflag:s4] =	ssyncset.done $0x0  }
0x17: {  	s12 =	simm.s32 $0x200;
	s13 =	simm.s32 $0x1;
	[sflag:s4] =	ssyncadd.s32 $0xFFFFFF80  }
0x18: {  	[tilespmem:s12], [sflag:$0x1] =	stream.indirect.gather [hbm4b:s2+s7], $0x10, s3, s7, $0xb8;
	[tilespmem:$0x2200] =	vst v63  }
0x19: {  	_ =	swait.ge [sflag:s13], $0x800  }
0x1a: {  	[sflag:s13] =	ssyncset.done $0x0  }
0x1b: {  	s14 =	simm.s32 $0xA00;
	[sflag:s13] =	ssyncadd.s32 $0xFFFFF800  }
0x1c: {  	[tilespmem:s14], [sflag:$0x1] =	stream.indirect.gather [hbm4b:s2+s7], $0x10, s7, s7, $0xb8;
	[tilespmem:$0x2200] =	vst v63  }
0x1d: {  	_ =	swait.ge [sflag:s13], $0x800  }
0x1e: {  	[sflag:s13] =	ssyncset.done $0x0  }
0x1f: {  	s15 =	simm.s32 $0x1200;
	s18 =	ssub.s32 $0x2, s16;
	[sflag:s13] =	ssyncadd.s32 $0xFFFFF800  }
0x20: {  	[tilespmem:s15], [sflag:$0x1] =	stream.indirect.gather [hbm4b:s2+s7], $0x10, s9, s7, $0xb8;
	[tilespmem:$0x2200] =	vst v63  }
0x21: {  	s19 =	sshrl.u32 s18, $0x1;
	_ =	swait.ge [sflag:s13], $0x800  }
0x22: {  	s18 =	ssub.s32 s18, s19;
	[sflag:s13] =	ssyncset.done $0x0  }
0x23: {  	s16 =	simm.s32 $0x1A00;
	s18 =	smax.u32 s18, $0x1;
	[sflag:s13] =	ssyncadd.s32 $0xFFFFF800  }
0x24: {  	[tilespmem:s16], [sflag:$0x1] =	stream.indirect.gather [hbm4b:s2+s7], $0x10, s11, s7, $0xb8;
	[tilespmem:$0x2200] =	vst v63  }
0x25: {  	s17 =	sshll.u32 s17, $0x1;
	p0 =	sne.s32 s18, $0x1;
	_ =	swait.ge [sflag:s13], $0x800  }
.Ltmp0:
0x26: {  	s17 =	sadd.s32 s17, s2;
	[sflag:s13] =	ssyncset.done $0x0;
	(pc) =	sbr.rel @!p0 .LBB2_2-.Ltmp0, $4  }
0x27: {  	s17 =	sadd.s32 $0x8800, s17;
	[sflag:s13] =	ssyncadd.s32 $0xFFFFF800  }
0x28: {  	[hbm4b:s17+s3] =	stream.linear.scatter [tilespmem:s12], [sflag:$0x2], $0x2000, $0x38;
	[tilespmem:$0x2200] =	vst v63  }
0x29: {  	_ =	swait.ge [sflag:s4], $0x2000  }
0x2a: {  	s18 =	sadd.s32 $0xFFFFFFFF, s18;
	[sflag:s4] =	ssyncset.done $0x0  }
.LBB2_1:
0x2b: {  	p0 =	sne.s32 s18, $0x1;
	s18 =	sadd.s32 $0xFFFFFFFF, s18;
	[sflag:s4] =	ssyncadd.s32 $0xFFFFE000  }
0x2c: {  	[tilespmem:s3], [sflag:$0x2] =	stream.linear.gather [hbm4b:s5+s3], $0x80, $0x38;
	[tilespmem:$0x2200] =	vst v63  }
0x2d: {  	_ =	swait.ge [sflag:s4], $0x80  }
0x2e: {  	[sflag:s4] =	ssyncset.done $0x0  }
0x2f: {  	[sflag:s4] =	ssyncadd.s32 $0xFFFFFF80  }
0x30: {  	[tilespmem:s7], [sflag:$0x2] =	stream.linear.gather [hbm4b:s6+s3], $0x80, $0x38;
	[tilespmem:$0x2200] =	vst v63  }
0x31: {  	_ =	swait.ge [sflag:s4], $0x80  }
0x32: {  	[sflag:s4] =	ssyncset.done $0x0  }
0x33: {  	[sflag:s4] =	ssyncadd.s32 $0xFFFFFF80  }
0x34: {  	[tilespmem:s9], [sflag:$0x2] =	stream.linear.gather [hbm4b:s8+s3], $0x80, $0x38;
	[tilespmem:$0x2200] =	vst v63  }
0x35: {  	_ =	swait.ge [sflag:s4], $0x80  }
0x36: {  	[sflag:s4] =	ssyncset.done $0x0  }
0x37: {  	[sflag:s4] =	ssyncadd.s32 $0xFFFFFF80  }
0x38: {  	[tilespmem:s11], [sflag:$0x2] =	stream.linear.gather [hbm4b:s10+s3], $0x80, $0x38;
	[tilespmem:$0x2200] =	vst v63  }
0x39: {  	_ =	swait.ge [sflag:s4], $0x80  }
0x3a: {  	[sflag:s4] =	ssyncset.done $0x0  }
0x3b: {  	[sflag:s4] =	ssyncadd.s32 $0xFFFFFF80  }
0x3c: {  	[tilespmem:s12], [sflag:$0x1] =	stream.indirect.gather [hbm4b:s2+s7], $0x10, s3, s7, $0xb8;
	[tilespmem:$0x2200] =	vst v63  }
0x3d: {  	_ =	swait.ge [sflag:s13], $0x800  }
0x3e: {  	[sflag:s13] =	ssyncset.done $0x0  }
0x3f: {  	[sflag:s13] =	ssyncadd.s32 $0xFFFFF800  }
0x40: {  	[tilespmem:s14], [sflag:$0x1] =	stream.indirect.gather [hbm4b:s2+s7], $0x10, s7, s7, $0xb8;
	[tilespmem:$0x2200] =	vst v63  }
0x41: {  	_ =	swait.ge [sflag:s13], $0x800  }
0x42: {  	[sflag:s13] =	ssyncset.done $0x0  }
0x43: {  	[sflag:s13] =	ssyncadd.s32 $0xFFFFF800  }
0x44: {  	[tilespmem:s15], [sflag:$0x1] =	stream.indirect.gather [hbm4b:s2+s7], $0x10, s9, s7, $0xb8;
	[tilespmem:$0x2200] =	vst v63  }
0x45: {  	_ =	swait.ge [sflag:s13], $0x800  }
0x46: {  	[sflag:s13] =	ssyncset.done $0x0  }
0x47: {  	[sflag:s13] =	ssyncadd.s32 $0xFFFFF800  }
0x48: {  	[tilespmem:s16], [sflag:$0x1] =	stream.indirect.gather [hbm4b:s2+s7], $0x10, s11, s7, $0xb8;
	[tilespmem:$0x2200] =	vst v63  }
0x49: {  	_ =	swait.ge [sflag:s13], $0x800  }
.Ltmp1:
0x4a: {  	[sflag:s13] =	ssyncset.done $0x0;
	(pc) =	sbr.rel @p0 .LBB2_1-.Ltmp1, $4  }
0x4b: {  	[sflag:s13] =	ssyncadd.s32 $0xFFFFF800  }
0x4c: {  	[hbm4b:s17+s3] =	stream.linear.scatter [tilespmem:s12], [sflag:$0x2], $0x2000, $0x38;
	[tilespmem:$0x2200] =	vst v63  }
0x4d: {  	_ =	swait.ge [sflag:s4], $0x2000  }
0x4e: {  	[sflag:s4] =	ssyncset.done $0x0  }
.LBB2_2:
0x4f: {  	[sflag:s4] =	ssyncadd.s32 $0xFFFFE000  }
0x50: {  	_ =	sfence.sel $0x180000  }
0x51: {  	[bflag:$0x0] =	sbarrier.arrive $0xFFFF  }
0x52: {  	p0 =	sne.s32 s0, $0x0;
	_ =	strace $0x90000050  }
0x53: {  	s0 =	sadd.s32 @!p0 $0x100000, s1;
	[bflag:$0x2] =	sbarrier.arrive $0xFFFF  }
0x54: {  	[sflag:s0] =	ssyncadd.tile.s32 @!p0 $0x1;
	_ =	shalt  }
.Lfunc_end2:
_tile_overlayer_lowered:
.L_overlay_start_2:
0x55: {  	(tag) =	ssettag $0x2  }
0x56: {  	s0 =	rddreg [dreg:$0x0];
	s2 =	stileid.u32  }
0x57: {  	s1 =	rddreg [dreg:$0x1];
	p0 =	sne.s32 s2, $0x0  }
0x58: {  	s3 =	rddreg [dreg:$0x2];
	[bflag:$0x3] =	sbarrier.arrive $0xFFFF;
	s2 =	simm.s32 @!p0 $0x1C02  }
0x59: {  	[timem:s3], [sflag:s2] =	dma.local @!p0 [hbm:s0], s1  }
0x5a: {  	s0 =	simm.s32 @!p0 $0x2  }
0x5b: {  	_ =	swait.ge @!p0 [sflag:s0], s1  }
0x5c: {  	s1 =	ssub.s32 @!p0 $0x0, s1;
	[sflag:s0] =	ssyncset.done @!p0 $0x0  }
0x5d: {  	[sflag:s0] =	ssyncadd.s32 @!p0 s1  }
0x5e: {  	[bflag:$0x3] =	sbarrier.arrive $0xFFFF  }
0x5f: {  	_ =	shalt  }

// kernel: kernel.30.cloned.1.call-start
scs
__scs_entry_jumppad:
0x0: {  	(pc) =	sbr.rel $0x88, $3  }
0x1: {  	(tag) =	ssettag $0x0;
	lr =	simm.s32 $0x1  }
0x2: {  	[smem:$0x3F9F] =	sst lr;
	_ =	strace $0xD0000000  }
0x3: {  	_ = 	snop  }
0x4: {  	_ = 	snop  }
0x5: {  	_ = 	snop  }
0x6: {  	_ = 	snop  }
0x7: {  	_ = 	snop  }
__scs_overlays_trampoline_lowered:
0x8: {  	[smem:$0x3FAE] =	sst s0  }
0x9: {  	[smem:$0x3FAF] =	sst s1  }
0xa: {  	[smem:$0x3FB0] =	sst s2  }
0xb: {  	[smem:$0x3FB1] =	sst s3  }
0xc: {  	[smem:$0x3FB2] =	sst s4  }
0xd: {  	[smem:$0x3FB3] =	sst s5  }
0xe: {  	[smem:$0x3FB4] =	sst s6  }
0xf: {  	[smem:$0x3FB5] =	sst s7  }
0x10: {  	[smem:$0x3FB6] =	sst s8  }
0x11: {  	[smem:$0x3FB7] =	sst s9;
	s0 =	simm.s32 @!p0 $0x0  }
0x12: {  	s1 =	sld [smem:$0x3F9D];
	s0 =	simm.s32 @p0 $0x1  }
0x13: {  	[smem:$0x3FB8] =	sst s0;
	s0 =	simm.s32 @!p1 $0x0  }
0x14: {  	s2 =	sld [smem:$0x3F9C];
	s0 =	simm.s32 @p1 $0x1  }
0x15: {  	[smem:$0x3FB9] =	sst s0;
	s0 =	simm.s32 @!p2 $0x0  }
0x16: {  	s3 =	sld [smem:$0x3FDB];
	s0 =	simm.s32 @p2 $0x1  }
0x17: {  	s4 =	simm.s32 $0x1BF5;
	[smem:$0x3FBB] =	sst s0  }
0x18: {  	s0 =	sld [smem:$0x3F9E];
	_ =	swait.ge [sflag:s4], $0x0  }
0x19: {  	s7 =	sld [smem:$0x3F9F]  }
0x1a: {  	s8 =	sadd.s32 $0xFFFFE003, lr  }
0x1b: {  	s9 =	sadd.s32 $0xFFFFFEF7, lr;
	s5 =	simm.s32 $0xFFFFFFFF;
	p2 =	slt.u32 s8, $0xFFFFF086  }
0x1c: {  	p1 =	slt.u32 s9, $0xF7A;
	s5 =	simm.s32 @!p2 $0x0  }
0x1d: {  	s5 =	simm.s32 @p1 $0x1;
	p0 =	seq.s32 s7, s2  }
0x1e: {  	s7 =	smul.u32 @!p0 $0xF7A, s2;
	p2 =	seq.s32 @!p0 s5, $0x0  }
0x1f: {  	s9 =	smul.u32 $0xF7A, s1;
	s8 =	simm.s32 @!p0 $0x1BF5;
	p2 =	por !p2, p0  }
0x20: {  	[sflag:s8] =	ssyncset.s32 @!p0 $0xFFFFF086;
	s6 =	sadd.s32 @!p0 s3, s7;
	s7 =	simm.s32 @!p0 $0x108  }
0x21: {  	s3 =	sadd.s32 s3, s9;
	s6 =	sadd.s32 @!p0 $0x88, s6;
	s7 =	simm.s32 @p2 $0x1082  }
0x22: {  	[simem:s7], [sflag:s8] =	dma.local @!p0 [hbm:s6], $0xF7A  }
0x23: {  	s9 =	sor.u32 $0xD0000000, s2;
	s6 =	simm.s32 $0x108;
	_ =	swait.ge @!p0 [sflag:s8], $0x0  }
0x24: {  	s3 =	sadd.s32 $0x88, s3;
	s6 =	simm.s32 @!p1 $0x1082;
	[sflag:s4] =	ssyncset.s32 $0xFFFFF086  }
0x25: {  	[simem:s6], [sflag:s4] =	dma.local [hbm:s3], $0xF7A  }
0x26: {  	[smem:$0x3F9F] =	sst s1;
	(tag) =	ssettag s2;
	_ =	strace s9  }
0x27: {  	s1 =	sld [smem:$0x3FAF]  }
0x28: {  	s2 =	sld [smem:$0x3FB0]  }
0x29: {  	s4 =	sld [smem:$0x3FB2]  }
0x2a: {  	p0 =	seq.s32 s5, $0x0;
	s5 =	sld [smem:$0x3FB3]  }
0x2b: {  	s6 =	sld [smem:$0x3FB4]  }
0x2c: {  	s7 =	sld [smem:$0x3FB5]  }
0x2d: {  	s3 =	simm.s32 $0x108;
	s8 =	sld [smem:$0x3FB6]  }
0x2e: {  	s3 =	simm.s32 @!p0 $0x1082;
	s9 =	sld [smem:$0x3FB7]  }
0x2f: {  	lr =	sadd.s32 s0, s3;
	s0 =	sld [smem:$0x3FAE]  }
0x30: {  	s3 =	sld [smem:$0x3FB1]  }
0x31: {  	[smem:$0x3FBA] =	sst s10  }
0x32: {  	s10 =	sld [smem:$0x3FB8];
	_ =	sdelay $0x3  }
0x33: {  	p0 =	seq.s32 s10, $0x1;
	s10 =	sld [smem:$0x3FBA];
	_ =	sdelay $0x3  }
0x34: {  	[smem:$0x3FBA] =	sst s10  }
0x35: {  	s10 =	sld [smem:$0x3FB9];
	_ =	sdelay $0x3  }
0x36: {  	p1 =	seq.s32 s10, $0x1;
	s10 =	sld [smem:$0x3FBA];
	_ =	sdelay $0x3  }
0x37: {  	[smem:$0x3FBA] =	sst s10  }
0x38: {  	s10 =	sld [smem:$0x3FBB]  }
0x39: {  	_ = 	snop;
	(pc) =	sbr.ind lr, $3  }
0x3a: {  	_ = 	snop  }
0x3b: {  	_ = 	snop  }
0x3c: {  	p2 =	seq.s32 s10, $0x1;
	s10 =	sld [smem:$0x3FBA]  }
0x3d: {  	_ =	shalt  }
0x3e: {  	_ =	shalt  }
0x3f: {  	_ =	shalt  }
0x40: {  	_ =	shalt  }
0x41: {  	_ =	shalt  }
0x42: {  	_ =	shalt  }
0x43: {  	_ =	shalt  }
0x44: {  	_ =	shalt  }
0x45: {  	_ =	shalt  }
0x46: {  	_ =	shalt  }
0x47: {  	_ =	shalt  }
0x48: {  	_ =	shalt  }
0x49: {  	_ =	shalt  }
0x4a: {  	_ =	shalt  }
0x4b: {  	_ =	shalt  }
0x4c: {  	_ =	shalt  }
0x4d: {  	_ =	shalt  }
0x4e: {  	_ =	shalt  }
0x4f: {  	_ =	shalt  }
0x50: {  	_ =	shalt  }
0x51: {  	_ =	shalt  }
0x52: {  	_ =	shalt  }
0x53: {  	_ =	shalt  }
0x54: {  	_ =	shalt  }
0x55: {  	_ =	shalt  }
0x56: {  	_ =	shalt  }
0x57: {  	_ =	shalt  }
0x58: {  	_ =	shalt  }
0x59: {  	_ =	shalt  }
0x5a: {  	_ =	shalt  }
0x5b: {  	_ =	shalt  }
0x5c: {  	_ =	shalt  }
0x5d: {  	_ =	shalt  }
0x5e: {  	_ =	shalt  }
0x5f: {  	_ =	shalt  }
0x60: {  	_ =	shalt  }
0x61: {  	_ =	shalt  }
0x62: {  	_ =	shalt  }
0x63: {  	_ =	shalt  }
0x64: {  	_ =	shalt  }
0x65: {  	_ =	shalt  }
0x66: {  	_ =	shalt  }
0x67: {  	_ =	shalt  }
0x68: {  	_ =	shalt  }
0x69: {  	_ =	shalt  }
0x6a: {  	_ =	shalt  }
0x6b: {  	_ =	shalt  }
0x6c: {  	_ =	shalt  }
0x6d: {  	_ =	shalt  }
0x6e: {  	_ =	shalt  }
0x6f: {  	_ =	shalt  }
0x70: {  	_ =	shalt  }
0x71: {  	_ =	shalt  }
0x72: {  	_ =	shalt  }
0x73: {  	_ =	shalt  }
0x74: {  	_ =	shalt  }
0x75: {  	_ =	shalt  }
0x76: {  	_ =	shalt  }
0x77: {  	_ =	shalt  }
0x78: {  	_ =	shalt  }
0x79: {  	_ =	shalt  }
0x7a: {  	_ =	shalt  }
0x7b: {  	_ =	shalt  }
0x7c: {  	_ =	shalt  }
0x7d: {  	_ =	shalt  }
0x7e: {  	_ =	shalt  }
0x7f: {  	_ =	shalt  }
0x80: {  	_ =	shalt  }
0x81: {  	_ =	shalt  }
0x82: {  	_ =	shalt  }
0x83: {  	_ =	shalt  }
0x84: {  	_ =	shalt  }
0x85: {  	_ =	shalt  }
0x86: {  	_ =	shalt  }
0x87: {  	_ =	shalt  }
.Lfunc_end0:
.L_simem_size_0:
called_computation.4_lowered:
.L_overlay_start_0:
0x88: {  	s2 =	sld [smem:$0x3FD9]  }
0x89: {  	s3 =	sld [smem:$0x3FFE];
	_ =	sdelay $0x1  }
0x8a: {  	s1 =	srdreg.scid  }
0x8b: {  	s0 =	sand.u32 $0x1, s1  }
0x8c: {  	s16 =	sshll.u32 s0, $0xA;
	s2 =	sadd.s32 s3, s2  }
0x8d: {  	s2 =	sadd.s32 s2, s16  }
0x8e: {  	[smem:$0x3FC6] =	sst s2  }
0x8f: {  	_ = 	snop  }
0x90: {  	(tm) =	ssettm $0x1  }
0x91: {  	s17 =	sld [smem:$0x3FFB];
	_ =	sdelay $0x3  }
0x92: {  	_ =	strace s17  }
0x93: {  	s2 =	sld [smem:$0x3FFC];
	_ =	sdelay $0x3  }
0x94: {  	_ =	strace s2  }
0x95: {  	s2 =	sld [smem:$0x3FFD];
	_ =	sdelay $0x3  }
0x96: {  	_ =	strace s2  }
0x97: {  	_ =	strace $0x8FFFFFFF  }
0x98: {  	s18 =	sld [smem:$0x3FDB];
	_ =	sdelay $0x1  }
0x99: {  	s19 =	simm.s32 $_scs_section_size  }
0x9a: {  	s4 =	simm.s32 $_size__tile_overlayer_lowered;
	s5 =	simm.s32 $_tile_overlayer_lowered  }
0x9b: {  	s22 =	simm.s32 $0x1BFF;
	s21 =	sshll.u32 s5, $0x1;
	s2 =	sadd.s32 s19, s18  }
0x9c: {  	s6 =	simm.s32 $0x0;
	s20 =	sshll.u32 s4, $0x1;
	s4 =	sadd.s32 s21, s2  }
0x9d: {  	[timem:s6], [sflag:s22] =	dma.local [hbm:s4], s20  }
0x9e: {  	_ =	swait.ge [sflag:s22], s20  }
0x9f: {  	s3 =	ssub.s32 $0x0, s20;
	[sflag:s22] =	ssyncset.done $0x0  }
0xa0: {  	[sflag:s22] =	ssyncadd.s32 s3;
	_ =	sdelay $0x1  }
0xa1: {  	s23 =	simm.s32 $0x1B8B  }
0xa2: {  	_ =	swait.ge [sflag:s23], $0x1  }
0xa3: {  	[sflag:s23] =	ssyncset.done $0x0  }
0xa4: {  	s25 =	simm.s32 $0x1B8E;
	s24 =	sld [smem:$0x3FFE];
	[sflag:s23] =	ssyncadd.s32 $0xFFFFFFFF  }
0xa5: {  	s26 =	simm.s32 $execute0_lowered;
	[smem:$0x3FD2] =	sst s25  }
0xa6: {  	s4 =	sshll.u32 s26, $0x1;
	_ =	strace $0x80000052;
	[dreg:$0x1] =	wrdreg $0xFFFFFFFF  }
0xa7: {  	s28 =	simm.s32 $_size_execute0_lowered;
	s2 =	sadd.s32 s2, s4;
	[dreg:$0x0] =	wrdreg $0x0  }
0xa8: {  	s4 =	sshll.u32 s28, $0x1;
	[dreg:$0x2] =	wrdreg s2  }
0xa9: {  	[dreg:$0x3] =	wrdreg s4  }
0xaa: {  	[dreg:$0x4] =	wrdreg $0xC0  }
0xab: {  	_ =	task [dreg:s6], $0x5FFFF  }
0xac: {  	[dreg:$0x1] =	wrdreg $0xFFFFFFFF  }
0xad: {  	[dreg:$0x0] =	wrdreg $0x60  }
0xae: {  	[dreg:$0x2] =	wrdreg s24  }
0xaf: {  	[dreg:$0x3] =	wrdreg $0x9  }
0xb0: {  	_ =	task.clear_ibuf [dreg:s6], $0x4FFFF;
	_ =	strace $0x90000052  }
0xb1: {  	s29 =	simm.s32 $0x9;
	_ =	strace $0x80000054  }
0xb2: {  	_ =	swait.ge [sflag:s29], $0x1  }
0xb3: {  	[sflag:s29] =	ssyncadd.s32 $0xFFFFFFFF  }
0xb4: {  	_ =	strace $0x90000054  }
0xb5: {  	_ =	sfence  }
0xb6: {  	s30 =	sld [smem:$0x0];
	_ =	sdelay $0x2  }
0xb7: {  	s31 =	sshll.u32 s1, $0xD;
	s1 =	sshrl.u32 s1, $0x2  }
0xb8: {  	s3 =	sand.u32 $0x4000, s31;
	s1 =	sadd.s32 s1, s30  }
0xb9: {  	s0 =	sor.u32 s3, s0;
	s1 =	sshll.u32 s1, $0x11  }
0xba: {  	s0 =	sor.u32 s1, s0  }
0xbb: {  	s0 =	sadd.s32 $0x8F2B, s0  }
0xbc: {  	[sflag:s0] =	ssyncadd.remote.s32 $0x1  }
0xbd: {  	_ =	sfence.sel $0xFFFF  }
0xbe: {  	[dreg:$0x0] =	wrdreg $0xFFFFFFFF;
	(pc) =	sbr.abs _section_cstart, $3  }
0xbf: {  	[dreg:$0x1] =	wrdreg $0xFFFFFFFF  }
0xc0: {  	_ =	task.clear_ibuf [dreg:s6], $0x2FFFF;
	_ =	strace $0x9FFFFFFF  }
0xc1: {  	(tm) =	ssettm $0x7FFFFFFF  }
tec
execute0_lowered:
.L_overlay_start_1:
0x0: {  	(tag) =	ssettag $0x1  }
0x1: {  	s1 =	srdreg.scid  }
0x2: {  	s0 =	stileid.u32;
	s16 =	sand.u32 $0x1, s1  }
0x3: {  	s31 =	sshll.u32 s0, $0xA;
	s3 =	sshll.u32 s16, $0x9  }
0x4: {  	s2 =	rddreg [dreg:$0x0];
	s17 =	sor.u32 s3, s31  }
0x5: {  	s1 =	rddreg [dreg:$0x1];
	s3 =	simm.s32 $0x0;
	s4 =	sshrl.u32 s17, $0x3  }
0x6: {  	[smem:$0x7FF] =	sst s3;
	s10 =	sadd.s32 s4, s2  }
0x7: {  	_ =	strace $0x80000053;
	s4 =	simm.s32 $0x2;
	s5 =	sadd.s32 $0x8000, s10  }
0x8: {  	[tilespmem:s3], [sflag:$0x2] =	stream.linear.gather [hbm4b:s5+s3], $0x80, $0x38;
	[tilespmem:$0x2200] =	vst v63  }
0x9: {  	_ =	swait.ge [sflag:s4], $0x80  }
0xa: {  	[sflag:s4] =	ssyncset.done $0x0  }
0xb: {  	s7 =	simm.s32 $0x80;
	s6 =	sadd.s32 $0x8010, s10;
	[sflag:s4] =	ssyncadd.s32 $0xFFFFFF80  }
0xc: {  	[tilespmem:s7], [sflag:$0x2] =	stream.linear.gather [hbm4b:s6+s3], $0x80, $0x38;
	[tilespmem:$0x2200] =	vst v63  }
0xd: {  	_ =	swait.ge [sflag:s4], $0x80  }
0xe: {  	[sflag:s4] =	ssyncset.done $0x0  }
0xf: {  	s9 =	simm.s32 $0x100;
	s8 =	sadd.s32 $0x8020, s10;
	[sflag:s4] =	ssyncadd.s32 $0xFFFFFF80  }
0x10: {  	[tilespmem:s9], [sflag:$0x2] =	stream.linear.gather [hbm4b:s8+s3], $0x80, $0x38;
	[tilespmem:$0x2200] =	vst v63  }
0x11: {  	_ =	swait.ge [sflag:s4], $0x80  }
0x12: {  	[sflag:s4] =	ssyncset.done $0x0  }
0x13: {  	s11 =	simm.s32 $0x180;
	s10 =	sadd.s32 $0x8030, s10;
	[sflag:s4] =	ssyncadd.s32 $0xFFFFFF80  }
0x14: {  	[tilespmem:s11], [sflag:$0x2] =	stream.linear.gather [hbm4b:s10+s3], $0x80, $0x38;
	[tilespmem:$0x2200] =	vst v63  }
0x15: {  	_ =	swait.ge [sflag:s4], $0x80  }
0x16: {  	[sflag:s4] =	ssyncset.done $0x0  }
0x17: {  	s12 =	simm.s32 $0x200;
	s13 =	simm.s32 $0x1;
	[sflag:s4] =	ssyncadd.s32 $0xFFFFFF80  }
0x18: {  	[tilespmem:s12], [sflag:$0x1] =	stream.indirect.gather [hbm4b:s2+s7], $0x10, s3, s7, $0xb8;
	[tilespmem:$0x2200] =	vst v63  }
0x19: {  	_ =	swait.ge [sflag:s13], $0x800  }
0x1a: {  	[sflag:s13] =	ssyncset.done $0x0  }
0x1b: {  	s14 =	simm.s32 $0xA00;
	[sflag:s13] =	ssyncadd.s32 $0xFFFFF800  }
0x1c: {  	[tilespmem:s14], [sflag:$0x1] =	stream.indirect.gather [hbm4b:s2+s7], $0x10, s7, s7, $0xb8;
	[tilespmem:$0x2200] =	vst v63  }
0x1d: {  	_ =	swait.ge [sflag:s13], $0x800  }
0x1e: {  	[sflag:s13] =	ssyncset.done $0x0  }
0x1f: {  	s15 =	simm.s32 $0x1200;
	s18 =	ssub.s32 $0x2, s16;
	[sflag:s13] =	ssyncadd.s32 $0xFFFFF800  }
0x20: {  	[tilespmem:s15], [sflag:$0x1] =	stream.indirect.gather [hbm4b:s2+s7], $0x10, s9, s7, $0xb8;
	[tilespmem:$0x2200] =	vst v63  }
0x21: {  	s19 =	sshrl.u32 s18, $0x1;
	_ =	swait.ge [sflag:s13], $0x800  }
0x22: {  	s18 =	ssub.s32 s18, s19;
	[sflag:s13] =	ssyncset.done $0x0  }
0x23: {  	s16 =	simm.s32 $0x1A00;
	s18 =	smax.u32 s18, $0x1;
	[sflag:s13] =	ssyncadd.s32 $0xFFFFF800  }
0x24: {  	[tilespmem:s16], [sflag:$0x1] =	stream.indirect.gather [hbm4b:s2+s7], $0x10, s11, s7, $0xb8;
	[tilespmem:$0x2200] =	vst v63  }
0x25: {  	s17 =	sshll.u32 s17, $0x1;
	p0 =	sne.s32 s18, $0x1;
	_ =	swait.ge [sflag:s13], $0x800  }
.Ltmp0:
0x26: {  	s17 =	sadd.s32 s17, s2;
	[sflag:s13] =	ssyncset.done $0x0;
	(pc) =	sbr.rel @!p0 .LBB2_2-.Ltmp0, $4  }
0x27: {  	s17 =	sadd.s32 $0x8800, s17;
	[sflag:s13] =	ssyncadd.s32 $0xFFFFF800  }
0x28: {  	[hbm4b:s17+s3] =	stream.linear.scatter [tilespmem:s12], [sflag:$0x2], $0x2000, $0x38;
	[tilespmem:$0x2200] =	vst v63  }
0x29: {  	_ =	swait.ge [sflag:s4], $0x2000  }
0x2a: {  	s18 =	sadd.s32 $0xFFFFFFFF, s18;
	[sflag:s4] =	ssyncset.done $0x0  }
.LBB2_1:
0x2b: {  	p0 =	sne.s32 s18, $0x1;
	s18 =	sadd.s32 $0xFFFFFFFF, s18;
	[sflag:s4] =	ssyncadd.s32 $0xFFFFE000  }
0x2c: {  	[tilespmem:s3], [sflag:$0x2] =	stream.linear.gather [hbm4b:s5+s3], $0x80, $0x38;
	[tilespmem:$0x2200] =	vst v63  }
0x2d: {  	_ =	swait.ge [sflag:s4], $0x80  }
0x2e: {  	[sflag:s4] =	ssyncset.done $0x0  }
0x2f: {  	[sflag:s4] =	ssyncadd.s32 $0xFFFFFF80  }
0x30: {  	[tilespmem:s7], [sflag:$0x2] =	stream.linear.gather [hbm4b:s6+s3], $0x80, $0x38;
	[tilespmem:$0x2200] =	vst v63  }
0x31: {  	_ =	swait.ge [sflag:s4], $0x80  }
0x32: {  	[sflag:s4] =	ssyncset.done $0x0  }
0x33: {  	[sflag:s4] =	ssyncadd.s32 $0xFFFFFF80  }
0x34: {  	[tilespmem:s9], [sflag:$0x2] =	stream.linear.gather [hbm4b:s8+s3], $0x80, $0x38;
	[tilespmem:$0x2200] =	vst v63  }
0x35: {  	_ =	swait.ge [sflag:s4], $0x80  }
0x36: {  	[sflag:s4] =	ssyncset.done $0x0  }
0x37: {  	[sflag:s4] =	ssyncadd.s32 $0xFFFFFF80  }
0x38: {  	[tilespmem:s11], [sflag:$0x2] =	stream.linear.gather [hbm4b:s10+s3], $0x80, $0x38;
	[tilespmem:$0x2200] =	vst v63  }
0x39: {  	_ =	swait.ge [sflag:s4], $0x80  }
0x3a: {  	[sflag:s4] =	ssyncset.done $0x0  }
0x3b: {  	[sflag:s4] =	ssyncadd.s32 $0xFFFFFF80  }
0x3c: {  	[tilespmem:s12], [sflag:$0x1] =	stream.indirect.gather [hbm4b:s2+s7], $0x10, s3, s7, $0xb8;
	[tilespmem:$0x2200] =	vst v63  }
0x3d: {  	_ =	swait.ge [sflag:s13], $0x800  }
0x3e: {  	[sflag:s13] =	ssyncset.done $0x0  }
0x3f: {  	[sflag:s13] =	ssyncadd.s32 $0xFFFFF800  }
0x40: {  	[tilespmem:s14], [sflag:$0x1] =	stream.indirect.gather [hbm4b:s2+s7], $0x10, s7, s7, $0xb8;
	[tilespmem:$0x2200] =	vst v63  }
0x41: {  	_ =	swait.ge [sflag:s13], $0x800  }
0x42: {  	[sflag:s13] =	ssyncset.done $0x0  }
0x43: {  	[sflag:s13] =	ssyncadd.s32 $0xFFFFF800  }
0x44: {  	[tilespmem:s15], [sflag:$0x1] =	stream.indirect.gather [hbm4b:s2+s7], $0x10, s9, s7, $0xb8;
	[tilespmem:$0x2200] =	vst v63  }
0x45: {  	_ =	swait.ge [sflag:s13], $0x800  }
0x46: {  	[sflag:s13] =	ssyncset.done $0x0  }
0x47: {  	[sflag:s13] =	ssyncadd.s32 $0xFFFFF800  }
0x48: {  	[tilespmem:s16], [sflag:$0x1] =	stream.indirect.gather [hbm4b:s2+s7], $0x10, s11, s7, $0xb8;
	[tilespmem:$0x2200] =	vst v63  }
0x49: {  	_ =	swait.ge [sflag:s13], $0x800  }
.Ltmp1:
0x4a: {  	[sflag:s13] =	ssyncset.done $0x0;
	(pc) =	sbr.rel @p0 .LBB2_1-.Ltmp1, $4  }
0x4b: {  	[sflag:s13] =	ssyncadd.s32 $0xFFFFF800  }
0x4c: {  	[hbm4b:s17+s3] =	stream.linear.scatter [tilespmem:s12], [sflag:$0x2], $0x2000, $0x38;
	[tilespmem:$0x2200] =	vst v63  }
0x4d: {  	_ =	swait.ge [sflag:s4], $0x2000  }
0x4e: {  	[sflag:s4] =	ssyncset.done $0x0  }
.LBB2_2:
0x4f: {  	[sflag:s4] =	ssyncadd.s32 $0xFFFFE000  }
0x50: {  	_ =	sfence.sel $0x180000  }
0x51: {  	[bflag:$0x0] =	sbarrier.arrive $0xFFFF  }
0x52: {  	p0 =	sne.s32 s0, $0x0;
	_ =	strace $0x90000053  }
0x53: {  	s0 =	sadd.s32 @!p0 $0x100000, s1;
	[bflag:$0x2] =	sbarrier.arrive $0xFFFF  }
0x54: {  	[sflag:s0] =	ssyncadd.tile.s32 @!p0 $0x1;
	_ =	shalt  }
.Lfunc_end2:
_tile_overlayer_lowered:
.L_overlay_start_2:
0x55: {  	(tag) =	ssettag $0x2  }
0x56: {  	s0 =	rddreg [dreg:$0x0];
	s2 =	stileid.u32  }
0x57: {  	s1 =	rddreg [dreg:$0x1];
	p0 =	sne.s32 s2, $0x0  }
0x58: {  	s3 =	rddreg [dreg:$0x2];
	[bflag:$0x3] =	sbarrier.arrive $0xFFFF;
	s2 =	simm.s32 @!p0 $0x1C02  }
0x59: {  	[timem:s3], [sflag:s2] =	dma.local @!p0 [hbm:s0], s1  }
0x5a: {  	s0 =	simm.s32 @!p0 $0x2  }
0x5b: {  	_ =	swait.ge @!p0 [sflag:s0], s1  }
0x5c: {  	s1 =	ssub.s32 @!p0 $0x0, s1;
	[sflag:s0] =	ssyncset.done @!p0 $0x0  }
0x5d: {  	[sflag:s0] =	ssyncadd.s32 @!p0 s1  }
0x5e: {  	[bflag:$0x3] =	sbarrier.arrive $0xFFFF  }
0x5f: {  	_ =	shalt  }

</sc_bundles>
